<compile_context>
chip_gen: v7x
topology: tpu7x:2x2x1
jax: 0.10.2.dev20260603
libtpu: 0.0.44.dev20260713+nightly
codegen_flags: <defaults>
</compile_context>

<pallas_src>
import functools

import jax
import jax.numpy as jnp
from jax import lax
from jax.experimental import pallas as pl
from jax.experimental.pallas import tpu as pltpu
from jax.experimental.pallas import tpu_sc as plsc

_BATCH = 4096
_FEAT = 512
_SCALE = 0.2

_NC = 2
_NS = 16
_NW = _NC * _NS
_ROWS_W = _BATCH // _NW
_CH = 8
_NCHUNK = _ROWS_W // _CH
_NBUF = 4
_NGRP = _NCHUNK // _NBUF
_LANES = 16
_VPR = _FEAT // _LANES


def _body(x_hbm, labels_hbm, centers_hbm, out_hbm,
          idx_all, c0, c1, c2, c3, x0, x1, x2, x3, accv,
          sc0, sc1, sc2, sc3, sx0, sx1, sx2, sx3):
    cbuf = (c0, c1, c2, c3)
    xbuf = (x0, x1, x2, x3)
    csem = (sc0, sc1, sc2, sc3)
    xsem = (sx0, sx1, sx2, sx3)

    wid = lax.axis_index("s") * _NC + lax.axis_index("c")
    base = wid * _ROWS_W

    pltpu.sync_copy(labels_hbm.at[pl.ds(base, _ROWS_W)], idx_all)

    def issue(i, b):
        pltpu.async_copy(
            centers_hbm.at[idx_all.at[pl.ds(i * _CH, _CH)]], cbuf[b], csem[b])
        pltpu.async_copy(x_hbm.at[pl.ds(base + i * _CH, _CH)],
                         xbuf[b], xsem[b])

    def wait(b):
        pltpu.make_async_copy(x_hbm.at[pl.ds(base, _CH)], cbuf[b], csem[b]).wait()
        pltpu.make_async_copy(x_hbm.at[pl.ds(base, _CH)], xbuf[b], xsem[b]).wait()

    for i in range(_NBUF - 1):
        issue(i, i)

    _NACC = 8
    accs = tuple(jnp.zeros((_LANES,), jnp.float32) for _ in range(_NACC))

    def grp_body(g, accs):
        for p in range(_NBUF):
            j = g * _NBUF + p + (_NBUF - 1)

            @pl.when(j < _NCHUNK)
            def _(j=j, p=p):
                issue(j, (p + _NBUF - 1) % _NBUF)

            wait(p)

            def row_body(r, accs, cb=cbuf[p], xb=xbuf[p]):
                accs = list(accs)
                for v in range(_VPR):
                    xv = xb[r, pl.ds(v * _LANES, _LANES)]
                    cv = cb[r, pl.ds(v * _LANES, _LANES)]
                    d = xv - cv
                    accs[v % _NACC] = accs[v % _NACC] + d * d
                return tuple(accs)

            accs = plsc.parallel_loop(0, _CH, unroll=2, carry=accs)(row_body)
        return accs

    accs = lax.fori_loop(0, _NGRP, grp_body, accs)

    acc = ((accs[0] + accs[1]) + (accs[2] + accs[3])) + \
          ((accs[4] + accs[5]) + (accs[6] + accs[7]))
    accv[...] = acc
    pltpu.sync_copy(accv, out_hbm.at[wid])


@jax.jit
def _partials(x, labels, centers):
    k = functools.partial(
        pl.kernel,
        mesh=plsc.VectorSubcoreMesh(core_axis_name="c", subcore_axis_name="s"),
        out_type=jax.ShapeDtypeStruct((_NW, _LANES), jnp.float32),
        scratch_types=[
            pltpu.VMEM((_ROWS_W,), jnp.int32),
            pltpu.VMEM((_CH, _FEAT), jnp.float32),
            pltpu.VMEM((_CH, _FEAT), jnp.float32),
            pltpu.VMEM((_CH, _FEAT), jnp.float32),
            pltpu.VMEM((_CH, _FEAT), jnp.float32),
            pltpu.VMEM((_CH, _FEAT), jnp.float32),
            pltpu.VMEM((_CH, _FEAT), jnp.float32),
            pltpu.VMEM((_CH, _FEAT), jnp.float32),
            pltpu.VMEM((_CH, _FEAT), jnp.float32),
            pltpu.VMEM((_LANES,), jnp.float32),
            pltpu.SemaphoreType.DMA,
            pltpu.SemaphoreType.DMA,
            pltpu.SemaphoreType.DMA,
            pltpu.SemaphoreType.DMA,
            pltpu.SemaphoreType.DMA,
            pltpu.SemaphoreType.DMA,
            pltpu.SemaphoreType.DMA,
            pltpu.SemaphoreType.DMA,
        ],
    )(_body)
    return k(x, labels, centers)


def kernel(x, individual_labels, individual_centers):
    labels = individual_labels.astype(jnp.int32)
    parts = _partials(x, labels, individual_centers)
    return (_SCALE / _BATCH) * jnp.sum(parts)

# --- scband reference (transcript-rebuilt; emitter-appended) ---
"""Pipeline reference for scband-individual-center-loss-67207648248329 (READ-ONLY COPY).

The authoritative reference and input builder live on the scoring server;
editing this copy changes nothing except your own understanding.
"""

import jax, jax.numpy as jnp
import numpy as np

NUM_INDIVIDUALS = 100000
FEAT_DIM = 512
LAMBDA_IC = 0.2
BATCH = 4096

def setup_inputs(seed: int = 0) -> dict:
    key = jax.random.key(seed)
    k1, k2, k3 = jax.random.split(key, 3)
    x = jax.random.normal(k1, (BATCH, FEAT_DIM), dtype=jnp.float32)
    individual_labels = jax.random.randint(k2, (BATCH,), 0, NUM_INDIVIDUALS, dtype=jnp.int64)
    individual_centers = jax.random.normal(k3, (NUM_INDIVIDUALS, FEAT_DIM), dtype=jnp.float32)
    return {"x": x, "individual_labels": individual_labels, "individual_centers": individual_centers}

def reference(x, individual_labels, individual_centers):
    centers_batch = jnp.take(individual_centers, individual_labels, axis=0)
    diff = x - centers_batch
    loss = jnp.mean(jnp.sum(diff * diff, axis=1))
    return LAMBDA_IC * loss

if __name__ == "__main__":
    import jax
    _d = setup_inputs()
    print(jax.jit(kernel)(*tuple(_d.values())))

</pallas_src>

<mosaic_0001>
#map = affine_map<(d0, d1) -> (0, 0)>
#map1 = affine_map<(d0, d1) -> (0)>
module attributes {stable_mosaic.version = 14 : i64} {
  func.func @_body(%arg0: i32, %arg1: i32, %arg2: memref<4096x512xf32, #tpu.memory_space<hbm>>, %arg3: memref<4096xi32, #tpu.memory_space<hbm>>, %arg4: memref<100000x512xf32, #tpu.memory_space<hbm>>, %arg5: memref<32x16xf32, #tpu.memory_space<hbm>>, %arg6: memref<128xi32, #tpu.memory_space<vmem>>, %arg7: memref<8x512xf32, #tpu.memory_space<vmem>>, %arg8: memref<8x512xf32, #tpu.memory_space<vmem>>, %arg9: memref<8x512xf32, #tpu.memory_space<vmem>>, %arg10: memref<8x512xf32, #tpu.memory_space<vmem>>, %arg11: memref<8x512xf32, #tpu.memory_space<vmem>>, %arg12: memref<8x512xf32, #tpu.memory_space<vmem>>, %arg13: memref<8x512xf32, #tpu.memory_space<vmem>>, %arg14: memref<8x512xf32, #tpu.memory_space<vmem>>, %arg15: memref<16xf32, #tpu.memory_space<vmem>>, %arg16: memref<!tpu.dma_semaphore, #tpu.memory_space<semaphore_mem>>, %arg17: memref<!tpu.dma_semaphore, #tpu.memory_space<semaphore_mem>>, %arg18: memref<!tpu.dma_semaphore, #tpu.memory_space<semaphore_mem>>, %arg19: memref<!tpu.dma_semaphore, #tpu.memory_space<semaphore_mem>>, %arg20: memref<!tpu.dma_semaphore, #tpu.memory_space<semaphore_mem>>, %arg21: memref<!tpu.dma_semaphore, #tpu.memory_space<semaphore_mem>>, %arg22: memref<!tpu.dma_semaphore, #tpu.memory_space<semaphore_mem>>, %arg23: memref<!tpu.dma_semaphore, #tpu.memory_space<semaphore_mem>>) attributes {dimension_semantics = [#tpu.dimension_semantics<core_parallel>, #tpu.dimension_semantics<subcore_parallel>], iteration_bounds = array<i64: 2, 16>, scalar_prefetch = 0 : i64, scratch_operands = 18 : i64, tpu.core_type = #tpu.core_type<sc_vector_subcore>, window_params = [{transform_indices = #map}, {transform_indices = #map1}, {transform_indices = #map}, {transform_indices = #map}]} {
    %mul3A = arith.constant 2 : i32
    %mul3A_0 = arith.muli %arg1, %mul3A : i32
    %add3A = arith.addi %mul3A_0, %arg0 : i32
    %mul3A_1 = arith.constant 128 : i32
    %mul3A_2 = arith.muli %add3A, %mul3A_1 : i32
    "tpu.region"() ({
      %run_scoped3A = tpu.sem_alloc : memref<!tpu.dma_semaphore, #tpu.memory_space<semaphore_mem>>
      %dma_start3A_65 = tpu.memref_slice %arg3[%mul3A_2] : memref<4096xi32, #tpu.memory_space<hbm>> -> memref<128xi32, #tpu.memory_space<hbm>>
      %dma_start3A_66 = tpu.memref_slice %arg3[%mul3A_2] : memref<4096xi32, #tpu.memory_space<hbm>> -> memref<128xi32, #tpu.memory_space<hbm>>
      tpu.enqueue_dma source(%dma_start3A_66 : memref<128xi32, #tpu.memory_space<hbm>>) target(%arg6 : memref<128xi32, #tpu.memory_space<vmem>>) target_semaphore(%run_scoped3A : memref<!tpu.dma_semaphore, #tpu.memory_space<semaphore_mem>>)
      %dma_wait3A = tpu.memref_slice %arg3[%mul3A_2] : memref<4096xi32, #tpu.memory_space<hbm>> -> memref<128xi32, #tpu.memory_space<hbm>>
      %dma_wait3A_67 = tpu.memref_slice %arg3[%mul3A_2] : memref<4096xi32, #tpu.memory_space<hbm>> -> memref<128xi32, #tpu.memory_space<hbm>>
      tpu.wait_dma2 semaphore(%run_scoped3A : memref<!tpu.dma_semaphore, #tpu.memory_space<semaphore_mem>>) src(%dma_wait3A_67 : memref<128xi32, #tpu.memory_space<hbm>>) dst(%arg6 : memref<128xi32, #tpu.memory_space<vmem>>)
      tpu.yield
    }) : () -> ()
    %dma_start3A = arith.constant 0 : i32
    %dma_start3A_3 = tpu.memref_slice %arg6[%dma_start3A] : memref<128xi32, #tpu.memory_space<vmem>> -> memref<8xi32, #tpu.memory_space<vmem>>
    %dma_start3A_4 = arith.constant 0 : i32
    %dma_start3A_5 = arith.constant 0 : i32
    %dma_start3A_6 = tpu.memref_slice %arg4[%dma_start3A_4, %dma_start3A_5] : memref<100000x512xf32, #tpu.memory_space<hbm>> -> memref<100000x512xf32, #tpu.memory_space<hbm>>
    tpu.enqueue_indirect_dma source(%dma_start3A_6 : memref<100000x512xf32, #tpu.memory_space<hbm>>) target(%arg7 : memref<8x512xf32, #tpu.memory_space<vmem>>) offsets(%dma_start3A_3 : memref<8xi32, #tpu.memory_space<vmem>>) semaphore(%arg16 : memref<!tpu.dma_semaphore, #tpu.memory_space<semaphore_mem>>)
    %add3A_7 = arith.constant 0 : i32
    %add3A_8 = arith.addi %mul3A_2, %add3A_7 : i32
    %dma_start3A_9 = arith.constant 0 : i32
    %dma_start3A_10 = tpu.memref_slice %arg2[%add3A_8, %dma_start3A_9] : memref<4096x512xf32, #tpu.memory_space<hbm>> -> memref<8x512xf32, #tpu.memory_space<hbm>>
    %dma_start3A_11 = arith.constant 0 : i32
    %dma_start3A_12 = tpu.memref_slice %arg2[%add3A_8, %dma_start3A_11] : memref<4096x512xf32, #tpu.memory_space<hbm>> -> memref<8x512xf32, #tpu.memory_space<hbm>>
    tpu.enqueue_dma source(%dma_start3A_12 : memref<8x512xf32, #tpu.memory_space<hbm>>) target(%arg11 : memref<8x512xf32, #tpu.memory_space<vmem>>) target_semaphore(%arg20 : memref<!tpu.dma_semaphore, #tpu.memory_space<semaphore_mem>>)
    %dma_start3A_13 = arith.constant 8 : i32
    %dma_start3A_14 = tpu.memref_slice %arg6[%dma_start3A_13] : memref<128xi32, #tpu.memory_space<vmem>> -> memref<8xi32, #tpu.memory_space<vmem>>
    %dma_start3A_15 = arith.constant 0 : i32
    %dma_start3A_16 = arith.constant 0 : i32
    %dma_start3A_17 = tpu.memref_slice %arg4[%dma_start3A_15, %dma_start3A_16] : memref<100000x512xf32, #tpu.memory_space<hbm>> -> memref<100000x512xf32, #tpu.memory_space<hbm>>
    tpu.enqueue_indirect_dma source(%dma_start3A_17 : memref<100000x512xf32, #tpu.memory_space<hbm>>) target(%arg8 : memref<8x512xf32, #tpu.memory_space<vmem>>) offsets(%dma_start3A_14 : memref<8xi32, #tpu.memory_space<vmem>>) semaphore(%arg17 : memref<!tpu.dma_semaphore, #tpu.memory_space<semaphore_mem>>)
    %add3A_18 = arith.constant 8 : i32
    %add3A_19 = arith.addi %mul3A_2, %add3A_18 : i32
    %dma_start3A_20 = arith.constant 0 : i32
    %dma_start3A_21 = tpu.memref_slice %arg2[%add3A_19, %dma_start3A_20] : memref<4096x512xf32, #tpu.memory_space<hbm>> -> memref<8x512xf32, #tpu.memory_space<hbm>>
    %dma_start3A_22 = arith.constant 0 : i32
    %dma_start3A_23 = tpu.memref_slice %arg2[%add3A_19, %dma_start3A_22] : memref<4096x512xf32, #tpu.memory_space<hbm>> -> memref<8x512xf32, #tpu.memory_space<hbm>>
    tpu.enqueue_dma source(%dma_start3A_23 : memref<8x512xf32, #tpu.memory_space<hbm>>) target(%arg12 : memref<8x512xf32, #tpu.memory_space<vmem>>) target_semaphore(%arg21 : memref<!tpu.dma_semaphore, #tpu.memory_space<semaphore_mem>>)
    %dma_start3A_24 = arith.constant 16 : i32
    %dma_start3A_25 = tpu.memref_slice %arg6[%dma_start3A_24] : memref<128xi32, #tpu.memory_space<vmem>> -> memref<8xi32, #tpu.memory_space<vmem>>
    %dma_start3A_26 = arith.constant 0 : i32
    %dma_start3A_27 = arith.constant 0 : i32
    %dma_start3A_28 = tpu.memref_slice %arg4[%dma_start3A_26, %dma_start3A_27] : memref<100000x512xf32, #tpu.memory_space<hbm>> -> memref<100000x512xf32, #tpu.memory_space<hbm>>
    tpu.enqueue_indirect_dma source(%dma_start3A_28 : memref<100000x512xf32, #tpu.memory_space<hbm>>) target(%arg9 : memref<8x512xf32, #tpu.memory_space<vmem>>) offsets(%dma_start3A_25 : memref<8xi32, #tpu.memory_space<vmem>>) semaphore(%arg18 : memref<!tpu.dma_semaphore, #tpu.memory_space<semaphore_mem>>)
    %add3A_29 = arith.constant 16 : i32
    %add3A_30 = arith.addi %mul3A_2, %add3A_29 : i32
    %dma_start3A_31 = arith.constant 0 : i32
    %dma_start3A_32 = tpu.memref_slice %arg2[%add3A_30, %dma_start3A_31] : memref<4096x512xf32, #tpu.memory_space<hbm>> -> memref<8x512xf32, #tpu.memory_space<hbm>>
    %dma_start3A_33 = arith.constant 0 : i32
    %dma_start3A_34 = tpu.memref_slice %arg2[%add3A_30, %dma_start3A_33] : memref<4096x512xf32, #tpu.memory_space<hbm>> -> memref<8x512xf32, #tpu.memory_space<hbm>>
    tpu.enqueue_dma source(%dma_start3A_34 : memref<8x512xf32, #tpu.memory_space<hbm>>) target(%arg13 : memref<8x512xf32, #tpu.memory_space<vmem>>) target_semaphore(%arg22 : memref<!tpu.dma_semaphore, #tpu.memory_space<semaphore_mem>>)
    %broadcast_in_dim3A = arith.constant 0.000000e+00 : f32
    %broadcast_in_dim3A_35 = vector.broadcast %broadcast_in_dim3A : f32 to vector<16xf32>
    %broadcast_in_dim3A_36 = arith.constant 0.000000e+00 : f32
    %broadcast_in_dim3A_37 = vector.broadcast %broadcast_in_dim3A_36 : f32 to vector<16xf32>
    %broadcast_in_dim3A_38 = arith.constant 0.000000e+00 : f32
    %broadcast_in_dim3A_39 = vector.broadcast %broadcast_in_dim3A_38 : f32 to vector<16xf32>
    %broadcast_in_dim3A_40 = arith.constant 0.000000e+00 : f32
    %broadcast_in_dim3A_41 = vector.broadcast %broadcast_in_dim3A_40 : f32 to vector<16xf32>
    %broadcast_in_dim3A_42 = arith.constant 0.000000e+00 : f32
    %broadcast_in_dim3A_43 = vector.broadcast %broadcast_in_dim3A_42 : f32 to vector<16xf32>
    %broadcast_in_dim3A_44 = arith.constant 0.000000e+00 : f32
    %broadcast_in_dim3A_45 = vector.broadcast %broadcast_in_dim3A_44 : f32 to vector<16xf32>
    %broadcast_in_dim3A_46 = arith.constant 0.000000e+00 : f32
    %broadcast_in_dim3A_47 = vector.broadcast %broadcast_in_dim3A_46 : f32 to vector<16xf32>
    %broadcast_in_dim3A_48 = arith.constant 0.000000e+00 : f32
    %broadcast_in_dim3A_49 = vector.broadcast %broadcast_in_dim3A_48 : f32 to vector<16xf32>
    %scan3A = arith.constant 0 : i32
    %scan3A_50 = arith.constant 4 : i32
    %scan3A_51 = arith.addi %scan3A, %scan3A_50 : i32
    %scan3A_52 = arith.constant 1 : i32
    %scan3A_53:8 = scf.for %scan3A_65 = %scan3A to %scan3A_51 step %scan3A_52 iter_args(%scan3A_66 = %broadcast_in_dim3A_35, %scan3A_67 = %broadcast_in_dim3A_37, %scan3A_68 = %broadcast_in_dim3A_39, %scan3A_69 = %broadcast_in_dim3A_41, %scan3A_70 = %broadcast_in_dim3A_43, %scan3A_71 = %broadcast_in_dim3A_45, %scan3A_72 = %broadcast_in_dim3A_47, %scan3A_73 = %broadcast_in_dim3A_49) -> (vector<16xf32>, vector<16xf32>, vector<16xf32>, vector<16xf32>, vector<16xf32>, vector<16xf32>, vector<16xf32>, vector<16xf32>)  : i32 {
      %mul3A_74 = arith.constant 4 : i32
      %mul3A_75 = arith.muli %scan3A_65, %mul3A_74 : i32
      %add3A_76 = arith.constant 0 : i32
      %add3A_77 = arith.addi %mul3A_75, %add3A_76 : i32
      %add3A_78 = arith.constant 3 : i32
      %add3A_79 = arith.addi %add3A_77, %add3A_78 : i32
      %lt3A = arith.constant 16 : i32
      %lt3A_80 = arith.cmpi slt, %add3A_79, %lt3A : i32
      %convert_element_type3A = arith.extui %lt3A_80 : i1 to i32
      %cond3A = arith.constant 0 : i32
      %cond3A_81 = arith.cmpi ne, %convert_element_type3A, %cond3A : i32
      scf.if %cond3A_81 {
        %mul3A_161 = arith.constant 8 : i32
        %mul3A_162 = arith.muli %add3A_79, %mul3A_161 : i32
        %dma_start3A_163 = tpu.memref_slice %arg6[%mul3A_162] : memref<128xi32, #tpu.memory_space<vmem>> -> memref<8xi32, #tpu.memory_space<vmem>>
        %dma_start3A_164 = arith.constant 0 : i32
        %dma_start3A_165 = arith.constant 0 : i32
        %dma_start3A_166 = tpu.memref_slice %arg4[%dma_start3A_164, %dma_start3A_165] : memref<100000x512xf32, #tpu.memory_space<hbm>> -> memref<100000x512xf32, #tpu.memory_space<hbm>>
        tpu.enqueue_indirect_dma source(%dma_start3A_166 : memref<100000x512xf32, #tpu.memory_space<hbm>>) target(%arg10 : memref<8x512xf32, #tpu.memory_space<vmem>>) offsets(%dma_start3A_163 : memref<8xi32, #tpu.memory_space<vmem>>) semaphore(%arg19 : memref<!tpu.dma_semaphore, #tpu.memory_space<semaphore_mem>>)
        %mul3A_167 = arith.constant 8 : i32
        %mul3A_168 = arith.muli %add3A_79, %mul3A_167 : i32
        %add3A_169 = arith.addi %mul3A_2, %mul3A_168 : i32
        %dma_start3A_170 = arith.constant 0 : i32
        %dma_start3A_171 = tpu.memref_slice %arg2[%add3A_169, %dma_start3A_170] : memref<4096x512xf32, #tpu.memory_space<hbm>> -> memref<8x512xf32, #tpu.memory_space<hbm>>
        %dma_start3A_172 = arith.constant 0 : i32
        %dma_start3A_173 = tpu.memref_slice %arg2[%add3A_169, %dma_start3A_172] : memref<4096x512xf32, #tpu.memory_space<hbm>> -> memref<8x512xf32, #tpu.memory_space<hbm>>
        tpu.enqueue_dma source(%dma_start3A_173 : memref<8x512xf32, #tpu.memory_space<hbm>>) target(%arg14 : memref<8x512xf32, #tpu.memory_space<vmem>>) target_semaphore(%arg23 : memref<!tpu.dma_semaphore, #tpu.memory_space<semaphore_mem>>)
      } else {
      }
      %dma_wait3A = arith.constant 0 : i32
      %dma_wait3A_82 = tpu.memref_slice %arg2[%mul3A_2, %dma_wait3A] : memref<4096x512xf32, #tpu.memory_space<hbm>> -> memref<8x512xf32, #tpu.memory_space<hbm>>
      %dma_wait3A_83 = arith.constant 0 : i32
      %dma_wait3A_84 = tpu.memref_slice %arg2[%mul3A_2, %dma_wait3A_83] : memref<4096x512xf32, #tpu.memory_space<hbm>> -> memref<8x512xf32, #tpu.memory_space<hbm>>
      tpu.wait_dma2 semaphore(%arg16 : memref<!tpu.dma_semaphore, #tpu.memory_space<semaphore_mem>>) src(%dma_wait3A_84 : memref<8x512xf32, #tpu.memory_space<hbm>>) dst(%arg7 : memref<8x512xf32, #tpu.memory_space<vmem>>)
      %dma_wait3A_85 = arith.constant 0 : i32
      %dma_wait3A_86 = tpu.memref_slice %arg2[%mul3A_2, %dma_wait3A_85] : memref<4096x512xf32, #tpu.memory_space<hbm>> -> memref<8x512xf32, #tpu.memory_space<hbm>>
      %dma_wait3A_87 = arith.constant 0 : i32
      %dma_wait3A_88 = tpu.memref_slice %arg2[%mul3A_2, %dma_wait3A_87] : memref<4096x512xf32, #tpu.memory_space<hbm>> -> memref<8x512xf32, #tpu.memory_space<hbm>>
      tpu.wait_dma2 semaphore(%arg20 : memref<!tpu.dma_semaphore, #tpu.memory_space<semaphore_mem>>) src(%dma_wait3A_88 : memref<8x512xf32, #tpu.memory_space<hbm>>) dst(%arg11 : memref<8x512xf32, #tpu.memory_space<vmem>>)
      %parallel_loop3A = arith.constant 0 : i32
      %parallel_loop3A_89 = arith.constant 8 : i32
      %parallel_loop3A_90 = arith.constant 1 : i32
      %parallel_loop3A_91:8 = scf.for %parallel_loop3A_161 = %parallel_loop3A to %parallel_loop3A_89 step %parallel_loop3A_90 iter_args(%parallel_loop3A_162 = %scan3A_66, %parallel_loop3A_163 = %scan3A_67, %parallel_loop3A_164 = %scan3A_68, %parallel_loop3A_165 = %scan3A_69, %parallel_loop3A_166 = %scan3A_70, %parallel_loop3A_167 = %scan3A_71, %parallel_loop3A_168 = %scan3A_72, %parallel_loop3A_169 = %scan3A_73) -> (vector<16xf32>, vector<16xf32>, vector<16xf32>, vector<16xf32>, vector<16xf32>, vector<16xf32>, vector<16xf32>, vector<16xf32>)  : i32 {
        %parallel_loop3A_170 = arith.index_cast %parallel_loop3A_161 : i32 to index
        %parallel_loop3A_171 = arith.constant 0 : index
        %parallel_loop3A_172 = tpu.vector_load %arg11[%parallel_loop3A_170, %parallel_loop3A_171] {strides = array<i32>} : memref<8x512xf32, #tpu.memory_space<vmem>>, vector<1x16xf32>,
        %parallel_loop3A_173 = vector.shape_cast %parallel_loop3A_172 : vector<1x16xf32> to vector<16xf32>
        %parallel_loop3A_174 = arith.index_cast %parallel_loop3A_161 : i32 to index
        %parallel_loop3A_175 = arith.constant 0 : index
        %parallel_loop3A_176 = tpu.vector_load %arg7[%parallel_loop3A_174, %parallel_loop3A_175] {strides = array<i32>} : memref<8x512xf32, #tpu.memory_space<vmem>>, vector<1x16xf32>,
        %parallel_loop3A_177 = vector.shape_cast %parallel_loop3A_176 : vector<1x16xf32> to vector<16xf32>
        %parallel_loop3A_178 = arith.subf %parallel_loop3A_173, %parallel_loop3A_177 : vector<16xf32>
        %parallel_loop3A_179 = arith.mulf %parallel_loop3A_178, %parallel_loop3A_178 : vector<16xf32>
        %parallel_loop3A_180 = arith.addf %parallel_loop3A_162, %parallel_loop3A_179 : vector<16xf32>
        %parallel_loop3A_181 = arith.index_cast %parallel_loop3A_161 : i32 to index
        %parallel_loop3A_182 = arith.constant 16 : index
        %parallel_loop3A_183 = tpu.vector_load %arg11[%parallel_loop3A_181, %parallel_loop3A_182] {strides = array<i32>} : memref<8x512xf32, #tpu.memory_space<vmem>>, vector<1x16xf32>,
        %parallel_loop3A_184 = vector.shape_cast %parallel_loop3A_183 : vector<1x16xf32> to vector<16xf32>
        %parallel_loop3A_185 = arith.index_cast %parallel_loop3A_161 : i32 to index
        %parallel_loop3A_186 = arith.constant 16 : index
        %parallel_loop3A_187 = tpu.vector_load %arg7[%parallel_loop3A_185, %parallel_loop3A_186] {strides = array<i32>} : memref<8x512xf32, #tpu.memory_space<vmem>>, vector<1x16xf32>,
        %parallel_loop3A_188 = vector.shape_cast %parallel_loop3A_187 : vector<1x16xf32> to vector<16xf32>
        %parallel_loop3A_189 = arith.subf %parallel_loop3A_184, %parallel_loop3A_188 : vector<16xf32>
        %parallel_loop3A_190 = arith.mulf %parallel_loop3A_189, %parallel_loop3A_189 : vector<16xf32>
        %parallel_loop3A_191 = arith.addf %parallel_loop3A_163, %parallel_loop3A_190 : vector<16xf32>
        %parallel_loop3A_192 = arith.index_cast %parallel_loop3A_161 : i32 to index
        %parallel_loop3A_193 = arith.constant 32 : index
        %parallel_loop3A_194 = tpu.vector_load %arg11[%parallel_loop3A_192, %parallel_loop3A_193] {strides = array<i32>} : memref<8x512xf32, #tpu.memory_space<vmem>>, vector<1x16xf32>,
        %parallel_loop3A_195 = vector.shape_cast %parallel_loop3A_194 : vector<1x16xf32> to vector<16xf32>
        %parallel_loop3A_196 = arith.index_cast %parallel_loop3A_161 : i32 to index
        %parallel_loop3A_197 = arith.constant 32 : index
        %parallel_loop3A_198 = tpu.vector_load %arg7[%parallel_loop3A_196, %parallel_loop3A_197] {strides = array<i32>} : memref<8x512xf32, #tpu.memory_space<vmem>>, vector<1x16xf32>,
        %parallel_loop3A_199 = vector.shape_cast %parallel_loop3A_198 : vector<1x16xf32> to vector<16xf32>
        %parallel_loop3A_200 = arith.subf %parallel_loop3A_195, %parallel_loop3A_199 : vector<16xf32>
        %parallel_loop3A_201 = arith.mulf %parallel_loop3A_200, %parallel_loop3A_200 : vector<16xf32>
        %parallel_loop3A_202 = arith.addf %parallel_loop3A_164, %parallel_loop3A_201 : vector<16xf32>
        %parallel_loop3A_203 = arith.index_cast %parallel_loop3A_161 : i32 to index
        %parallel_loop3A_204 = arith.constant 48 : index
        %parallel_loop3A_205 = tpu.vector_load %arg11[%parallel_loop3A_203, %parallel_loop3A_204] {strides = array<i32>} : memref<8x512xf32, #tpu.memory_space<vmem>>, vector<1x16xf32>,
        %parallel_loop3A_206 = vector.shape_cast %parallel_loop3A_205 : vector<1x16xf32> to vector<16xf32>
        %parallel_loop3A_207 = arith.index_cast %parallel_loop3A_161 : i32 to index
        %parallel_loop3A_208 = arith.constant 48 : index
        %parallel_loop3A_209 = tpu.vector_load %arg7[%parallel_loop3A_207, %parallel_loop3A_208] {strides = array<i32>} : memref<8x512xf32, #tpu.memory_space<vmem>>, vector<1x16xf32>,
        %parallel_loop3A_210 = vector.shape_cast %parallel_loop3A_209 : vector<1x16xf32> to vector<16xf32>
        %parallel_loop3A_211 = arith.subf %parallel_loop3A_206, %parallel_loop3A_210 : vector<16xf32>
        %parallel_loop3A_212 = arith.mulf %parallel_loop3A_211, %parallel_loop3A_211 : vector<16xf32>
        %parallel_loop3A_213 = arith.addf %parallel_loop3A_165, %parallel_loop3A_212 : vector<16xf32>
        %parallel_loop3A_214 = arith.index_cast %parallel_loop3A_161 : i32 to index
        %parallel_loop3A_215 = arith.constant 64 : index
        %parallel_loop3A_216 = tpu.vector_load %arg11[%parallel_loop3A_214, %parallel_loop3A_215] {strides = array<i32>} : memref<8x512xf32, #tpu.memory_space<vmem>>, vector<1x16xf32>,
        %parallel_loop3A_217 = vector.shape_cast %parallel_loop3A_216 : vector<1x16xf32> to vector<16xf32>
        %parallel_loop3A_218 = arith.index_cast %parallel_loop3A_161 : i32 to index
        %parallel_loop3A_219 = arith.constant 64 : index
        %parallel_loop3A_220 = tpu.vector_load %arg7[%parallel_loop3A_218, %parallel_loop3A_219] {strides = array<i32>} : memref<8x512xf32, #tpu.memory_space<vmem>>, vector<1x16xf32>,
        %parallel_loop3A_221 = vector.shape_cast %parallel_loop3A_220 : vector<1x16xf32> to vector<16xf32>
        %parallel_loop3A_222 = arith.subf %parallel_loop3A_217, %parallel_loop3A_221 : vector<16xf32>
        %parallel_loop3A_223 = arith.mulf %parallel_loop3A_222, %parallel_loop3A_222 : vector<16xf32>
        %parallel_loop3A_224 = arith.addf %parallel_loop3A_166, %parallel_loop3A_223 : vector<16xf32>
        %parallel_loop3A_225 = arith.index_cast %parallel_loop3A_161 : i32 to index
        %parallel_loop3A_226 = arith.constant 80 : index
        %parallel_loop3A_227 = tpu.vector_load %arg11[%parallel_loop3A_225, %parallel_loop3A_226] {strides = array<i32>} : memref<8x512xf32, #tpu.memory_space<vmem>>, vector<1x16xf32>,
        %parallel_loop3A_228 = vector.shape_cast %parallel_loop3A_227 : vector<1x16xf32> to vector<16xf32>
        %parallel_loop3A_229 = arith.index_cast %parallel_loop3A_161 : i32 to index
        %parallel_loop3A_230 = arith.constant 80 : index
        %parallel_loop3A_231 = tpu.vector_load %arg7[%parallel_loop3A_229, %parallel_loop3A_230] {strides = array<i32>} : memref<8x512xf32, #tpu.memory_space<vmem>>, vector<1x16xf32>,
        %parallel_loop3A_232 = vector.shape_cast %parallel_loop3A_231 : vector<1x16xf32> to vector<16xf32>
        %parallel_loop3A_233 = arith.subf %parallel_loop3A_228, %parallel_loop3A_232 : vector<16xf32>
        %parallel_loop3A_234 = arith.mulf %parallel_loop3A_233, %parallel_loop3A_233 : vector<16xf32>
        %parallel_loop3A_235 = arith.addf %parallel_loop3A_167, %parallel_loop3A_234 : vector<16xf32>
        %parallel_loop3A_236 = arith.index_cast %parallel_loop3A_161 : i32 to index
        %parallel_loop3A_237 = arith.constant 96 : index
        %parallel_loop3A_238 = tpu.vector_load %arg11[%parallel_loop3A_236, %parallel_loop3A_237] {strides = array<i32>} : memref<8x512xf32, #tpu.memory_space<vmem>>, vector<1x16xf32>,
        %parallel_loop3A_239 = vector.shape_cast %parallel_loop3A_238 : vector<1x16xf32> to vector<16xf32>
        %parallel_loop3A_240 = arith.index_cast %parallel_loop3A_161 : i32 to index
        %parallel_loop3A_241 = arith.constant 96 : index
        %parallel_loop3A_242 = tpu.vector_load %arg7[%parallel_loop3A_240, %parallel_loop3A_241] {strides = array<i32>} : memref<8x512xf32, #tpu.memory_space<vmem>>, vector<1x16xf32>,
        %parallel_loop3A_243 = vector.shape_cast %parallel_loop3A_242 : vector<1x16xf32> to vector<16xf32>
        %parallel_loop3A_244 = arith.subf %parallel_loop3A_239, %parallel_loop3A_243 : vector<16xf32>
        %parallel_loop3A_245 = arith.mulf %parallel_loop3A_244, %parallel_loop3A_244 : vector<16xf32>
        %parallel_loop3A_246 = arith.addf %parallel_loop3A_168, %parallel_loop3A_245 : vector<16xf32>
        %parallel_loop3A_247 = arith.index_cast %parallel_loop3A_161 : i32 to index
        %parallel_loop3A_248 = arith.constant 112 : index
        %parallel_loop3A_249 = tpu.vector_load %arg11[%parallel_loop3A_247, %parallel_loop3A_248] {strides = array<i32>} : memref<8x512xf32, #tpu.memory_space<vmem>>, vector<1x16xf32>,
        %parallel_loop3A_250 = vector.shape_cast %parallel_loop3A_249 : vector<1x16xf32> to vector<16xf32>
        %parallel_loop3A_251 = arith.index_cast %parallel_loop3A_161 : i32 to index
        %parallel_loop3A_252 = arith.constant 112 : index
        %parallel_loop3A_253 = tpu.vector_load %arg7[%parallel_loop3A_251, %parallel_loop3A_252] {strides = array<i32>} : memref<8x512xf32, #tpu.memory_space<vmem>>, vector<1x16xf32>,
        %parallel_loop3A_254 = vector.shape_cast %parallel_loop3A_253 : vector<1x16xf32> to vector<16xf32>
        %parallel_loop3A_255 = arith.subf %parallel_loop3A_250, %parallel_loop3A_254 : vector<16xf32>
        %parallel_loop3A_256 = arith.mulf %parallel_loop3A_255, %parallel_loop3A_255 : vector<16xf32>
        %parallel_loop3A_257 = arith.addf %parallel_loop3A_169, %parallel_loop3A_256 : vector<16xf32>
        %parallel_loop3A_258 = arith.index_cast %parallel_loop3A_161 : i32 to index
        %parallel_loop3A_259 = arith.constant 128 : index
        %parallel_loop3A_260 = tpu.vector_load %arg11[%parallel_loop3A_258, %parallel_loop3A_259] {strides = array<i32>} : memref<8x512xf32, #tpu.memory_space<vmem>>, vector<1x16xf32>,
        %parallel_loop3A_261 = vector.shape_cast %parallel_loop3A_260 : vector<1x16xf32> to vector<16xf32>
        %parallel_loop3A_262 = arith.index_cast %parallel_loop3A_161 : i32 to index
        %parallel_loop3A_263 = arith.constant 128 : index
        %parallel_loop3A_264 = tpu.vector_load %arg7[%parallel_loop3A_262, %parallel_loop3A_263] {strides = array<i32>} : memref<8x512xf32, #tpu.memory_space<vmem>>, vector<1x16xf32>,
        %parallel_loop3A_265 = vector.shape_cast %parallel_loop3A_264 : vector<1x16xf32> to vector<16xf32>
        %parallel_loop3A_266 = arith.subf %parallel_loop3A_261, %parallel_loop3A_265 : vector<16xf32>
        %parallel_loop3A_267 = arith.mulf %parallel_loop3A_266, %parallel_loop3A_266 : vector<16xf32>
        %parallel_loop3A_268 = arith.addf %parallel_loop3A_180, %parallel_loop3A_267 : vector<16xf32>
        %parallel_loop3A_269 = arith.index_cast %parallel_loop3A_161 : i32 to index
        %parallel_loop3A_270 = arith.constant 144 : index
        %parallel_loop3A_271 = tpu.vector_load %arg11[%parallel_loop3A_269, %parallel_loop3A_270] {strides = array<i32>} : memref<8x512xf32, #tpu.memory_space<vmem>>, vector<1x16xf32>,
        %parallel_loop3A_272 = vector.shape_cast %parallel_loop3A_271 : vector<1x16xf32> to vector<16xf32>
        %parallel_loop3A_273 = arith.index_cast %parallel_loop3A_161 : i32 to index
        %parallel_loop3A_274 = arith.constant 144 : index
        %parallel_loop3A_275 = tpu.vector_load %arg7[%parallel_loop3A_273, %parallel_loop3A_274] {strides = array<i32>} : memref<8x512xf32, #tpu.memory_space<vmem>>, vector<1x16xf32>,
        %parallel_loop3A_276 = vector.shape_cast %parallel_loop3A_275 : vector<1x16xf32> to vector<16xf32>
        %parallel_loop3A_277 = arith.subf %parallel_loop3A_272, %parallel_loop3A_276 : vector<16xf32>
        %parallel_loop3A_278 = arith.mulf %parallel_loop3A_277, %parallel_loop3A_277 : vector<16xf32>
        %parallel_loop3A_279 = arith.addf %parallel_loop3A_191, %parallel_loop3A_278 : vector<16xf32>
        %parallel_loop3A_280 = arith.index_cast %parallel_loop3A_161 : i32 to index
        %parallel_loop3A_281 = arith.constant 160 : index
        %parallel_loop3A_282 = tpu.vector_load %arg11[%parallel_loop3A_280, %parallel_loop3A_281] {strides = array<i32>} : memref<8x512xf32, #tpu.memory_space<vmem>>, vector<1x16xf32>,
        %parallel_loop3A_283 = vector.shape_cast %parallel_loop3A_282 : vector<1x16xf32> to vector<16xf32>
        %parallel_loop3A_284 = arith.index_cast %parallel_loop3A_161 : i32 to index
        %parallel_loop3A_285 = arith.constant 160 : index
        %parallel_loop3A_286 = tpu.vector_load %arg7[%parallel_loop3A_284, %parallel_loop3A_285] {strides = array<i32>} : memref<8x512xf32, #tpu.memory_space<vmem>>, vector<1x16xf32>,
        %parallel_loop3A_287 = vector.shape_cast %parallel_loop3A_286 : vector<1x16xf32> to vector<16xf32>
        %parallel_loop3A_288 = arith.subf %parallel_loop3A_283, %parallel_loop3A_287 : vector<16xf32>
        %parallel_loop3A_289 = arith.mulf %parallel_loop3A_288, %parallel_loop3A_288 : vector<16xf32>
        %parallel_loop3A_290 = arith.addf %parallel_loop3A_202, %parallel_loop3A_289 : vector<16xf32>
        %parallel_loop3A_291 = arith.index_cast %parallel_loop3A_161 : i32 to index
        %parallel_loop3A_292 = arith.constant 176 : index
        %parallel_loop3A_293 = tpu.vector_load %arg11[%parallel_loop3A_291, %parallel_loop3A_292] {strides = array<i32>} : memref<8x512xf32, #tpu.memory_space<vmem>>, vector<1x16xf32>,
        %parallel_loop3A_294 = vector.shape_cast %parallel_loop3A_293 : vector<1x16xf32> to vector<16xf32>
        %parallel_loop3A_295 = arith.index_cast %parallel_loop3A_161 : i32 to index
        %parallel_loop3A_296 = arith.constant 176 : index
        %parallel_loop3A_297 = tpu.vector_load %arg7[%parallel_loop3A_295, %parallel_loop3A_296] {strides = array<i32>} : memref<8x512xf32, #tpu.memory_space<vmem>>, vector<1x16xf32>,
        %parallel_loop3A_298 = vector.shape_cast %parallel_loop3A_297 : vector<1x16xf32> to vector<16xf32>
        %parallel_loop3A_299 = arith.subf %parallel_loop3A_294, %parallel_loop3A_298 : vector<16xf32>
        %parallel_loop3A_300 = arith.mulf %parallel_loop3A_299, %parallel_loop3A_299 : vector<16xf32>
        %parallel_loop3A_301 = arith.addf %parallel_loop3A_213, %parallel_loop3A_300 : vector<16xf32>
        %parallel_loop3A_302 = arith.index_cast %parallel_loop3A_161 : i32 to index
        %parallel_loop3A_303 = arith.constant 192 : index
        %parallel_loop3A_304 = tpu.vector_load %arg11[%parallel_loop3A_302, %parallel_loop3A_303] {strides = array<i32>} : memref<8x512xf32, #tpu.memory_space<vmem>>, vector<1x16xf32>,
        %parallel_loop3A_305 = vector.shape_cast %parallel_loop3A_304 : vector<1x16xf32> to vector<16xf32>
        %parallel_loop3A_306 = arith.index_cast %parallel_loop3A_161 : i32 to index
        %parallel_loop3A_307 = arith.constant 192 : index
        %parallel_loop3A_308 = tpu.vector_load %arg7[%parallel_loop3A_306, %parallel_loop3A_307] {strides = array<i32>} : memref<8x512xf32, #tpu.memory_space<vmem>>, vector<1x16xf32>,
        %parallel_loop3A_309 = vector.shape_cast %parallel_loop3A_308 : vector<1x16xf32> to vector<16xf32>
        %parallel_loop3A_310 = arith.subf %parallel_loop3A_305, %parallel_loop3A_309 : vector<16xf32>
        %parallel_loop3A_311 = arith.mulf %parallel_loop3A_310, %parallel_loop3A_310 : vector<16xf32>
        %parallel_loop3A_312 = arith.addf %parallel_loop3A_224, %parallel_loop3A_311 : vector<16xf32>
        %parallel_loop3A_313 = arith.index_cast %parallel_loop3A_161 : i32 to index
        %parallel_loop3A_314 = arith.constant 208 : index
        %parallel_loop3A_315 = tpu.vector_load %arg11[%parallel_loop3A_313, %parallel_loop3A_314] {strides = array<i32>} : memref<8x512xf32, #tpu.memory_space<vmem>>, vector<1x16xf32>,
        %parallel_loop3A_316 = vector.shape_cast %parallel_loop3A_315 : vector<1x16xf32> to vector<16xf32>
        %parallel_loop3A_317 = arith.index_cast %parallel_loop3A_161 : i32 to index
        %parallel_loop3A_318 = arith.constant 208 : index
        %parallel_loop3A_319 = tpu.vector_load %arg7[%parallel_loop3A_317, %parallel_loop3A_318] {strides = array<i32>} : memref<8x512xf32, #tpu.memory_space<vmem>>, vector<1x16xf32>,
        %parallel_loop3A_320 = vector.shape_cast %parallel_loop3A_319 : vector<1x16xf32> to vector<16xf32>
        %parallel_loop3A_321 = arith.subf %parallel_loop3A_316, %parallel_loop3A_320 : vector<16xf32>
        %parallel_loop3A_322 = arith.mulf %parallel_loop3A_321, %parallel_loop3A_321 : vector<16xf32>
        %parallel_loop3A_323 = arith.addf %parallel_loop3A_235, %parallel_loop3A_322 : vector<16xf32>
        %parallel_loop3A_324 = arith.index_cast %parallel_loop3A_161 : i32 to index
        %parallel_loop3A_325 = arith.constant 224 : index
        %parallel_loop3A_326 = tpu.vector_load %arg11[%parallel_loop3A_324, %parallel_loop3A_325] {strides = array<i32>} : memref<8x512xf32, #tpu.memory_space<vmem>>, vector<1x16xf32>,
        %parallel_loop3A_327 = vector.shape_cast %parallel_loop3A_326 : vector<1x16xf32> to vector<16xf32>
        %parallel_loop3A_328 = arith.index_cast %parallel_loop3A_161 : i32 to index
        %parallel_loop3A_329 = arith.constant 224 : index
        %parallel_loop3A_330 = tpu.vector_load %arg7[%parallel_loop3A_328, %parallel_loop3A_329] {strides = array<i32>} : memref<8x512xf32, #tpu.memory_space<vmem>>, vector<1x16xf32>,
        %parallel_loop3A_331 = vector.shape_cast %parallel_loop3A_330 : vector<1x16xf32> to vector<16xf32>
        %parallel_loop3A_332 = arith.subf %parallel_loop3A_327, %parallel_loop3A_331 : vector<16xf32>
        %parallel_loop3A_333 = arith.mulf %parallel_loop3A_332, %parallel_loop3A_332 : vector<16xf32>
        %parallel_loop3A_334 = arith.addf %parallel_loop3A_246, %parallel_loop3A_333 : vector<16xf32>
        %parallel_loop3A_335 = arith.index_cast %parallel_loop3A_161 : i32 to index
        %parallel_loop3A_336 = arith.constant 240 : index
        %parallel_loop3A_337 = tpu.vector_load %arg11[%parallel_loop3A_335, %parallel_loop3A_336] {strides = array<i32>} : memref<8x512xf32, #tpu.memory_space<vmem>>, vector<1x16xf32>,
        %parallel_loop3A_338 = vector.shape_cast %parallel_loop3A_337 : vector<1x16xf32> to vector<16xf32>
        %parallel_loop3A_339 = arith.index_cast %parallel_loop3A_161 : i32 to index
        %parallel_loop3A_340 = arith.constant 240 : index
        %parallel_loop3A_341 = tpu.vector_load %arg7[%parallel_loop3A_339, %parallel_loop3A_340] {strides = array<i32>} : memref<8x512xf32, #tpu.memory_space<vmem>>, vector<1x16xf32>,
        %parallel_loop3A_342 = vector.shape_cast %parallel_loop3A_341 : vector<1x16xf32> to vector<16xf32>
        %parallel_loop3A_343 = arith.subf %parallel_loop3A_338, %parallel_loop3A_342 : vector<16xf32>
        %parallel_loop3A_344 = arith.mulf %parallel_loop3A_343, %parallel_loop3A_343 : vector<16xf32>
        %parallel_loop3A_345 = arith.addf %parallel_loop3A_257, %parallel_loop3A_344 : vector<16xf32>
        %parallel_loop3A_346 = arith.index_cast %parallel_loop3A_161 : i32 to index
        %parallel_loop3A_347 = arith.constant 256 : index
        %parallel_loop3A_348 = tpu.vector_load %arg11[%parallel_loop3A_346, %parallel_loop3A_347] {strides = array<i32>} : memref<8x512xf32, #tpu.memory_space<vmem>>, vector<1x16xf32>,
        %parallel_loop3A_349 = vector.shape_cast %parallel_loop3A_348 : vector<1x16xf32> to vector<16xf32>
        %parallel_loop3A_350 = arith.index_cast %parallel_loop3A_161 : i32 to index
        %parallel_loop3A_351 = arith.constant 256 : index
        %parallel_loop3A_352 = tpu.vector_load %arg7[%parallel_loop3A_350, %parallel_loop3A_351] {strides = array<i32>} : memref<8x512xf32, #tpu.memory_space<vmem>>, vector<1x16xf32>,
        %parallel_loop3A_353 = vector.shape_cast %parallel_loop3A_352 : vector<1x16xf32> to vector<16xf32>
        %parallel_loop3A_354 = arith.subf %parallel_loop3A_349, %parallel_loop3A_353 : vector<16xf32>
        %parallel_loop3A_355 = arith.mulf %parallel_loop3A_354, %parallel_loop3A_354 : vector<16xf32>
        %parallel_loop3A_356 = arith.addf %parallel_loop3A_268, %parallel_loop3A_355 : vector<16xf32>
        %parallel_loop3A_357 = arith.index_cast %parallel_loop3A_161 : i32 to index
        %parallel_loop3A_358 = arith.constant 272 : index
        %parallel_loop3A_359 = tpu.vector_load %arg11[%parallel_loop3A_357, %parallel_loop3A_358] {strides = array<i32>} : memref<8x512xf32, #tpu.memory_space<vmem>>, vector<1x16xf32>,
        %parallel_loop3A_360 = vector.shape_cast %parallel_loop3A_359 : vector<1x16xf32> to vector<16xf32>
        %parallel_loop3A_361 = arith.index_cast %parallel_loop3A_161 : i32 to index
        %parallel_loop3A_362 = arith.constant 272 : index
        %parallel_loop3A_363 = tpu.vector_load %arg7[%parallel_loop3A_361, %parallel_loop3A_362] {strides = array<i32>} : memref<8x512xf32, #tpu.memory_space<vmem>>, vector<1x16xf32>,
        %parallel_loop3A_364 = vector.shape_cast %parallel_loop3A_363 : vector<1x16xf32> to vector<16xf32>
        %parallel_loop3A_365 = arith.subf %parallel_loop3A_360, %parallel_loop3A_364 : vector<16xf32>
        %parallel_loop3A_366 = arith.mulf %parallel_loop3A_365, %parallel_loop3A_365 : vector<16xf32>
        %parallel_loop3A_367 = arith.addf %parallel_loop3A_279, %parallel_loop3A_366 : vector<16xf32>
        %parallel_loop3A_368 = arith.index_cast %parallel_loop3A_161 : i32 to index
        %parallel_loop3A_369 = arith.constant 288 : index
        %parallel_loop3A_370 = tpu.vector_load %arg11[%parallel_loop3A_368, %parallel_loop3A_369] {strides = array<i32>} : memref<8x512xf32, #tpu.memory_space<vmem>>, vector<1x16xf32>,
        %parallel_loop3A_371 = vector.shape_cast %parallel_loop3A_370 : vector<1x16xf32> to vector<16xf32>
        %parallel_loop3A_372 = arith.index_cast %parallel_loop3A_161 : i32 to index
        %parallel_loop3A_373 = arith.constant 288 : index
        %parallel_loop3A_374 = tpu.vector_load %arg7[%parallel_loop3A_372, %parallel_loop3A_373] {strides = array<i32>} : memref<8x512xf32, #tpu.memory_space<vmem>>, vector<1x16xf32>,
        %parallel_loop3A_375 = vector.shape_cast %parallel_loop3A_374 : vector<1x16xf32> to vector<16xf32>
        %parallel_loop3A_376 = arith.subf %parallel_loop3A_371, %parallel_loop3A_375 : vector<16xf32>
        %parallel_loop3A_377 = arith.mulf %parallel_loop3A_376, %parallel_loop3A_376 : vector<16xf32>
        %parallel_loop3A_378 = arith.addf %parallel_loop3A_290, %parallel_loop3A_377 : vector<16xf32>
        %parallel_loop3A_379 = arith.index_cast %parallel_loop3A_161 : i32 to index
        %parallel_loop3A_380 = arith.constant 304 : index
        %parallel_loop3A_381 = tpu.vector_load %arg11[%parallel_loop3A_379, %parallel_loop3A_380] {strides = array<i32>} : memref<8x512xf32, #tpu.memory_space<vmem>>, vector<1x16xf32>,
        %parallel_loop3A_382 = vector.shape_cast %parallel_loop3A_381 : vector<1x16xf32> to vector<16xf32>
        %parallel_loop3A_383 = arith.index_cast %parallel_loop3A_161 : i32 to index
        %parallel_loop3A_384 = arith.constant 304 : index
        %parallel_loop3A_385 = tpu.vector_load %arg7[%parallel_loop3A_383, %parallel_loop3A_384] {strides = array<i32>} : memref<8x512xf32, #tpu.memory_space<vmem>>, vector<1x16xf32>,
        %parallel_loop3A_386 = vector.shape_cast %parallel_loop3A_385 : vector<1x16xf32> to vector<16xf32>
        %parallel_loop3A_387 = arith.subf %parallel_loop3A_382, %parallel_loop3A_386 : vector<16xf32>
        %parallel_loop3A_388 = arith.mulf %parallel_loop3A_387, %parallel_loop3A_387 : vector<16xf32>
        %parallel_loop3A_389 = arith.addf %parallel_loop3A_301, %parallel_loop3A_388 : vector<16xf32>
        %parallel_loop3A_390 = arith.index_cast %parallel_loop3A_161 : i32 to index
        %parallel_loop3A_391 = arith.constant 320 : index
        %parallel_loop3A_392 = tpu.vector_load %arg11[%parallel_loop3A_390, %parallel_loop3A_391] {strides = array<i32>} : memref<8x512xf32, #tpu.memory_space<vmem>>, vector<1x16xf32>,
        %parallel_loop3A_393 = vector.shape_cast %parallel_loop3A_392 : vector<1x16xf32> to vector<16xf32>
        %parallel_loop3A_394 = arith.index_cast %parallel_loop3A_161 : i32 to index
        %parallel_loop3A_395 = arith.constant 320 : index
        %parallel_loop3A_396 = tpu.vector_load %arg7[%parallel_loop3A_394, %parallel_loop3A_395] {strides = array<i32>} : memref<8x512xf32, #tpu.memory_space<vmem>>, vector<1x16xf32>,
        %parallel_loop3A_397 = vector.shape_cast %parallel_loop3A_396 : vector<1x16xf32> to vector<16xf32>
        %parallel_loop3A_398 = arith.subf %parallel_loop3A_393, %parallel_loop3A_397 : vector<16xf32>
        %parallel_loop3A_399 = arith.mulf %parallel_loop3A_398, %parallel_loop3A_398 : vector<16xf32>
        %parallel_loop3A_400 = arith.addf %parallel_loop3A_312, %parallel_loop3A_399 : vector<16xf32>
        %parallel_loop3A_401 = arith.index_cast %parallel_loop3A_161 : i32 to index
        %parallel_loop3A_402 = arith.constant 336 : index
        %parallel_loop3A_403 = tpu.vector_load %arg11[%parallel_loop3A_401, %parallel_loop3A_402] {strides = array<i32>} : memref<8x512xf32, #tpu.memory_space<vmem>>, vector<1x16xf32>,
        %parallel_loop3A_404 = vector.shape_cast %parallel_loop3A_403 : vector<1x16xf32> to vector<16xf32>
        %parallel_loop3A_405 = arith.index_cast %parallel_loop3A_161 : i32 to index
        %parallel_loop3A_406 = arith.constant 336 : index
        %parallel_loop3A_407 = tpu.vector_load %arg7[%parallel_loop3A_405, %parallel_loop3A_406] {strides = array<i32>} : memref<8x512xf32, #tpu.memory_space<vmem>>, vector<1x16xf32>,
        %parallel_loop3A_408 = vector.shape_cast %parallel_loop3A_407 : vector<1x16xf32> to vector<16xf32>
        %parallel_loop3A_409 = arith.subf %parallel_loop3A_404, %parallel_loop3A_408 : vector<16xf32>
        %parallel_loop3A_410 = arith.mulf %parallel_loop3A_409, %parallel_loop3A_409 : vector<16xf32>
        %parallel_loop3A_411 = arith.addf %parallel_loop3A_323, %parallel_loop3A_410 : vector<16xf32>
        %parallel_loop3A_412 = arith.index_cast %parallel_loop3A_161 : i32 to index
        %parallel_loop3A_413 = arith.constant 352 : index
        %parallel_loop3A_414 = tpu.vector_load %arg11[%parallel_loop3A_412, %parallel_loop3A_413] {strides = array<i32>} : memref<8x512xf32, #tpu.memory_space<vmem>>, vector<1x16xf32>,
        %parallel_loop3A_415 = vector.shape_cast %parallel_loop3A_414 : vector<1x16xf32> to vector<16xf32>
        %parallel_loop3A_416 = arith.index_cast %parallel_loop3A_161 : i32 to index
        %parallel_loop3A_417 = arith.constant 352 : index
        %parallel_loop3A_418 = tpu.vector_load %arg7[%parallel_loop3A_416, %parallel_loop3A_417] {strides = array<i32>} : memref<8x512xf32, #tpu.memory_space<vmem>>, vector<1x16xf32>,
        %parallel_loop3A_419 = vector.shape_cast %parallel_loop3A_418 : vector<1x16xf32> to vector<16xf32>
        %parallel_loop3A_420 = arith.subf %parallel_loop3A_415, %parallel_loop3A_419 : vector<16xf32>
        %parallel_loop3A_421 = arith.mulf %parallel_loop3A_420, %parallel_loop3A_420 : vector<16xf32>
        %parallel_loop3A_422 = arith.addf %parallel_loop3A_334, %parallel_loop3A_421 : vector<16xf32>
        %parallel_loop3A_423 = arith.index_cast %parallel_loop3A_161 : i32 to index
        %parallel_loop3A_424 = arith.constant 368 : index
        %parallel_loop3A_425 = tpu.vector_load %arg11[%parallel_loop3A_423, %parallel_loop3A_424] {strides = array<i32>} : memref<8x512xf32, #tpu.memory_space<vmem>>, vector<1x16xf32>,
        %parallel_loop3A_426 = vector.shape_cast %parallel_loop3A_425 : vector<1x16xf32> to vector<16xf32>
        %parallel_loop3A_427 = arith.index_cast %parallel_loop3A_161 : i32 to index
        %parallel_loop3A_428 = arith.constant 368 : index
        %parallel_loop3A_429 = tpu.vector_load %arg7[%parallel_loop3A_427, %parallel_loop3A_428] {strides = array<i32>} : memref<8x512xf32, #tpu.memory_space<vmem>>, vector<1x16xf32>,
        %parallel_loop3A_430 = vector.shape_cast %parallel_loop3A_429 : vector<1x16xf32> to vector<16xf32>
        %parallel_loop3A_431 = arith.subf %parallel_loop3A_426, %parallel_loop3A_430 : vector<16xf32>
        %parallel_loop3A_432 = arith.mulf %parallel_loop3A_431, %parallel_loop3A_431 : vector<16xf32>
        %parallel_loop3A_433 = arith.addf %parallel_loop3A_345, %parallel_loop3A_432 : vector<16xf32>
        %parallel_loop3A_434 = arith.index_cast %parallel_loop3A_161 : i32 to index
        %parallel_loop3A_435 = arith.constant 384 : index
        %parallel_loop3A_436 = tpu.vector_load %arg11[%parallel_loop3A_434, %parallel_loop3A_435] {strides = array<i32>} : memref<8x512xf32, #tpu.memory_space<vmem>>, vector<1x16xf32>,
        %parallel_loop3A_437 = vector.shape_cast %parallel_loop3A_436 : vector<1x16xf32> to vector<16xf32>
        %parallel_loop3A_438 = arith.index_cast %parallel_loop3A_161 : i32 to index
        %parallel_loop3A_439 = arith.constant 384 : index
        %parallel_loop3A_440 = tpu.vector_load %arg7[%parallel_loop3A_438, %parallel_loop3A_439] {strides = array<i32>} : memref<8x512xf32, #tpu.memory_space<vmem>>, vector<1x16xf32>,
        %parallel_loop3A_441 = vector.shape_cast %parallel_loop3A_440 : vector<1x16xf32> to vector<16xf32>
        %parallel_loop3A_442 = arith.subf %parallel_loop3A_437, %parallel_loop3A_441 : vector<16xf32>
        %parallel_loop3A_443 = arith.mulf %parallel_loop3A_442, %parallel_loop3A_442 : vector<16xf32>
        %parallel_loop3A_444 = arith.addf %parallel_loop3A_356, %parallel_loop3A_443 : vector<16xf32>
        %parallel_loop3A_445 = arith.index_cast %parallel_loop3A_161 : i32 to index
        %parallel_loop3A_446 = arith.constant 400 : index
        %parallel_loop3A_447 = tpu.vector_load %arg11[%parallel_loop3A_445, %parallel_loop3A_446] {strides = array<i32>} : memref<8x512xf32, #tpu.memory_space<vmem>>, vector<1x16xf32>,
        %parallel_loop3A_448 = vector.shape_cast %parallel_loop3A_447 : vector<1x16xf32> to vector<16xf32>
        %parallel_loop3A_449 = arith.index_cast %parallel_loop3A_161 : i32 to index
        %parallel_loop3A_450 = arith.constant 400 : index
        %parallel_loop3A_451 = tpu.vector_load %arg7[%parallel_loop3A_449, %parallel_loop3A_450] {strides = array<i32>} : memref<8x512xf32, #tpu.memory_space<vmem>>, vector<1x16xf32>,
        %parallel_loop3A_452 = vector.shape_cast %parallel_loop3A_451 : vector<1x16xf32> to vector<16xf32>
        %parallel_loop3A_453 = arith.subf %parallel_loop3A_448, %parallel_loop3A_452 : vector<16xf32>
        %parallel_loop3A_454 = arith.mulf %parallel_loop3A_453, %parallel_loop3A_453 : vector<16xf32>
        %parallel_loop3A_455 = arith.addf %parallel_loop3A_367, %parallel_loop3A_454 : vector<16xf32>
        %parallel_loop3A_456 = arith.index_cast %parallel_loop3A_161 : i32 to index
        %parallel_loop3A_457 = arith.constant 416 : index
        %parallel_loop3A_458 = tpu.vector_load %arg11[%parallel_loop3A_456, %parallel_loop3A_457] {strides = array<i32>} : memref<8x512xf32, #tpu.memory_space<vmem>>, vector<1x16xf32>,
        %parallel_loop3A_459 = vector.shape_cast %parallel_loop3A_458 : vector<1x16xf32> to vector<16xf32>
        %parallel_loop3A_460 = arith.index_cast %parallel_loop3A_161 : i32 to index
        %parallel_loop3A_461 = arith.constant 416 : index
        %parallel_loop3A_462 = tpu.vector_load %arg7[%parallel_loop3A_460, %parallel_loop3A_461] {strides = array<i32>} : memref<8x512xf32, #tpu.memory_space<vmem>>, vector<1x16xf32>,
        %parallel_loop3A_463 = vector.shape_cast %parallel_loop3A_462 : vector<1x16xf32> to vector<16xf32>
        %parallel_loop3A_464 = arith.subf %parallel_loop3A_459, %parallel_loop3A_463 : vector<16xf32>
        %parallel_loop3A_465 = arith.mulf %parallel_loop3A_464, %parallel_loop3A_464 : vector<16xf32>
        %parallel_loop3A_466 = arith.addf %parallel_loop3A_378, %parallel_loop3A_465 : vector<16xf32>
        %parallel_loop3A_467 = arith.index_cast %parallel_loop3A_161 : i32 to index
        %parallel_loop3A_468 = arith.constant 432 : index
        %parallel_loop3A_469 = tpu.vector_load %arg11[%parallel_loop3A_467, %parallel_loop3A_468] {strides = array<i32>} : memref<8x512xf32, #tpu.memory_space<vmem>>, vector<1x16xf32>,
        %parallel_loop3A_470 = vector.shape_cast %parallel_loop3A_469 : vector<1x16xf32> to vector<16xf32>
        %parallel_loop3A_471 = arith.index_cast %parallel_loop3A_161 : i32 to index
        %parallel_loop3A_472 = arith.constant 432 : index
        %parallel_loop3A_473 = tpu.vector_load %arg7[%parallel_loop3A_471, %parallel_loop3A_472] {strides = array<i32>} : memref<8x512xf32, #tpu.memory_space<vmem>>, vector<1x16xf32>,
        %parallel_loop3A_474 = vector.shape_cast %parallel_loop3A_473 : vector<1x16xf32> to vector<16xf32>
        %parallel_loop3A_475 = arith.subf %parallel_loop3A_470, %parallel_loop3A_474 : vector<16xf32>
        %parallel_loop3A_476 = arith.mulf %parallel_loop3A_475, %parallel_loop3A_475 : vector<16xf32>
        %parallel_loop3A_477 = arith.addf %parallel_loop3A_389, %parallel_loop3A_476 : vector<16xf32>
        %parallel_loop3A_478 = arith.index_cast %parallel_loop3A_161 : i32 to index
        %parallel_loop3A_479 = arith.constant 448 : index
        %parallel_loop3A_480 = tpu.vector_load %arg11[%parallel_loop3A_478, %parallel_loop3A_479] {strides = array<i32>} : memref<8x512xf32, #tpu.memory_space<vmem>>, vector<1x16xf32>,
        %parallel_loop3A_481 = vector.shape_cast %parallel_loop3A_480 : vector<1x16xf32> to vector<16xf32>
        %parallel_loop3A_482 = arith.index_cast %parallel_loop3A_161 : i32 to index
        %parallel_loop3A_483 = arith.constant 448 : index
        %parallel_loop3A_484 = tpu.vector_load %arg7[%parallel_loop3A_482, %parallel_loop3A_483] {strides = array<i32>} : memref<8x512xf32, #tpu.memory_space<vmem>>, vector<1x16xf32>,
        %parallel_loop3A_485 = vector.shape_cast %parallel_loop3A_484 : vector<1x16xf32> to vector<16xf32>
        %parallel_loop3A_486 = arith.subf %parallel_loop3A_481, %parallel_loop3A_485 : vector<16xf32>
        %parallel_loop3A_487 = arith.mulf %parallel_loop3A_486, %parallel_loop3A_486 : vector<16xf32>
        %parallel_loop3A_488 = arith.addf %parallel_loop3A_400, %parallel_loop3A_487 : vector<16xf32>
        %parallel_loop3A_489 = arith.index_cast %parallel_loop3A_161 : i32 to index
        %parallel_loop3A_490 = arith.constant 464 : index
        %parallel_loop3A_491 = tpu.vector_load %arg11[%parallel_loop3A_489, %parallel_loop3A_490] {strides = array<i32>} : memref<8x512xf32, #tpu.memory_space<vmem>>, vector<1x16xf32>,
        %parallel_loop3A_492 = vector.shape_cast %parallel_loop3A_491 : vector<1x16xf32> to vector<16xf32>
        %parallel_loop3A_493 = arith.index_cast %parallel_loop3A_161 : i32 to index
        %parallel_loop3A_494 = arith.constant 464 : index
        %parallel_loop3A_495 = tpu.vector_load %arg7[%parallel_loop3A_493, %parallel_loop3A_494] {strides = array<i32>} : memref<8x512xf32, #tpu.memory_space<vmem>>, vector<1x16xf32>,
        %parallel_loop3A_496 = vector.shape_cast %parallel_loop3A_495 : vector<1x16xf32> to vector<16xf32>
        %parallel_loop3A_497 = arith.subf %parallel_loop3A_492, %parallel_loop3A_496 : vector<16xf32>
        %parallel_loop3A_498 = arith.mulf %parallel_loop3A_497, %parallel_loop3A_497 : vector<16xf32>
        %parallel_loop3A_499 = arith.addf %parallel_loop3A_411, %parallel_loop3A_498 : vector<16xf32>
        %parallel_loop3A_500 = arith.index_cast %parallel_loop3A_161 : i32 to index
        %parallel_loop3A_501 = arith.constant 480 : index
        %parallel_loop3A_502 = tpu.vector_load %arg11[%parallel_loop3A_500, %parallel_loop3A_501] {strides = array<i32>} : memref<8x512xf32, #tpu.memory_space<vmem>>, vector<1x16xf32>,
        %parallel_loop3A_503 = vector.shape_cast %parallel_loop3A_502 : vector<1x16xf32> to vector<16xf32>
        %parallel_loop3A_504 = arith.index_cast %parallel_loop3A_161 : i32 to index
        %parallel_loop3A_505 = arith.constant 480 : index
        %parallel_loop3A_506 = tpu.vector_load %arg7[%parallel_loop3A_504, %parallel_loop3A_505] {strides = array<i32>} : memref<8x512xf32, #tpu.memory_space<vmem>>, vector<1x16xf32>,
        %parallel_loop3A_507 = vector.shape_cast %parallel_loop3A_506 : vector<1x16xf32> to vector<16xf32>
        %parallel_loop3A_508 = arith.subf %parallel_loop3A_503, %parallel_loop3A_507 : vector<16xf32>
        %parallel_loop3A_509 = arith.mulf %parallel_loop3A_508, %parallel_loop3A_508 : vector<16xf32>
        %parallel_loop3A_510 = arith.addf %parallel_loop3A_422, %parallel_loop3A_509 : vector<16xf32>
        %parallel_loop3A_511 = arith.index_cast %parallel_loop3A_161 : i32 to index
        %parallel_loop3A_512 = arith.constant 496 : index
        %parallel_loop3A_513 = tpu.vector_load %arg11[%parallel_loop3A_511, %parallel_loop3A_512] {strides = array<i32>} : memref<8x512xf32, #tpu.memory_space<vmem>>, vector<1x16xf32>,
        %parallel_loop3A_514 = vector.shape_cast %parallel_loop3A_513 : vector<1x16xf32> to vector<16xf32>
        %parallel_loop3A_515 = arith.index_cast %parallel_loop3A_161 : i32 to index
        %parallel_loop3A_516 = arith.constant 496 : index
        %parallel_loop3A_517 = tpu.vector_load %arg7[%parallel_loop3A_515, %parallel_loop3A_516] {strides = array<i32>} : memref<8x512xf32, #tpu.memory_space<vmem>>, vector<1x16xf32>,
        %parallel_loop3A_518 = vector.shape_cast %parallel_loop3A_517 : vector<1x16xf32> to vector<16xf32>
        %parallel_loop3A_519 = arith.subf %parallel_loop3A_514, %parallel_loop3A_518 : vector<16xf32>
        %parallel_loop3A_520 = arith.mulf %parallel_loop3A_519, %parallel_loop3A_519 : vector<16xf32>
        %parallel_loop3A_521 = arith.addf %parallel_loop3A_433, %parallel_loop3A_520 : vector<16xf32>
        scf.yield %parallel_loop3A_444, %parallel_loop3A_455, %parallel_loop3A_466, %parallel_loop3A_477, %parallel_loop3A_488, %parallel_loop3A_499, %parallel_loop3A_510, %parallel_loop3A_521 : vector<16xf32>, vector<16xf32>, vector<16xf32>, vector<16xf32>, vector<16xf32>, vector<16xf32>, vector<16xf32>, vector<16xf32>
      } {sc.loop_unroll_factor = 2 : i64, sc.parallel_access}
      %mul3A_92 = arith.constant 4 : i32
      %mul3A_93 = arith.muli %scan3A_65, %mul3A_92 : i32
      %add3A_94 = arith.constant 1 : i32
      %add3A_95 = arith.addi %mul3A_93, %add3A_94 : i32
      %add3A_96 = arith.constant 3 : i32
      %add3A_97 = arith.addi %add3A_95, %add3A_96 : i32
      %lt3A_98 = arith.constant 16 : i32
      %lt3A_99 = arith.cmpi slt, %add3A_97, %lt3A_98 : i32
      %convert_element_type3A_100 = arith.extui %lt3A_99 : i1 to i32
      %cond3A_101 = arith.constant 0 : i32
      %cond3A_102 = arith.cmpi ne, %convert_element_type3A_100, %cond3A_101 : i32
      scf.if %cond3A_102 {
        %mul3A_161 = arith.constant 8 : i32
        %mul3A_162 = arith.muli %add3A_97, %mul3A_161 : i32
        %dma_start3A_163 = tpu.memref_slice %arg6[%mul3A_162] : memref<128xi32, #tpu.memory_space<vmem>> -> memref<8xi32, #tpu.memory_space<vmem>>
        %dma_start3A_164 = arith.constant 0 : i32
        %dma_start3A_165 = arith.constant 0 : i32
        %dma_start3A_166 = tpu.memref_slice %arg4[%dma_start3A_164, %dma_start3A_165] : memref<100000x512xf32, #tpu.memory_space<hbm>> -> memref<100000x512xf32, #tpu.memory_space<hbm>>
        tpu.enqueue_indirect_dma source(%dma_start3A_166 : memref<100000x512xf32, #tpu.memory_space<hbm>>) target(%arg7 : memref<8x512xf32, #tpu.memory_space<vmem>>) offsets(%dma_start3A_163 : memref<8xi32, #tpu.memory_space<vmem>>) semaphore(%arg16 : memref<!tpu.dma_semaphore, #tpu.memory_space<semaphore_mem>>)
        %mul3A_167 = arith.constant 8 : i32
        %mul3A_168 = arith.muli %add3A_97, %mul3A_167 : i32
        %add3A_169 = arith.addi %mul3A_2, %mul3A_168 : i32
        %dma_start3A_170 = arith.constant 0 : i32
        %dma_start3A_171 = tpu.memref_slice %arg2[%add3A_169, %dma_start3A_170] : memref<4096x512xf32, #tpu.memory_space<hbm>> -> memref<8x512xf32, #tpu.memory_space<hbm>>
        %dma_start3A_172 = arith.constant 0 : i32
        %dma_start3A_173 = tpu.memref_slice %arg2[%add3A_169, %dma_start3A_172] : memref<4096x512xf32, #tpu.memory_space<hbm>> -> memref<8x512xf32, #tpu.memory_space<hbm>>
        tpu.enqueue_dma source(%dma_start3A_173 : memref<8x512xf32, #tpu.memory_space<hbm>>) target(%arg11 : memref<8x512xf32, #tpu.memory_space<vmem>>) target_semaphore(%arg20 : memref<!tpu.dma_semaphore, #tpu.memory_space<semaphore_mem>>)
      } else {
      }
      %dma_wait3A_103 = arith.constant 0 : i32
      %dma_wait3A_104 = tpu.memref_slice %arg2[%mul3A_2, %dma_wait3A_103] : memref<4096x512xf32, #tpu.memory_space<hbm>> -> memref<8x512xf32, #tpu.memory_space<hbm>>
      %dma_wait3A_105 = arith.constant 0 : i32
      %dma_wait3A_106 = tpu.memref_slice %arg2[%mul3A_2, %dma_wait3A_105] : memref<4096x512xf32, #tpu.memory_space<hbm>> -> memref<8x512xf32, #tpu.memory_space<hbm>>
      tpu.wait_dma2 semaphore(%arg17 : memref<!tpu.dma_semaphore, #tpu.memory_space<semaphore_mem>>) src(%dma_wait3A_106 : memref<8x512xf32, #tpu.memory_space<hbm>>) dst(%arg8 : memref<8x512xf32, #tpu.memory_space<vmem>>)
      %dma_wait3A_107 = arith.constant 0 : i32
      %dma_wait3A_108 = tpu.memref_slice %arg2[%mul3A_2, %dma_wait3A_107] : memref<4096x512xf32, #tpu.memory_space<hbm>> -> memref<8x512xf32, #tpu.memory_space<hbm>>
      %dma_wait3A_109 = arith.constant 0 : i32
      %dma_wait3A_110 = tpu.memref_slice %arg2[%mul3A_2, %dma_wait3A_109] : memref<4096x512xf32, #tpu.memory_space<hbm>> -> memref<8x512xf32, #tpu.memory_space<hbm>>
      tpu.wait_dma2 semaphore(%arg21 : memref<!tpu.dma_semaphore, #tpu.memory_space<semaphore_mem>>) src(%dma_wait3A_110 : memref<8x512xf32, #tpu.memory_space<hbm>>) dst(%arg12 : memref<8x512xf32, #tpu.memory_space<vmem>>)
      %parallel_loop3A_111 = arith.constant 0 : i32
      %parallel_loop3A_112 = arith.constant 8 : i32
      %parallel_loop3A_113 = arith.constant 1 : i32
      %parallel_loop3A_114:8 = scf.for %parallel_loop3A_161 = %parallel_loop3A_111 to %parallel_loop3A_112 step %parallel_loop3A_113 iter_args(%parallel_loop3A_162 = %parallel_loop3A_91#0, %parallel_loop3A_163 = %parallel_loop3A_91#1, %parallel_loop3A_164 = %parallel_loop3A_91#2, %parallel_loop3A_165 = %parallel_loop3A_91#3, %parallel_loop3A_166 = %parallel_loop3A_91#4, %parallel_loop3A_167 = %parallel_loop3A_91#5, %parallel_loop3A_168 = %parallel_loop3A_91#6, %parallel_loop3A_169 = %parallel_loop3A_91#7) -> (vector<16xf32>, vector<16xf32>, vector<16xf32>, vector<16xf32>, vector<16xf32>, vector<16xf32>, vector<16xf32>, vector<16xf32>)  : i32 {
        %parallel_loop3A_170 = arith.index_cast %parallel_loop3A_161 : i32 to index
        %parallel_loop3A_171 = arith.constant 0 : index
        %parallel_loop3A_172 = tpu.vector_load %arg12[%parallel_loop3A_170, %parallel_loop3A_171] {strides = array<i32>} : memref<8x512xf32, #tpu.memory_space<vmem>>, vector<1x16xf32>,
        %parallel_loop3A_173 = vector.shape_cast %parallel_loop3A_172 : vector<1x16xf32> to vector<16xf32>
        %parallel_loop3A_174 = arith.index_cast %parallel_loop3A_161 : i32 to index
        %parallel_loop3A_175 = arith.constant 0 : index
        %parallel_loop3A_176 = tpu.vector_load %arg8[%parallel_loop3A_174, %parallel_loop3A_175] {strides = array<i32>} : memref<8x512xf32, #tpu.memory_space<vmem>>, vector<1x16xf32>,
        %parallel_loop3A_177 = vector.shape_cast %parallel_loop3A_176 : vector<1x16xf32> to vector<16xf32>
        %parallel_loop3A_178 = arith.subf %parallel_loop3A_173, %parallel_loop3A_177 : vector<16xf32>
        %parallel_loop3A_179 = arith.mulf %parallel_loop3A_178, %parallel_loop3A_178 : vector<16xf32>
        %parallel_loop3A_180 = arith.addf %parallel_loop3A_162, %parallel_loop3A_179 : vector<16xf32>
        %parallel_loop3A_181 = arith.index_cast %parallel_loop3A_161 : i32 to index
        %parallel_loop3A_182 = arith.constant 16 : index
        %parallel_loop3A_183 = tpu.vector_load %arg12[%parallel_loop3A_181, %parallel_loop3A_182] {strides = array<i32>} : memref<8x512xf32, #tpu.memory_space<vmem>>, vector<1x16xf32>,
        %parallel_loop3A_184 = vector.shape_cast %parallel_loop3A_183 : vector<1x16xf32> to vector<16xf32>
        %parallel_loop3A_185 = arith.index_cast %parallel_loop3A_161 : i32 to index
        %parallel_loop3A_186 = arith.constant 16 : index
        %parallel_loop3A_187 = tpu.vector_load %arg8[%parallel_loop3A_185, %parallel_loop3A_186] {strides = array<i32>} : memref<8x512xf32, #tpu.memory_space<vmem>>, vector<1x16xf32>,
        %parallel_loop3A_188 = vector.shape_cast %parallel_loop3A_187 : vector<1x16xf32> to vector<16xf32>
        %parallel_loop3A_189 = arith.subf %parallel_loop3A_184, %parallel_loop3A_188 : vector<16xf32>
        %parallel_loop3A_190 = arith.mulf %parallel_loop3A_189, %parallel_loop3A_189 : vector<16xf32>
        %parallel_loop3A_191 = arith.addf %parallel_loop3A_163, %parallel_loop3A_190 : vector<16xf32>
        %parallel_loop3A_192 = arith.index_cast %parallel_loop3A_161 : i32 to index
        %parallel_loop3A_193 = arith.constant 32 : index
        %parallel_loop3A_194 = tpu.vector_load %arg12[%parallel_loop3A_192, %parallel_loop3A_193] {strides = array<i32>} : memref<8x512xf32, #tpu.memory_space<vmem>>, vector<1x16xf32>,
        %parallel_loop3A_195 = vector.shape_cast %parallel_loop3A_194 : vector<1x16xf32> to vector<16xf32>
        %parallel_loop3A_196 = arith.index_cast %parallel_loop3A_161 : i32 to index
        %parallel_loop3A_197 = arith.constant 32 : index
        %parallel_loop3A_198 = tpu.vector_load %arg8[%parallel_loop3A_196, %parallel_loop3A_197] {strides = array<i32>} : memref<8x512xf32, #tpu.memory_space<vmem>>, vector<1x16xf32>,
        %parallel_loop3A_199 = vector.shape_cast %parallel_loop3A_198 : vector<1x16xf32> to vector<16xf32>
        %parallel_loop3A_200 = arith.subf %parallel_loop3A_195, %parallel_loop3A_199 : vector<16xf32>
        %parallel_loop3A_201 = arith.mulf %parallel_loop3A_200, %parallel_loop3A_200 : vector<16xf32>
        %parallel_loop3A_202 = arith.addf %parallel_loop3A_164, %parallel_loop3A_201 : vector<16xf32>
        %parallel_loop3A_203 = arith.index_cast %parallel_loop3A_161 : i32 to index
        %parallel_loop3A_204 = arith.constant 48 : index
        %parallel_loop3A_205 = tpu.vector_load %arg12[%parallel_loop3A_203, %parallel_loop3A_204] {strides = array<i32>} : memref<8x512xf32, #tpu.memory_space<vmem>>, vector<1x16xf32>,
        %parallel_loop3A_206 = vector.shape_cast %parallel_loop3A_205 : vector<1x16xf32> to vector<16xf32>
        %parallel_loop3A_207 = arith.index_cast %parallel_loop3A_161 : i32 to index
        %parallel_loop3A_208 = arith.constant 48 : index
        %parallel_loop3A_209 = tpu.vector_load %arg8[%parallel_loop3A_207, %parallel_loop3A_208] {strides = array<i32>} : memref<8x512xf32, #tpu.memory_space<vmem>>, vector<1x16xf32>,
        %parallel_loop3A_210 = vector.shape_cast %parallel_loop3A_209 : vector<1x16xf32> to vector<16xf32>
        %parallel_loop3A_211 = arith.subf %parallel_loop3A_206, %parallel_loop3A_210 : vector<16xf32>
        %parallel_loop3A_212 = arith.mulf %parallel_loop3A_211, %parallel_loop3A_211 : vector<16xf32>
        %parallel_loop3A_213 = arith.addf %parallel_loop3A_165, %parallel_loop3A_212 : vector<16xf32>
        %parallel_loop3A_214 = arith.index_cast %parallel_loop3A_161 : i32 to index
        %parallel_loop3A_215 = arith.constant 64 : index
        %parallel_loop3A_216 = tpu.vector_load %arg12[%parallel_loop3A_214, %parallel_loop3A_215] {strides = array<i32>} : memref<8x512xf32, #tpu.memory_space<vmem>>, vector<1x16xf32>,
        %parallel_loop3A_217 = vector.shape_cast %parallel_loop3A_216 : vector<1x16xf32> to vector<16xf32>
        %parallel_loop3A_218 = arith.index_cast %parallel_loop3A_161 : i32 to index
        %parallel_loop3A_219 = arith.constant 64 : index
        %parallel_loop3A_220 = tpu.vector_load %arg8[%parallel_loop3A_218, %parallel_loop3A_219] {strides = array<i32>} : memref<8x512xf32, #tpu.memory_space<vmem>>, vector<1x16xf32>,
        %parallel_loop3A_221 = vector.shape_cast %parallel_loop3A_220 : vector<1x16xf32> to vector<16xf32>
        %parallel_loop3A_222 = arith.subf %parallel_loop3A_217, %parallel_loop3A_221 : vector<16xf32>
        %parallel_loop3A_223 = arith.mulf %parallel_loop3A_222, %parallel_loop3A_222 : vector<16xf32>
        %parallel_loop3A_224 = arith.addf %parallel_loop3A_166, %parallel_loop3A_223 : vector<16xf32>
        %parallel_loop3A_225 = arith.index_cast %parallel_loop3A_161 : i32 to index
        %parallel_loop3A_226 = arith.constant 80 : index
        %parallel_loop3A_227 = tpu.vector_load %arg12[%parallel_loop3A_225, %parallel_loop3A_226] {strides = array<i32>} : memref<8x512xf32, #tpu.memory_space<vmem>>, vector<1x16xf32>,
        %parallel_loop3A_228 = vector.shape_cast %parallel_loop3A_227 : vector<1x16xf32> to vector<16xf32>
        %parallel_loop3A_229 = arith.index_cast %parallel_loop3A_161 : i32 to index
        %parallel_loop3A_230 = arith.constant 80 : index
        %parallel_loop3A_231 = tpu.vector_load %arg8[%parallel_loop3A_229, %parallel_loop3A_230] {strides = array<i32>} : memref<8x512xf32, #tpu.memory_space<vmem>>, vector<1x16xf32>,
        %parallel_loop3A_232 = vector.shape_cast %parallel_loop3A_231 : vector<1x16xf32> to vector<16xf32>
        %parallel_loop3A_233 = arith.subf %parallel_loop3A_228, %parallel_loop3A_232 : vector<16xf32>
        %parallel_loop3A_234 = arith.mulf %parallel_loop3A_233, %parallel_loop3A_233 : vector<16xf32>
        %parallel_loop3A_235 = arith.addf %parallel_loop3A_167, %parallel_loop3A_234 : vector<16xf32>
        %parallel_loop3A_236 = arith.index_cast %parallel_loop3A_161 : i32 to index
        %parallel_loop3A_237 = arith.constant 96 : index
        %parallel_loop3A_238 = tpu.vector_load %arg12[%parallel_loop3A_236, %parallel_loop3A_237] {strides = array<i32>} : memref<8x512xf32, #tpu.memory_space<vmem>>, vector<1x16xf32>,
        %parallel_loop3A_239 = vector.shape_cast %parallel_loop3A_238 : vector<1x16xf32> to vector<16xf32>
        %parallel_loop3A_240 = arith.index_cast %parallel_loop3A_161 : i32 to index
        %parallel_loop3A_241 = arith.constant 96 : index
        %parallel_loop3A_242 = tpu.vector_load %arg8[%parallel_loop3A_240, %parallel_loop3A_241] {strides = array<i32>} : memref<8x512xf32, #tpu.memory_space<vmem>>, vector<1x16xf32>,
        %parallel_loop3A_243 = vector.shape_cast %parallel_loop3A_242 : vector<1x16xf32> to vector<16xf32>
        %parallel_loop3A_244 = arith.subf %parallel_loop3A_239, %parallel_loop3A_243 : vector<16xf32>
        %parallel_loop3A_245 = arith.mulf %parallel_loop3A_244, %parallel_loop3A_244 : vector<16xf32>
        %parallel_loop3A_246 = arith.addf %parallel_loop3A_168, %parallel_loop3A_245 : vector<16xf32>
        %parallel_loop3A_247 = arith.index_cast %parallel_loop3A_161 : i32 to index
        %parallel_loop3A_248 = arith.constant 112 : index
        %parallel_loop3A_249 = tpu.vector_load %arg12[%parallel_loop3A_247, %parallel_loop3A_248] {strides = array<i32>} : memref<8x512xf32, #tpu.memory_space<vmem>>, vector<1x16xf32>,
        %parallel_loop3A_250 = vector.shape_cast %parallel_loop3A_249 : vector<1x16xf32> to vector<16xf32>
        %parallel_loop3A_251 = arith.index_cast %parallel_loop3A_161 : i32 to index
        %parallel_loop3A_252 = arith.constant 112 : index
        %parallel_loop3A_253 = tpu.vector_load %arg8[%parallel_loop3A_251, %parallel_loop3A_252] {strides = array<i32>} : memref<8x512xf32, #tpu.memory_space<vmem>>, vector<1x16xf32>,
        %parallel_loop3A_254 = vector.shape_cast %parallel_loop3A_253 : vector<1x16xf32> to vector<16xf32>
        %parallel_loop3A_255 = arith.subf %parallel_loop3A_250, %parallel_loop3A_254 : vector<16xf32>
        %parallel_loop3A_256 = arith.mulf %parallel_loop3A_255, %parallel_loop3A_255 : vector<16xf32>
        %parallel_loop3A_257 = arith.addf %parallel_loop3A_169, %parallel_loop3A_256 : vector<16xf32>
        %parallel_loop3A_258 = arith.index_cast %parallel_loop3A_161 : i32 to index
        %parallel_loop3A_259 = arith.constant 128 : index
        %parallel_loop3A_260 = tpu.vector_load %arg12[%parallel_loop3A_258, %parallel_loop3A_259] {strides = array<i32>} : memref<8x512xf32, #tpu.memory_space<vmem>>, vector<1x16xf32>,
        %parallel_loop3A_261 = vector.shape_cast %parallel_loop3A_260 : vector<1x16xf32> to vector<16xf32>
        %parallel_loop3A_262 = arith.index_cast %parallel_loop3A_161 : i32 to index
        %parallel_loop3A_263 = arith.constant 128 : index
        %parallel_loop3A_264 = tpu.vector_load %arg8[%parallel_loop3A_262, %parallel_loop3A_263] {strides = array<i32>} : memref<8x512xf32, #tpu.memory_space<vmem>>, vector<1x16xf32>,
        %parallel_loop3A_265 = vector.shape_cast %parallel_loop3A_264 : vector<1x16xf32> to vector<16xf32>
        %parallel_loop3A_266 = arith.subf %parallel_loop3A_261, %parallel_loop3A_265 : vector<16xf32>
        %parallel_loop3A_267 = arith.mulf %parallel_loop3A_266, %parallel_loop3A_266 : vector<16xf32>
        %parallel_loop3A_268 = arith.addf %parallel_loop3A_180, %parallel_loop3A_267 : vector<16xf32>
        %parallel_loop3A_269 = arith.index_cast %parallel_loop3A_161 : i32 to index
        %parallel_loop3A_270 = arith.constant 144 : index
        %parallel_loop3A_271 = tpu.vector_load %arg12[%parallel_loop3A_269, %parallel_loop3A_270] {strides = array<i32>} : memref<8x512xf32, #tpu.memory_space<vmem>>, vector<1x16xf32>,
        %parallel_loop3A_272 = vector.shape_cast %parallel_loop3A_271 : vector<1x16xf32> to vector<16xf32>
        %parallel_loop3A_273 = arith.index_cast %parallel_loop3A_161 : i32 to index
        %parallel_loop3A_274 = arith.constant 144 : index
        %parallel_loop3A_275 = tpu.vector_load %arg8[%parallel_loop3A_273, %parallel_loop3A_274] {strides = array<i32>} : memref<8x512xf32, #tpu.memory_space<vmem>>, vector<1x16xf32>,
        %parallel_loop3A_276 = vector.shape_cast %parallel_loop3A_275 : vector<1x16xf32> to vector<16xf32>
        %parallel_loop3A_277 = arith.subf %parallel_loop3A_272, %parallel_loop3A_276 : vector<16xf32>
        %parallel_loop3A_278 = arith.mulf %parallel_loop3A_277, %parallel_loop3A_277 : vector<16xf32>
        %parallel_loop3A_279 = arith.addf %parallel_loop3A_191, %parallel_loop3A_278 : vector<16xf32>
        %parallel_loop3A_280 = arith.index_cast %parallel_loop3A_161 : i32 to index
        %parallel_loop3A_281 = arith.constant 160 : index
        %parallel_loop3A_282 = tpu.vector_load %arg12[%parallel_loop3A_280, %parallel_loop3A_281] {strides = array<i32>} : memref<8x512xf32, #tpu.memory_space<vmem>>, vector<1x16xf32>,
        %parallel_loop3A_283 = vector.shape_cast %parallel_loop3A_282 : vector<1x16xf32> to vector<16xf32>
        %parallel_loop3A_284 = arith.index_cast %parallel_loop3A_161 : i32 to index
        %parallel_loop3A_285 = arith.constant 160 : index
        %parallel_loop3A_286 = tpu.vector_load %arg8[%parallel_loop3A_284, %parallel_loop3A_285] {strides = array<i32>} : memref<8x512xf32, #tpu.memory_space<vmem>>, vector<1x16xf32>,
        %parallel_loop3A_287 = vector.shape_cast %parallel_loop3A_286 : vector<1x16xf32> to vector<16xf32>
        %parallel_loop3A_288 = arith.subf %parallel_loop3A_283, %parallel_loop3A_287 : vector<16xf32>
        %parallel_loop3A_289 = arith.mulf %parallel_loop3A_288, %parallel_loop3A_288 : vector<16xf32>
        %parallel_loop3A_290 = arith.addf %parallel_loop3A_202, %parallel_loop3A_289 : vector<16xf32>
        %parallel_loop3A_291 = arith.index_cast %parallel_loop3A_161 : i32 to index
        %parallel_loop3A_292 = arith.constant 176 : index
        %parallel_loop3A_293 = tpu.vector_load %arg12[%parallel_loop3A_291, %parallel_loop3A_292] {strides = array<i32>} : memref<8x512xf32, #tpu.memory_space<vmem>>, vector<1x16xf32>,
        %parallel_loop3A_294 = vector.shape_cast %parallel_loop3A_293 : vector<1x16xf32> to vector<16xf32>
        %parallel_loop3A_295 = arith.index_cast %parallel_loop3A_161 : i32 to index
        %parallel_loop3A_296 = arith.constant 176 : index
        %parallel_loop3A_297 = tpu.vector_load %arg8[%parallel_loop3A_295, %parallel_loop3A_296] {strides = array<i32>} : memref<8x512xf32, #tpu.memory_space<vmem>>, vector<1x16xf32>,
        %parallel_loop3A_298 = vector.shape_cast %parallel_loop3A_297 : vector<1x16xf32> to vector<16xf32>
        %parallel_loop3A_299 = arith.subf %parallel_loop3A_294, %parallel_loop3A_298 : vector<16xf32>
        %parallel_loop3A_300 = arith.mulf %parallel_loop3A_299, %parallel_loop3A_299 : vector<16xf32>
        %parallel_loop3A_301 = arith.addf %parallel_loop3A_213, %parallel_loop3A_300 : vector<16xf32>
        %parallel_loop3A_302 = arith.index_cast %parallel_loop3A_161 : i32 to index
        %parallel_loop3A_303 = arith.constant 192 : index
        %parallel_loop3A_304 = tpu.vector_load %arg12[%parallel_loop3A_302, %parallel_loop3A_303] {strides = array<i32>} : memref<8x512xf32, #tpu.memory_space<vmem>>, vector<1x16xf32>,
        %parallel_loop3A_305 = vector.shape_cast %parallel_loop3A_304 : vector<1x16xf32> to vector<16xf32>
        %parallel_loop3A_306 = arith.index_cast %parallel_loop3A_161 : i32 to index
        %parallel_loop3A_307 = arith.constant 192 : index
        %parallel_loop3A_308 = tpu.vector_load %arg8[%parallel_loop3A_306, %parallel_loop3A_307] {strides = array<i32>} : memref<8x512xf32, #tpu.memory_space<vmem>>, vector<1x16xf32>,
        %parallel_loop3A_309 = vector.shape_cast %parallel_loop3A_308 : vector<1x16xf32> to vector<16xf32>
        %parallel_loop3A_310 = arith.subf %parallel_loop3A_305, %parallel_loop3A_309 : vector<16xf32>
        %parallel_loop3A_311 = arith.mulf %parallel_loop3A_310, %parallel_loop3A_310 : vector<16xf32>
        %parallel_loop3A_312 = arith.addf %parallel_loop3A_224, %parallel_loop3A_311 : vector<16xf32>
        %parallel_loop3A_313 = arith.index_cast %parallel_loop3A_161 : i32 to index
        %parallel_loop3A_314 = arith.constant 208 : index
        %parallel_loop3A_315 = tpu.vector_load %arg12[%parallel_loop3A_313, %parallel_loop3A_314] {strides = array<i32>} : memref<8x512xf32, #tpu.memory_space<vmem>>, vector<1x16xf32>,
        %parallel_loop3A_316 = vector.shape_cast %parallel_loop3A_315 : vector<1x16xf32> to vector<16xf32>
        %parallel_loop3A_317 = arith.index_cast %parallel_loop3A_161 : i32 to index
        %parallel_loop3A_318 = arith.constant 208 : index
        %parallel_loop3A_319 = tpu.vector_load %arg8[%parallel_loop3A_317, %parallel_loop3A_318] {strides = array<i32>} : memref<8x512xf32, #tpu.memory_space<vmem>>, vector<1x16xf32>,
        %parallel_loop3A_320 = vector.shape_cast %parallel_loop3A_319 : vector<1x16xf32> to vector<16xf32>
        %parallel_loop3A_321 = arith.subf %parallel_loop3A_316, %parallel_loop3A_320 : vector<16xf32>
        %parallel_loop3A_322 = arith.mulf %parallel_loop3A_321, %parallel_loop3A_321 : vector<16xf32>
        %parallel_loop3A_323 = arith.addf %parallel_loop3A_235, %parallel_loop3A_322 : vector<16xf32>
        %parallel_loop3A_324 = arith.index_cast %parallel_loop3A_161 : i32 to index
        %parallel_loop3A_325 = arith.constant 224 : index
        %parallel_loop3A_326 = tpu.vector_load %arg12[%parallel_loop3A_324, %parallel_loop3A_325] {strides = array<i32>} : memref<8x512xf32, #tpu.memory_space<vmem>>, vector<1x16xf32>,
        %parallel_loop3A_327 = vector.shape_cast %parallel_loop3A_326 : vector<1x16xf32> to vector<16xf32>
        %parallel_loop3A_328 = arith.index_cast %parallel_loop3A_161 : i32 to index
        %parallel_loop3A_329 = arith.constant 224 : index
        %parallel_loop3A_330 = tpu.vector_load %arg8[%parallel_loop3A_328, %parallel_loop3A_329] {strides = array<i32>} : memref<8x512xf32, #tpu.memory_space<vmem>>, vector<1x16xf32>,
        %parallel_loop3A_331 = vector.shape_cast %parallel_loop3A_330 : vector<1x16xf32> to vector<16xf32>
        %parallel_loop3A_332 = arith.subf %parallel_loop3A_327, %parallel_loop3A_331 : vector<16xf32>
        %parallel_loop3A_333 = arith.mulf %parallel_loop3A_332, %parallel_loop3A_332 : vector<16xf32>
        %parallel_loop3A_334 = arith.addf %parallel_loop3A_246, %parallel_loop3A_333 : vector<16xf32>
        %parallel_loop3A_335 = arith.index_cast %parallel_loop3A_161 : i32 to index
        %parallel_loop3A_336 = arith.constant 240 : index
        %parallel_loop3A_337 = tpu.vector_load %arg12[%parallel_loop3A_335, %parallel_loop3A_336] {strides = array<i32>} : memref<8x512xf32, #tpu.memory_space<vmem>>, vector<1x16xf32>,
        %parallel_loop3A_338 = vector.shape_cast %parallel_loop3A_337 : vector<1x16xf32> to vector<16xf32>
        %parallel_loop3A_339 = arith.index_cast %parallel_loop3A_161 : i32 to index
        %parallel_loop3A_340 = arith.constant 240 : index
        %parallel_loop3A_341 = tpu.vector_load %arg8[%parallel_loop3A_339, %parallel_loop3A_340] {strides = array<i32>} : memref<8x512xf32, #tpu.memory_space<vmem>>, vector<1x16xf32>,
        %parallel_loop3A_342 = vector.shape_cast %parallel_loop3A_341 : vector<1x16xf32> to vector<16xf32>
        %parallel_loop3A_343 = arith.subf %parallel_loop3A_338, %parallel_loop3A_342 : vector<16xf32>
        %parallel_loop3A_344 = arith.mulf %parallel_loop3A_343, %parallel_loop3A_343 : vector<16xf32>
        %parallel_loop3A_345 = arith.addf %parallel_loop3A_257, %parallel_loop3A_344 : vector<16xf32>
        %parallel_loop3A_346 = arith.index_cast %parallel_loop3A_161 : i32 to index
        %parallel_loop3A_347 = arith.constant 256 : index
        %parallel_loop3A_348 = tpu.vector_load %arg12[%parallel_loop3A_346, %parallel_loop3A_347] {strides = array<i32>} : memref<8x512xf32, #tpu.memory_space<vmem>>, vector<1x16xf32>,
        %parallel_loop3A_349 = vector.shape_cast %parallel_loop3A_348 : vector<1x16xf32> to vector<16xf32>
        %parallel_loop3A_350 = arith.index_cast %parallel_loop3A_161 : i32 to index
        %parallel_loop3A_351 = arith.constant 256 : index
        %parallel_loop3A_352 = tpu.vector_load %arg8[%parallel_loop3A_350, %parallel_loop3A_351] {strides = array<i32>} : memref<8x512xf32, #tpu.memory_space<vmem>>, vector<1x16xf32>,
        %parallel_loop3A_353 = vector.shape_cast %parallel_loop3A_352 : vector<1x16xf32> to vector<16xf32>
        %parallel_loop3A_354 = arith.subf %parallel_loop3A_349, %parallel_loop3A_353 : vector<16xf32>
        %parallel_loop3A_355 = arith.mulf %parallel_loop3A_354, %parallel_loop3A_354 : vector<16xf32>
        %parallel_loop3A_356 = arith.addf %parallel_loop3A_268, %parallel_loop3A_355 : vector<16xf32>
        %parallel_loop3A_357 = arith.index_cast %parallel_loop3A_161 : i32 to index
        %parallel_loop3A_358 = arith.constant 272 : index
        %parallel_loop3A_359 = tpu.vector_load %arg12[%parallel_loop3A_357, %parallel_loop3A_358] {strides = array<i32>} : memref<8x512xf32, #tpu.memory_space<vmem>>, vector<1x16xf32>,
        %parallel_loop3A_360 = vector.shape_cast %parallel_loop3A_359 : vector<1x16xf32> to vector<16xf32>
        %parallel_loop3A_361 = arith.index_cast %parallel_loop3A_161 : i32 to index
        %parallel_loop3A_362 = arith.constant 272 : index
        %parallel_loop3A_363 = tpu.vector_load %arg8[%parallel_loop3A_361, %parallel_loop3A_362] {strides = array<i32>} : memref<8x512xf32, #tpu.memory_space<vmem>>, vector<1x16xf32>,
        %parallel_loop3A_364 = vector.shape_cast %parallel_loop3A_363 : vector<1x16xf32> to vector<16xf32>
        %parallel_loop3A_365 = arith.subf %parallel_loop3A_360, %parallel_loop3A_364 : vector<16xf32>
        %parallel_loop3A_366 = arith.mulf %parallel_loop3A_365, %parallel_loop3A_365 : vector<16xf32>
        %parallel_loop3A_367 = arith.addf %parallel_loop3A_279, %parallel_loop3A_366 : vector<16xf32>
        %parallel_loop3A_368 = arith.index_cast %parallel_loop3A_161 : i32 to index
        %parallel_loop3A_369 = arith.constant 288 : index
        %parallel_loop3A_370 = tpu.vector_load %arg12[%parallel_loop3A_368, %parallel_loop3A_369] {strides = array<i32>} : memref<8x512xf32, #tpu.memory_space<vmem>>, vector<1x16xf32>,
        %parallel_loop3A_371 = vector.shape_cast %parallel_loop3A_370 : vector<1x16xf32> to vector<16xf32>
        %parallel_loop3A_372 = arith.index_cast %parallel_loop3A_161 : i32 to index
        %parallel_loop3A_373 = arith.constant 288 : index
        %parallel_loop3A_374 = tpu.vector_load %arg8[%parallel_loop3A_372, %parallel_loop3A_373] {strides = array<i32>} : memref<8x512xf32, #tpu.memory_space<vmem>>, vector<1x16xf32>,
        %parallel_loop3A_375 = vector.shape_cast %parallel_loop3A_374 : vector<1x16xf32> to vector<16xf32>
        %parallel_loop3A_376 = arith.subf %parallel_loop3A_371, %parallel_loop3A_375 : vector<16xf32>
        %parallel_loop3A_377 = arith.mulf %parallel_loop3A_376, %parallel_loop3A_376 : vector<16xf32>
        %parallel_loop3A_378 = arith.addf %parallel_loop3A_290, %parallel_loop3A_377 : vector<16xf32>
        %parallel_loop3A_379 = arith.index_cast %parallel_loop3A_161 : i32 to index
        %parallel_loop3A_380 = arith.constant 304 : index
        %parallel_loop3A_381 = tpu.vector_load %arg12[%parallel_loop3A_379, %parallel_loop3A_380] {strides = array<i32>} : memref<8x512xf32, #tpu.memory_space<vmem>>, vector<1x16xf32>,
        %parallel_loop3A_382 = vector.shape_cast %parallel_loop3A_381 : vector<1x16xf32> to vector<16xf32>
        %parallel_loop3A_383 = arith.index_cast %parallel_loop3A_161 : i32 to index
        %parallel_loop3A_384 = arith.constant 304 : index
        %parallel_loop3A_385 = tpu.vector_load %arg8[%parallel_loop3A_383, %parallel_loop3A_384] {strides = array<i32>} : memref<8x512xf32, #tpu.memory_space<vmem>>, vector<1x16xf32>,
        %parallel_loop3A_386 = vector.shape_cast %parallel_loop3A_385 : vector<1x16xf32> to vector<16xf32>
        %parallel_loop3A_387 = arith.subf %parallel_loop3A_382, %parallel_loop3A_386 : vector<16xf32>
        %parallel_loop3A_388 = arith.mulf %parallel_loop3A_387, %parallel_loop3A_387 : vector<16xf32>
        %parallel_loop3A_389 = arith.addf %parallel_loop3A_301, %parallel_loop3A_388 : vector<16xf32>
        %parallel_loop3A_390 = arith.index_cast %parallel_loop3A_161 : i32 to index
        %parallel_loop3A_391 = arith.constant 320 : index
        %parallel_loop3A_392 = tpu.vector_load %arg12[%parallel_loop3A_390, %parallel_loop3A_391] {strides = array<i32>} : memref<8x512xf32, #tpu.memory_space<vmem>>, vector<1x16xf32>,
        %parallel_loop3A_393 = vector.shape_cast %parallel_loop3A_392 : vector<1x16xf32> to vector<16xf32>
        %parallel_loop3A_394 = arith.index_cast %parallel_loop3A_161 : i32 to index
        %parallel_loop3A_395 = arith.constant 320 : index
        %parallel_loop3A_396 = tpu.vector_load %arg8[%parallel_loop3A_394, %parallel_loop3A_395] {strides = array<i32>} : memref<8x512xf32, #tpu.memory_space<vmem>>, vector<1x16xf32>,
        %parallel_loop3A_397 = vector.shape_cast %parallel_loop3A_396 : vector<1x16xf32> to vector<16xf32>
        %parallel_loop3A_398 = arith.subf %parallel_loop3A_393, %parallel_loop3A_397 : vector<16xf32>
        %parallel_loop3A_399 = arith.mulf %parallel_loop3A_398, %parallel_loop3A_398 : vector<16xf32>
        %parallel_loop3A_400 = arith.addf %parallel_loop3A_312, %parallel_loop3A_399 : vector<16xf32>
        %parallel_loop3A_401 = arith.index_cast %parallel_loop3A_161 : i32 to index
        %parallel_loop3A_402 = arith.constant 336 : index
        %parallel_loop3A_403 = tpu.vector_load %arg12[%parallel_loop3A_401, %parallel_loop3A_402] {strides = array<i32>} : memref<8x512xf32, #tpu.memory_space<vmem>>, vector<1x16xf32>,
        %parallel_loop3A_404 = vector.shape_cast %parallel_loop3A_403 : vector<1x16xf32> to vector<16xf32>
        %parallel_loop3A_405 = arith.index_cast %parallel_loop3A_161 : i32 to index
        %parallel_loop3A_406 = arith.constant 336 : index
        %parallel_loop3A_407 = tpu.vector_load %arg8[%parallel_loop3A_405, %parallel_loop3A_406] {strides = array<i32>} : memref<8x512xf32, #tpu.memory_space<vmem>>, vector<1x16xf32>,
        %parallel_loop3A_408 = vector.shape_cast %parallel_loop3A_407 : vector<1x16xf32> to vector<16xf32>
        %parallel_loop3A_409 = arith.subf %parallel_loop3A_404, %parallel_loop3A_408 : vector<16xf32>
        %parallel_loop3A_410 = arith.mulf %parallel_loop3A_409, %parallel_loop3A_409 : vector<16xf32>
        %parallel_loop3A_411 = arith.addf %parallel_loop3A_323, %parallel_loop3A_410 : vector<16xf32>
        %parallel_loop3A_412 = arith.index_cast %parallel_loop3A_161 : i32 to index
        %parallel_loop3A_413 = arith.constant 352 : index
        %parallel_loop3A_414 = tpu.vector_load %arg12[%parallel_loop3A_412, %parallel_loop3A_413] {strides = array<i32>} : memref<8x512xf32, #tpu.memory_space<vmem>>, vector<1x16xf32>,
        %parallel_loop3A_415 = vector.shape_cast %parallel_loop3A_414 : vector<1x16xf32> to vector<16xf32>
        %parallel_loop3A_416 = arith.index_cast %parallel_loop3A_161 : i32 to index
        %parallel_loop3A_417 = arith.constant 352 : index
        %parallel_loop3A_418 = tpu.vector_load %arg8[%parallel_loop3A_416, %parallel_loop3A_417] {strides = array<i32>} : memref<8x512xf32, #tpu.memory_space<vmem>>, vector<1x16xf32>,
        %parallel_loop3A_419 = vector.shape_cast %parallel_loop3A_418 : vector<1x16xf32> to vector<16xf32>
        %parallel_loop3A_420 = arith.subf %parallel_loop3A_415, %parallel_loop3A_419 : vector<16xf32>
        %parallel_loop3A_421 = arith.mulf %parallel_loop3A_420, %parallel_loop3A_420 : vector<16xf32>
        %parallel_loop3A_422 = arith.addf %parallel_loop3A_334, %parallel_loop3A_421 : vector<16xf32>
        %parallel_loop3A_423 = arith.index_cast %parallel_loop3A_161 : i32 to index
        %parallel_loop3A_424 = arith.constant 368 : index
        %parallel_loop3A_425 = tpu.vector_load %arg12[%parallel_loop3A_423, %parallel_loop3A_424] {strides = array<i32>} : memref<8x512xf32, #tpu.memory_space<vmem>>, vector<1x16xf32>,
        %parallel_loop3A_426 = vector.shape_cast %parallel_loop3A_425 : vector<1x16xf32> to vector<16xf32>
        %parallel_loop3A_427 = arith.index_cast %parallel_loop3A_161 : i32 to index
        %parallel_loop3A_428 = arith.constant 368 : index
        %parallel_loop3A_429 = tpu.vector_load %arg8[%parallel_loop3A_427, %parallel_loop3A_428] {strides = array<i32>} : memref<8x512xf32, #tpu.memory_space<vmem>>, vector<1x16xf32>,
        %parallel_loop3A_430 = vector.shape_cast %parallel_loop3A_429 : vector<1x16xf32> to vector<16xf32>
        %parallel_loop3A_431 = arith.subf %parallel_loop3A_426, %parallel_loop3A_430 : vector<16xf32>
        %parallel_loop3A_432 = arith.mulf %parallel_loop3A_431, %parallel_loop3A_431 : vector<16xf32>
        %parallel_loop3A_433 = arith.addf %parallel_loop3A_345, %parallel_loop3A_432 : vector<16xf32>
        %parallel_loop3A_434 = arith.index_cast %parallel_loop3A_161 : i32 to index
        %parallel_loop3A_435 = arith.constant 384 : index
        %parallel_loop3A_436 = tpu.vector_load %arg12[%parallel_loop3A_434, %parallel_loop3A_435] {strides = array<i32>} : memref<8x512xf32, #tpu.memory_space<vmem>>, vector<1x16xf32>,
        %parallel_loop3A_437 = vector.shape_cast %parallel_loop3A_436 : vector<1x16xf32> to vector<16xf32>
        %parallel_loop3A_438 = arith.index_cast %parallel_loop3A_161 : i32 to index
        %parallel_loop3A_439 = arith.constant 384 : index
        %parallel_loop3A_440 = tpu.vector_load %arg8[%parallel_loop3A_438, %parallel_loop3A_439] {strides = array<i32>} : memref<8x512xf32, #tpu.memory_space<vmem>>, vector<1x16xf32>,
        %parallel_loop3A_441 = vector.shape_cast %parallel_loop3A_440 : vector<1x16xf32> to vector<16xf32>
        %parallel_loop3A_442 = arith.subf %parallel_loop3A_437, %parallel_loop3A_441 : vector<16xf32>
        %parallel_loop3A_443 = arith.mulf %parallel_loop3A_442, %parallel_loop3A_442 : vector<16xf32>
        %parallel_loop3A_444 = arith.addf %parallel_loop3A_356, %parallel_loop3A_443 : vector<16xf32>
        %parallel_loop3A_445 = arith.index_cast %parallel_loop3A_161 : i32 to index
        %parallel_loop3A_446 = arith.constant 400 : index
        %parallel_loop3A_447 = tpu.vector_load %arg12[%parallel_loop3A_445, %parallel_loop3A_446] {strides = array<i32>} : memref<8x512xf32, #tpu.memory_space<vmem>>, vector<1x16xf32>,
        %parallel_loop3A_448 = vector.shape_cast %parallel_loop3A_447 : vector<1x16xf32> to vector<16xf32>
        %parallel_loop3A_449 = arith.index_cast %parallel_loop3A_161 : i32 to index
        %parallel_loop3A_450 = arith.constant 400 : index
        %parallel_loop3A_451 = tpu.vector_load %arg8[%parallel_loop3A_449, %parallel_loop3A_450] {strides = array<i32>} : memref<8x512xf32, #tpu.memory_space<vmem>>, vector<1x16xf32>,
        %parallel_loop3A_452 = vector.shape_cast %parallel_loop3A_451 : vector<1x16xf32> to vector<16xf32>
        %parallel_loop3A_453 = arith.subf %parallel_loop3A_448, %parallel_loop3A_452 : vector<16xf32>
        %parallel_loop3A_454 = arith.mulf %parallel_loop3A_453, %parallel_loop3A_453 : vector<16xf32>
        %parallel_loop3A_455 = arith.addf %parallel_loop3A_367, %parallel_loop3A_454 : vector<16xf32>
        %parallel_loop3A_456 = arith.index_cast %parallel_loop3A_161 : i32 to index
        %parallel_loop3A_457 = arith.constant 416 : index
        %parallel_loop3A_458 = tpu.vector_load %arg12[%parallel_loop3A_456, %parallel_loop3A_457] {strides = array<i32>} : memref<8x512xf32, #tpu.memory_space<vmem>>, vector<1x16xf32>,
        %parallel_loop3A_459 = vector.shape_cast %parallel_loop3A_458 : vector<1x16xf32> to vector<16xf32>
        %parallel_loop3A_460 = arith.index_cast %parallel_loop3A_161 : i32 to index
        %parallel_loop3A_461 = arith.constant 416 : index
        %parallel_loop3A_462 = tpu.vector_load %arg8[%parallel_loop3A_460, %parallel_loop3A_461] {strides = array<i32>} : memref<8x512xf32, #tpu.memory_space<vmem>>, vector<1x16xf32>,
        %parallel_loop3A_463 = vector.shape_cast %parallel_loop3A_462 : vector<1x16xf32> to vector<16xf32>
        %parallel_loop3A_464 = arith.subf %parallel_loop3A_459, %parallel_loop3A_463 : vector<16xf32>
        %parallel_loop3A_465 = arith.mulf %parallel_loop3A_464, %parallel_loop3A_464 : vector<16xf32>
        %parallel_loop3A_466 = arith.addf %parallel_loop3A_378, %parallel_loop3A_465 : vector<16xf32>
        %parallel_loop3A_467 = arith.index_cast %parallel_loop3A_161 : i32 to index
        %parallel_loop3A_468 = arith.constant 432 : index
        %parallel_loop3A_469 = tpu.vector_load %arg12[%parallel_loop3A_467, %parallel_loop3A_468] {strides = array<i32>} : memref<8x512xf32, #tpu.memory_space<vmem>>, vector<1x16xf32>,
        %parallel_loop3A_470 = vector.shape_cast %parallel_loop3A_469 : vector<1x16xf32> to vector<16xf32>
        %parallel_loop3A_471 = arith.index_cast %parallel_loop3A_161 : i32 to index
        %parallel_loop3A_472 = arith.constant 432 : index
        %parallel_loop3A_473 = tpu.vector_load %arg8[%parallel_loop3A_471, %parallel_loop3A_472] {strides = array<i32>} : memref<8x512xf32, #tpu.memory_space<vmem>>, vector<1x16xf32>,
        %parallel_loop3A_474 = vector.shape_cast %parallel_loop3A_473 : vector<1x16xf32> to vector<16xf32>
        %parallel_loop3A_475 = arith.subf %parallel_loop3A_470, %parallel_loop3A_474 : vector<16xf32>
        %parallel_loop3A_476 = arith.mulf %parallel_loop3A_475, %parallel_loop3A_475 : vector<16xf32>
        %parallel_loop3A_477 = arith.addf %parallel_loop3A_389, %parallel_loop3A_476 : vector<16xf32>
        %parallel_loop3A_478 = arith.index_cast %parallel_loop3A_161 : i32 to index
        %parallel_loop3A_479 = arith.constant 448 : index
        %parallel_loop3A_480 = tpu.vector_load %arg12[%parallel_loop3A_478, %parallel_loop3A_479] {strides = array<i32>} : memref<8x512xf32, #tpu.memory_space<vmem>>, vector<1x16xf32>,
        %parallel_loop3A_481 = vector.shape_cast %parallel_loop3A_480 : vector<1x16xf32> to vector<16xf32>
        %parallel_loop3A_482 = arith.index_cast %parallel_loop3A_161 : i32 to index
        %parallel_loop3A_483 = arith.constant 448 : index
        %parallel_loop3A_484 = tpu.vector_load %arg8[%parallel_loop3A_482, %parallel_loop3A_483] {strides = array<i32>} : memref<8x512xf32, #tpu.memory_space<vmem>>, vector<1x16xf32>,
        %parallel_loop3A_485 = vector.shape_cast %parallel_loop3A_484 : vector<1x16xf32> to vector<16xf32>
        %parallel_loop3A_486 = arith.subf %parallel_loop3A_481, %parallel_loop3A_485 : vector<16xf32>
        %parallel_loop3A_487 = arith.mulf %parallel_loop3A_486, %parallel_loop3A_486 : vector<16xf32>
        %parallel_loop3A_488 = arith.addf %parallel_loop3A_400, %parallel_loop3A_487 : vector<16xf32>
        %parallel_loop3A_489 = arith.index_cast %parallel_loop3A_161 : i32 to index
        %parallel_loop3A_490 = arith.constant 464 : index
        %parallel_loop3A_491 = tpu.vector_load %arg12[%parallel_loop3A_489, %parallel_loop3A_490] {strides = array<i32>} : memref<8x512xf32, #tpu.memory_space<vmem>>, vector<1x16xf32>,
        %parallel_loop3A_492 = vector.shape_cast %parallel_loop3A_491 : vector<1x16xf32> to vector<16xf32>
        %parallel_loop3A_493 = arith.index_cast %parallel_loop3A_161 : i32 to index
        %parallel_loop3A_494 = arith.constant 464 : index
        %parallel_loop3A_495 = tpu.vector_load %arg8[%parallel_loop3A_493, %parallel_loop3A_494] {strides = array<i32>} : memref<8x512xf32, #tpu.memory_space<vmem>>, vector<1x16xf32>,
        %parallel_loop3A_496 = vector.shape_cast %parallel_loop3A_495 : vector<1x16xf32> to vector<16xf32>
        %parallel_loop3A_497 = arith.subf %parallel_loop3A_492, %parallel_loop3A_496 : vector<16xf32>
        %parallel_loop3A_498 = arith.mulf %parallel_loop3A_497, %parallel_loop3A_497 : vector<16xf32>
        %parallel_loop3A_499 = arith.addf %parallel_loop3A_411, %parallel_loop3A_498 : vector<16xf32>
        %parallel_loop3A_500 = arith.index_cast %parallel_loop3A_161 : i32 to index
        %parallel_loop3A_501 = arith.constant 480 : index
        %parallel_loop3A_502 = tpu.vector_load %arg12[%parallel_loop3A_500, %parallel_loop3A_501] {strides = array<i32>} : memref<8x512xf32, #tpu.memory_space<vmem>>, vector<1x16xf32>,
        %parallel_loop3A_503 = vector.shape_cast %parallel_loop3A_502 : vector<1x16xf32> to vector<16xf32>
        %parallel_loop3A_504 = arith.index_cast %parallel_loop3A_161 : i32 to index
        %parallel_loop3A_505 = arith.constant 480 : index
        %parallel_loop3A_506 = tpu.vector_load %arg8[%parallel_loop3A_504, %parallel_loop3A_505] {strides = array<i32>} : memref<8x512xf32, #tpu.memory_space<vmem>>, vector<1x16xf32>,
        %parallel_loop3A_507 = vector.shape_cast %parallel_loop3A_506 : vector<1x16xf32> to vector<16xf32>
        %parallel_loop3A_508 = arith.subf %parallel_loop3A_503, %parallel_loop3A_507 : vector<16xf32>
        %parallel_loop3A_509 = arith.mulf %parallel_loop3A_508, %parallel_loop3A_508 : vector<16xf32>
        %parallel_loop3A_510 = arith.addf %parallel_loop3A_422, %parallel_loop3A_509 : vector<16xf32>
        %parallel_loop3A_511 = arith.index_cast %parallel_loop3A_161 : i32 to index
        %parallel_loop3A_512 = arith.constant 496 : index
        %parallel_loop3A_513 = tpu.vector_load %arg12[%parallel_loop3A_511, %parallel_loop3A_512] {strides = array<i32>} : memref<8x512xf32, #tpu.memory_space<vmem>>, vector<1x16xf32>,
        %parallel_loop3A_514 = vector.shape_cast %parallel_loop3A_513 : vector<1x16xf32> to vector<16xf32>
        %parallel_loop3A_515 = arith.index_cast %parallel_loop3A_161 : i32 to index
        %parallel_loop3A_516 = arith.constant 496 : index
        %parallel_loop3A_517 = tpu.vector_load %arg8[%parallel_loop3A_515, %parallel_loop3A_516] {strides = array<i32>} : memref<8x512xf32, #tpu.memory_space<vmem>>, vector<1x16xf32>,
        %parallel_loop3A_518 = vector.shape_cast %parallel_loop3A_517 : vector<1x16xf32> to vector<16xf32>
        %parallel_loop3A_519 = arith.subf %parallel_loop3A_514, %parallel_loop3A_518 : vector<16xf32>
        %parallel_loop3A_520 = arith.mulf %parallel_loop3A_519, %parallel_loop3A_519 : vector<16xf32>
        %parallel_loop3A_521 = arith.addf %parallel_loop3A_433, %parallel_loop3A_520 : vector<16xf32>
        scf.yield %parallel_loop3A_444, %parallel_loop3A_455, %parallel_loop3A_466, %parallel_loop3A_477, %parallel_loop3A_488, %parallel_loop3A_499, %parallel_loop3A_510, %parallel_loop3A_521 : vector<16xf32>, vector<16xf32>, vector<16xf32>, vector<16xf32>, vector<16xf32>, vector<16xf32>, vector<16xf32>, vector<16xf32>
      } {sc.loop_unroll_factor = 2 : i64, sc.parallel_access}
      %mul3A_115 = arith.constant 4 : i32
      %mul3A_116 = arith.muli %scan3A_65, %mul3A_115 : i32
      %add3A_117 = arith.constant 2 : i32
      %add3A_118 = arith.addi %mul3A_116, %add3A_117 : i32
      %add3A_119 = arith.constant 3 : i32
      %add3A_120 = arith.addi %add3A_118, %add3A_119 : i32
      %lt3A_121 = arith.constant 16 : i32
      %lt3A_122 = arith.cmpi slt, %add3A_120, %lt3A_121 : i32
      %convert_element_type3A_123 = arith.extui %lt3A_122 : i1 to i32
      %cond3A_124 = arith.constant 0 : i32
      %cond3A_125 = arith.cmpi ne, %convert_element_type3A_123, %cond3A_124 : i32
      scf.if %cond3A_125 {
        %mul3A_161 = arith.constant 8 : i32
        %mul3A_162 = arith.muli %add3A_120, %mul3A_161 : i32
        %dma_start3A_163 = tpu.memref_slice %arg6[%mul3A_162] : memref<128xi32, #tpu.memory_space<vmem>> -> memref<8xi32, #tpu.memory_space<vmem>>
        %dma_start3A_164 = arith.constant 0 : i32
        %dma_start3A_165 = arith.constant 0 : i32
        %dma_start3A_166 = tpu.memref_slice %arg4[%dma_start3A_164, %dma_start3A_165] : memref<100000x512xf32, #tpu.memory_space<hbm>> -> memref<100000x512xf32, #tpu.memory_space<hbm>>
        tpu.enqueue_indirect_dma source(%dma_start3A_166 : memref<100000x512xf32, #tpu.memory_space<hbm>>) target(%arg8 : memref<8x512xf32, #tpu.memory_space<vmem>>) offsets(%dma_start3A_163 : memref<8xi32, #tpu.memory_space<vmem>>) semaphore(%arg17 : memref<!tpu.dma_semaphore, #tpu.memory_space<semaphore_mem>>)
        %mul3A_167 = arith.constant 8 : i32
        %mul3A_168 = arith.muli %add3A_120, %mul3A_167 : i32
        %add3A_169 = arith.addi %mul3A_2, %mul3A_168 : i32
        %dma_start3A_170 = arith.constant 0 : i32
        %dma_start3A_171 = tpu.memref_slice %arg2[%add3A_169, %dma_start3A_170] : memref<4096x512xf32, #tpu.memory_space<hbm>> -> memref<8x512xf32, #tpu.memory_space<hbm>>
        %dma_start3A_172 = arith.constant 0 : i32
        %dma_start3A_173 = tpu.memref_slice %arg2[%add3A_169, %dma_start3A_172] : memref<4096x512xf32, #tpu.memory_space<hbm>> -> memref<8x512xf32, #tpu.memory_space<hbm>>
        tpu.enqueue_dma source(%dma_start3A_173 : memref<8x512xf32, #tpu.memory_space<hbm>>) target(%arg12 : memref<8x512xf32, #tpu.memory_space<vmem>>) target_semaphore(%arg21 : memref<!tpu.dma_semaphore, #tpu.memory_space<semaphore_mem>>)
      } else {
      }
      %dma_wait3A_126 = arith.constant 0 : i32
      %dma_wait3A_127 = tpu.memref_slice %arg2[%mul3A_2, %dma_wait3A_126] : memref<4096x512xf32, #tpu.memory_space<hbm>> -> memref<8x512xf32, #tpu.memory_space<hbm>>
      %dma_wait3A_128 = arith.constant 0 : i32
      %dma_wait3A_129 = tpu.memref_slice %arg2[%mul3A_2, %dma_wait3A_128] : memref<4096x512xf32, #tpu.memory_space<hbm>> -> memref<8x512xf32, #tpu.memory_space<hbm>>
      tpu.wait_dma2 semaphore(%arg18 : memref<!tpu.dma_semaphore, #tpu.memory_space<semaphore_mem>>) src(%dma_wait3A_129 : memref<8x512xf32, #tpu.memory_space<hbm>>) dst(%arg9 : memref<8x512xf32, #tpu.memory_space<vmem>>)
      %dma_wait3A_130 = arith.constant 0 : i32
      %dma_wait3A_131 = tpu.memref_slice %arg2[%mul3A_2, %dma_wait3A_130] : memref<4096x512xf32, #tpu.memory_space<hbm>> -> memref<8x512xf32, #tpu.memory_space<hbm>>
      %dma_wait3A_132 = arith.constant 0 : i32
      %dma_wait3A_133 = tpu.memref_slice %arg2[%mul3A_2, %dma_wait3A_132] : memref<4096x512xf32, #tpu.memory_space<hbm>> -> memref<8x512xf32, #tpu.memory_space<hbm>>
      tpu.wait_dma2 semaphore(%arg22 : memref<!tpu.dma_semaphore, #tpu.memory_space<semaphore_mem>>) src(%dma_wait3A_133 : memref<8x512xf32, #tpu.memory_space<hbm>>) dst(%arg13 : memref<8x512xf32, #tpu.memory_space<vmem>>)
      %parallel_loop3A_134 = arith.constant 0 : i32
      %parallel_loop3A_135 = arith.constant 8 : i32
      %parallel_loop3A_136 = arith.constant 1 : i32
      %parallel_loop3A_137:8 = scf.for %parallel_loop3A_161 = %parallel_loop3A_134 to %parallel_loop3A_135 step %parallel_loop3A_136 iter_args(%parallel_loop3A_162 = %parallel_loop3A_114#0, %parallel_loop3A_163 = %parallel_loop3A_114#1, %parallel_loop3A_164 = %parallel_loop3A_114#2, %parallel_loop3A_165 = %parallel_loop3A_114#3, %parallel_loop3A_166 = %parallel_loop3A_114#4, %parallel_loop3A_167 = %parallel_loop3A_114#5, %parallel_loop3A_168 = %parallel_loop3A_114#6, %parallel_loop3A_169 = %parallel_loop3A_114#7) -> (vector<16xf32>, vector<16xf32>, vector<16xf32>, vector<16xf32>, vector<16xf32>, vector<16xf32>, vector<16xf32>, vector<16xf32>)  : i32 {
        %parallel_loop3A_170 = arith.index_cast %parallel_loop3A_161 : i32 to index
        %parallel_loop3A_171 = arith.constant 0 : index
        %parallel_loop3A_172 = tpu.vector_load %arg13[%parallel_loop3A_170, %parallel_loop3A_171] {strides = array<i32>} : memref<8x512xf32, #tpu.memory_space<vmem>>, vector<1x16xf32>,
        %parallel_loop3A_173 = vector.shape_cast %parallel_loop3A_172 : vector<1x16xf32> to vector<16xf32>
        %parallel_loop3A_174 = arith.index_cast %parallel_loop3A_161 : i32 to index
        %parallel_loop3A_175 = arith.constant 0 : index
        %parallel_loop3A_176 = tpu.vector_load %arg9[%parallel_loop3A_174, %parallel_loop3A_175] {strides = array<i32>} : memref<8x512xf32, #tpu.memory_space<vmem>>, vector<1x16xf32>,
        %parallel_loop3A_177 = vector.shape_cast %parallel_loop3A_176 : vector<1x16xf32> to vector<16xf32>
        %parallel_loop3A_178 = arith.subf %parallel_loop3A_173, %parallel_loop3A_177 : vector<16xf32>
        %parallel_loop3A_179 = arith.mulf %parallel_loop3A_178, %parallel_loop3A_178 : vector<16xf32>
        %parallel_loop3A_180 = arith.addf %parallel_loop3A_162, %parallel_loop3A_179 : vector<16xf32>
        %parallel_loop3A_181 = arith.index_cast %parallel_loop3A_161 : i32 to index
        %parallel_loop3A_182 = arith.constant 16 : index
        %parallel_loop3A_183 = tpu.vector_load %arg13[%parallel_loop3A_181, %parallel_loop3A_182] {strides = array<i32>} : memref<8x512xf32, #tpu.memory_space<vmem>>, vector<1x16xf32>,
        %parallel_loop3A_184 = vector.shape_cast %parallel_loop3A_183 : vector<1x16xf32> to vector<16xf32>
        %parallel_loop3A_185 = arith.index_cast %parallel_loop3A_161 : i32 to index
        %parallel_loop3A_186 = arith.constant 16 : index
        %parallel_loop3A_187 = tpu.vector_load %arg9[%parallel_loop3A_185, %parallel_loop3A_186] {strides = array<i32>} : memref<8x512xf32, #tpu.memory_space<vmem>>, vector<1x16xf32>,
        %parallel_loop3A_188 = vector.shape_cast %parallel_loop3A_187 : vector<1x16xf32> to vector<16xf32>
        %parallel_loop3A_189 = arith.subf %parallel_loop3A_184, %parallel_loop3A_188 : vector<16xf32>
        %parallel_loop3A_190 = arith.mulf %parallel_loop3A_189, %parallel_loop3A_189 : vector<16xf32>
        %parallel_loop3A_191 = arith.addf %parallel_loop3A_163, %parallel_loop3A_190 : vector<16xf32>
        %parallel_loop3A_192 = arith.index_cast %parallel_loop3A_161 : i32 to index
        %parallel_loop3A_193 = arith.constant 32 : index
        %parallel_loop3A_194 = tpu.vector_load %arg13[%parallel_loop3A_192, %parallel_loop3A_193] {strides = array<i32>} : memref<8x512xf32, #tpu.memory_space<vmem>>, vector<1x16xf32>,
        %parallel_loop3A_195 = vector.shape_cast %parallel_loop3A_194 : vector<1x16xf32> to vector<16xf32>
        %parallel_loop3A_196 = arith.index_cast %parallel_loop3A_161 : i32 to index
        %parallel_loop3A_197 = arith.constant 32 : index
        %parallel_loop3A_198 = tpu.vector_load %arg9[%parallel_loop3A_196, %parallel_loop3A_197] {strides = array<i32>} : memref<8x512xf32, #tpu.memory_space<vmem>>, vector<1x16xf32>,
        %parallel_loop3A_199 = vector.shape_cast %parallel_loop3A_198 : vector<1x16xf32> to vector<16xf32>
        %parallel_loop3A_200 = arith.subf %parallel_loop3A_195, %parallel_loop3A_199 : vector<16xf32>
        %parallel_loop3A_201 = arith.mulf %parallel_loop3A_200, %parallel_loop3A_200 : vector<16xf32>
        %parallel_loop3A_202 = arith.addf %parallel_loop3A_164, %parallel_loop3A_201 : vector<16xf32>
        %parallel_loop3A_203 = arith.index_cast %parallel_loop3A_161 : i32 to index
        %parallel_loop3A_204 = arith.constant 48 : index
        %parallel_loop3A_205 = tpu.vector_load %arg13[%parallel_loop3A_203, %parallel_loop3A_204] {strides = array<i32>} : memref<8x512xf32, #tpu.memory_space<vmem>>, vector<1x16xf32>,
        %parallel_loop3A_206 = vector.shape_cast %parallel_loop3A_205 : vector<1x16xf32> to vector<16xf32>
        %parallel_loop3A_207 = arith.index_cast %parallel_loop3A_161 : i32 to index
        %parallel_loop3A_208 = arith.constant 48 : index
        %parallel_loop3A_209 = tpu.vector_load %arg9[%parallel_loop3A_207, %parallel_loop3A_208] {strides = array<i32>} : memref<8x512xf32, #tpu.memory_space<vmem>>, vector<1x16xf32>,
        %parallel_loop3A_210 = vector.shape_cast %parallel_loop3A_209 : vector<1x16xf32> to vector<16xf32>
        %parallel_loop3A_211 = arith.subf %parallel_loop3A_206, %parallel_loop3A_210 : vector<16xf32>
        %parallel_loop3A_212 = arith.mulf %parallel_loop3A_211, %parallel_loop3A_211 : vector<16xf32>
        %parallel_loop3A_213 = arith.addf %parallel_loop3A_165, %parallel_loop3A_212 : vector<16xf32>
        %parallel_loop3A_214 = arith.index_cast %parallel_loop3A_161 : i32 to index
        %parallel_loop3A_215 = arith.constant 64 : index
        %parallel_loop3A_216 = tpu.vector_load %arg13[%parallel_loop3A_214, %parallel_loop3A_215] {strides = array<i32>} : memref<8x512xf32, #tpu.memory_space<vmem>>, vector<1x16xf32>,
        %parallel_loop3A_217 = vector.shape_cast %parallel_loop3A_216 : vector<1x16xf32> to vector<16xf32>
        %parallel_loop3A_218 = arith.index_cast %parallel_loop3A_161 : i32 to index
        %parallel_loop3A_219 = arith.constant 64 : index
        %parallel_loop3A_220 = tpu.vector_load %arg9[%parallel_loop3A_218, %parallel_loop3A_219] {strides = array<i32>} : memref<8x512xf32, #tpu.memory_space<vmem>>, vector<1x16xf32>,
        %parallel_loop3A_221 = vector.shape_cast %parallel_loop3A_220 : vector<1x16xf32> to vector<16xf32>
        %parallel_loop3A_222 = arith.subf %parallel_loop3A_217, %parallel_loop3A_221 : vector<16xf32>
        %parallel_loop3A_223 = arith.mulf %parallel_loop3A_222, %parallel_loop3A_222 : vector<16xf32>
        %parallel_loop3A_224 = arith.addf %parallel_loop3A_166, %parallel_loop3A_223 : vector<16xf32>
        %parallel_loop3A_225 = arith.index_cast %parallel_loop3A_161 : i32 to index
        %parallel_loop3A_226 = arith.constant 80 : index
        %parallel_loop3A_227 = tpu.vector_load %arg13[%parallel_loop3A_225, %parallel_loop3A_226] {strides = array<i32>} : memref<8x512xf32, #tpu.memory_space<vmem>>, vector<1x16xf32>,
        %parallel_loop3A_228 = vector.shape_cast %parallel_loop3A_227 : vector<1x16xf32> to vector<16xf32>
        %parallel_loop3A_229 = arith.index_cast %parallel_loop3A_161 : i32 to index
        %parallel_loop3A_230 = arith.constant 80 : index
        %parallel_loop3A_231 = tpu.vector_load %arg9[%parallel_loop3A_229, %parallel_loop3A_230] {strides = array<i32>} : memref<8x512xf32, #tpu.memory_space<vmem>>, vector<1x16xf32>,
        %parallel_loop3A_232 = vector.shape_cast %parallel_loop3A_231 : vector<1x16xf32> to vector<16xf32>
        %parallel_loop3A_233 = arith.subf %parallel_loop3A_228, %parallel_loop3A_232 : vector<16xf32>
        %parallel_loop3A_234 = arith.mulf %parallel_loop3A_233, %parallel_loop3A_233 : vector<16xf32>
        %parallel_loop3A_235 = arith.addf %parallel_loop3A_167, %parallel_loop3A_234 : vector<16xf32>
        %parallel_loop3A_236 = arith.index_cast %parallel_loop3A_161 : i32 to index
        %parallel_loop3A_237 = arith.constant 96 : index
        %parallel_loop3A_238 = tpu.vector_load %arg13[%parallel_loop3A_236, %parallel_loop3A_237] {strides = array<i32>} : memref<8x512xf32, #tpu.memory_space<vmem>>, vector<1x16xf32>,
        %parallel_loop3A_239 = vector.shape_cast %parallel_loop3A_238 : vector<1x16xf32> to vector<16xf32>
        %parallel_loop3A_240 = arith.index_cast %parallel_loop3A_161 : i32 to index
        %parallel_loop3A_241 = arith.constant 96 : index
        %parallel_loop3A_242 = tpu.vector_load %arg9[%parallel_loop3A_240, %parallel_loop3A_241] {strides = array<i32>} : memref<8x512xf32, #tpu.memory_space<vmem>>, vector<1x16xf32>,
        %parallel_loop3A_243 = vector.shape_cast %parallel_loop3A_242 : vector<1x16xf32> to vector<16xf32>
        %parallel_loop3A_244 = arith.subf %parallel_loop3A_239, %parallel_loop3A_243 : vector<16xf32>
        %parallel_loop3A_245 = arith.mulf %parallel_loop3A_244, %parallel_loop3A_244 : vector<16xf32>
        %parallel_loop3A_246 = arith.addf %parallel_loop3A_168, %parallel_loop3A_245 : vector<16xf32>
        %parallel_loop3A_247 = arith.index_cast %parallel_loop3A_161 : i32 to index
        %parallel_loop3A_248 = arith.constant 112 : index
        %parallel_loop3A_249 = tpu.vector_load %arg13[%parallel_loop3A_247, %parallel_loop3A_248] {strides = array<i32>} : memref<8x512xf32, #tpu.memory_space<vmem>>, vector<1x16xf32>,
        %parallel_loop3A_250 = vector.shape_cast %parallel_loop3A_249 : vector<1x16xf32> to vector<16xf32>
        %parallel_loop3A_251 = arith.index_cast %parallel_loop3A_161 : i32 to index
        %parallel_loop3A_252 = arith.constant 112 : index
        %parallel_loop3A_253 = tpu.vector_load %arg9[%parallel_loop3A_251, %parallel_loop3A_252] {strides = array<i32>} : memref<8x512xf32, #tpu.memory_space<vmem>>, vector<1x16xf32>,
        %parallel_loop3A_254 = vector.shape_cast %parallel_loop3A_253 : vector<1x16xf32> to vector<16xf32>
        %parallel_loop3A_255 = arith.subf %parallel_loop3A_250, %parallel_loop3A_254 : vector<16xf32>
        %parallel_loop3A_256 = arith.mulf %parallel_loop3A_255, %parallel_loop3A_255 : vector<16xf32>
        %parallel_loop3A_257 = arith.addf %parallel_loop3A_169, %parallel_loop3A_256 : vector<16xf32>
        %parallel_loop3A_258 = arith.index_cast %parallel_loop3A_161 : i32 to index
        %parallel_loop3A_259 = arith.constant 128 : index
        %parallel_loop3A_260 = tpu.vector_load %arg13[%parallel_loop3A_258, %parallel_loop3A_259] {strides = array<i32>} : memref<8x512xf32, #tpu.memory_space<vmem>>, vector<1x16xf32>,
        %parallel_loop3A_261 = vector.shape_cast %parallel_loop3A_260 : vector<1x16xf32> to vector<16xf32>
        %parallel_loop3A_262 = arith.index_cast %parallel_loop3A_161 : i32 to index
        %parallel_loop3A_263 = arith.constant 128 : index
        %parallel_loop3A_264 = tpu.vector_load %arg9[%parallel_loop3A_262, %parallel_loop3A_263] {strides = array<i32>} : memref<8x512xf32, #tpu.memory_space<vmem>>, vector<1x16xf32>,
        %parallel_loop3A_265 = vector.shape_cast %parallel_loop3A_264 : vector<1x16xf32> to vector<16xf32>
        %parallel_loop3A_266 = arith.subf %parallel_loop3A_261, %parallel_loop3A_265 : vector<16xf32>
        %parallel_loop3A_267 = arith.mulf %parallel_loop3A_266, %parallel_loop3A_266 : vector<16xf32>
        %parallel_loop3A_268 = arith.addf %parallel_loop3A_180, %parallel_loop3A_267 : vector<16xf32>
        %parallel_loop3A_269 = arith.index_cast %parallel_loop3A_161 : i32 to index
        %parallel_loop3A_270 = arith.constant 144 : index
        %parallel_loop3A_271 = tpu.vector_load %arg13[%parallel_loop3A_269, %parallel_loop3A_270] {strides = array<i32>} : memref<8x512xf32, #tpu.memory_space<vmem>>, vector<1x16xf32>,
        %parallel_loop3A_272 = vector.shape_cast %parallel_loop3A_271 : vector<1x16xf32> to vector<16xf32>
        %parallel_loop3A_273 = arith.index_cast %parallel_loop3A_161 : i32 to index
        %parallel_loop3A_274 = arith.constant 144 : index
        %parallel_loop3A_275 = tpu.vector_load %arg9[%parallel_loop3A_273, %parallel_loop3A_274] {strides = array<i32>} : memref<8x512xf32, #tpu.memory_space<vmem>>, vector<1x16xf32>,
        %parallel_loop3A_276 = vector.shape_cast %parallel_loop3A_275 : vector<1x16xf32> to vector<16xf32>
        %parallel_loop3A_277 = arith.subf %parallel_loop3A_272, %parallel_loop3A_276 : vector<16xf32>
        %parallel_loop3A_278 = arith.mulf %parallel_loop3A_277, %parallel_loop3A_277 : vector<16xf32>
        %parallel_loop3A_279 = arith.addf %parallel_loop3A_191, %parallel_loop3A_278 : vector<16xf32>
        %parallel_loop3A_280 = arith.index_cast %parallel_loop3A_161 : i32 to index
        %parallel_loop3A_281 = arith.constant 160 : index
        %parallel_loop3A_282 = tpu.vector_load %arg13[%parallel_loop3A_280, %parallel_loop3A_281] {strides = array<i32>} : memref<8x512xf32, #tpu.memory_space<vmem>>, vector<1x16xf32>,
        %parallel_loop3A_283 = vector.shape_cast %parallel_loop3A_282 : vector<1x16xf32> to vector<16xf32>
        %parallel_loop3A_284 = arith.index_cast %parallel_loop3A_161 : i32 to index
        %parallel_loop3A_285 = arith.constant 160 : index
        %parallel_loop3A_286 = tpu.vector_load %arg9[%parallel_loop3A_284, %parallel_loop3A_285] {strides = array<i32>} : memref<8x512xf32, #tpu.memory_space<vmem>>, vector<1x16xf32>,
        %parallel_loop3A_287 = vector.shape_cast %parallel_loop3A_286 : vector<1x16xf32> to vector<16xf32>
        %parallel_loop3A_288 = arith.subf %parallel_loop3A_283, %parallel_loop3A_287 : vector<16xf32>
        %parallel_loop3A_289 = arith.mulf %parallel_loop3A_288, %parallel_loop3A_288 : vector<16xf32>
        %parallel_loop3A_290 = arith.addf %parallel_loop3A_202, %parallel_loop3A_289 : vector<16xf32>
        %parallel_loop3A_291 = arith.index_cast %parallel_loop3A_161 : i32 to index
        %parallel_loop3A_292 = arith.constant 176 : index
        %parallel_loop3A_293 = tpu.vector_load %arg13[%parallel_loop3A_291, %parallel_loop3A_292] {strides = array<i32>} : memref<8x512xf32, #tpu.memory_space<vmem>>, vector<1x16xf32>,
        %parallel_loop3A_294 = vector.shape_cast %parallel_loop3A_293 : vector<1x16xf32> to vector<16xf32>
        %parallel_loop3A_295 = arith.index_cast %parallel_loop3A_161 : i32 to index
        %parallel_loop3A_296 = arith.constant 176 : index
        %parallel_loop3A_297 = tpu.vector_load %arg9[%parallel_loop3A_295, %parallel_loop3A_296] {strides = array<i32>} : memref<8x512xf32, #tpu.memory_space<vmem>>, vector<1x16xf32>,
        %parallel_loop3A_298 = vector.shape_cast %parallel_loop3A_297 : vector<1x16xf32> to vector<16xf32>
        %parallel_loop3A_299 = arith.subf %parallel_loop3A_294, %parallel_loop3A_298 : vector<16xf32>
        %parallel_loop3A_300 = arith.mulf %parallel_loop3A_299, %parallel_loop3A_299 : vector<16xf32>
        %parallel_loop3A_301 = arith.addf %parallel_loop3A_213, %parallel_loop3A_300 : vector<16xf32>
        %parallel_loop3A_302 = arith.index_cast %parallel_loop3A_161 : i32 to index
        %parallel_loop3A_303 = arith.constant 192 : index
        %parallel_loop3A_304 = tpu.vector_load %arg13[%parallel_loop3A_302, %parallel_loop3A_303] {strides = array<i32>} : memref<8x512xf32, #tpu.memory_space<vmem>>, vector<1x16xf32>,
        %parallel_loop3A_305 = vector.shape_cast %parallel_loop3A_304 : vector<1x16xf32> to vector<16xf32>
        %parallel_loop3A_306 = arith.index_cast %parallel_loop3A_161 : i32 to index
        %parallel_loop3A_307 = arith.constant 192 : index
        %parallel_loop3A_308 = tpu.vector_load %arg9[%parallel_loop3A_306, %parallel_loop3A_307] {strides = array<i32>} : memref<8x512xf32, #tpu.memory_space<vmem>>, vector<1x16xf32>,
        %parallel_loop3A_309 = vector.shape_cast %parallel_loop3A_308 : vector<1x16xf32> to vector<16xf32>
        %parallel_loop3A_310 = arith.subf %parallel_loop3A_305, %parallel_loop3A_309 : vector<16xf32>
        %parallel_loop3A_311 = arith.mulf %parallel_loop3A_310, %parallel_loop3A_310 : vector<16xf32>
        %parallel_loop3A_312 = arith.addf %parallel_loop3A_224, %parallel_loop3A_311 : vector<16xf32>
        %parallel_loop3A_313 = arith.index_cast %parallel_loop3A_161 : i32 to index
        %parallel_loop3A_314 = arith.constant 208 : index
        %parallel_loop3A_315 = tpu.vector_load %arg13[%parallel_loop3A_313, %parallel_loop3A_314] {strides = array<i32>} : memref<8x512xf32, #tpu.memory_space<vmem>>, vector<1x16xf32>,
        %parallel_loop3A_316 = vector.shape_cast %parallel_loop3A_315 : vector<1x16xf32> to vector<16xf32>
        %parallel_loop3A_317 = arith.index_cast %parallel_loop3A_161 : i32 to index
        %parallel_loop3A_318 = arith.constant 208 : index
        %parallel_loop3A_319 = tpu.vector_load %arg9[%parallel_loop3A_317, %parallel_loop3A_318] {strides = array<i32>} : memref<8x512xf32, #tpu.memory_space<vmem>>, vector<1x16xf32>,
        %parallel_loop3A_320 = vector.shape_cast %parallel_loop3A_319 : vector<1x16xf32> to vector<16xf32>
        %parallel_loop3A_321 = arith.subf %parallel_loop3A_316, %parallel_loop3A_320 : vector<16xf32>
        %parallel_loop3A_322 = arith.mulf %parallel_loop3A_321, %parallel_loop3A_321 : vector<16xf32>
        %parallel_loop3A_323 = arith.addf %parallel_loop3A_235, %parallel_loop3A_322 : vector<16xf32>
        %parallel_loop3A_324 = arith.index_cast %parallel_loop3A_161 : i32 to index
        %parallel_loop3A_325 = arith.constant 224 : index
        %parallel_loop3A_326 = tpu.vector_load %arg13[%parallel_loop3A_324, %parallel_loop3A_325] {strides = array<i32>} : memref<8x512xf32, #tpu.memory_space<vmem>>, vector<1x16xf32>,
        %parallel_loop3A_327 = vector.shape_cast %parallel_loop3A_326 : vector<1x16xf32> to vector<16xf32>
        %parallel_loop3A_328 = arith.index_cast %parallel_loop3A_161 : i32 to index
        %parallel_loop3A_329 = arith.constant 224 : index
        %parallel_loop3A_330 = tpu.vector_load %arg9[%parallel_loop3A_328, %parallel_loop3A_329] {strides = array<i32>} : memref<8x512xf32, #tpu.memory_space<vmem>>, vector<1x16xf32>,
        %parallel_loop3A_331 = vector.shape_cast %parallel_loop3A_330 : vector<1x16xf32> to vector<16xf32>
        %parallel_loop3A_332 = arith.subf %parallel_loop3A_327, %parallel_loop3A_331 : vector<16xf32>
        %parallel_loop3A_333 = arith.mulf %parallel_loop3A_332, %parallel_loop3A_332 : vector<16xf32>
        %parallel_loop3A_334 = arith.addf %parallel_loop3A_246, %parallel_loop3A_333 : vector<16xf32>
        %parallel_loop3A_335 = arith.index_cast %parallel_loop3A_161 : i32 to index
        %parallel_loop3A_336 = arith.constant 240 : index
        %parallel_loop3A_337 = tpu.vector_load %arg13[%parallel_loop3A_335, %parallel_loop3A_336] {strides = array<i32>} : memref<8x512xf32, #tpu.memory_space<vmem>>, vector<1x16xf32>,
        %parallel_loop3A_338 = vector.shape_cast %parallel_loop3A_337 : vector<1x16xf32> to vector<16xf32>
        %parallel_loop3A_339 = arith.index_cast %parallel_loop3A_161 : i32 to index
        %parallel_loop3A_340 = arith.constant 240 : index
        %parallel_loop3A_341 = tpu.vector_load %arg9[%parallel_loop3A_339, %parallel_loop3A_340] {strides = array<i32>} : memref<8x512xf32, #tpu.memory_space<vmem>>, vector<1x16xf32>,
        %parallel_loop3A_342 = vector.shape_cast %parallel_loop3A_341 : vector<1x16xf32> to vector<16xf32>
        %parallel_loop3A_343 = arith.subf %parallel_loop3A_338, %parallel_loop3A_342 : vector<16xf32>
        %parallel_loop3A_344 = arith.mulf %parallel_loop3A_343, %parallel_loop3A_343 : vector<16xf32>
        %parallel_loop3A_345 = arith.addf %parallel_loop3A_257, %parallel_loop3A_344 : vector<16xf32>
        %parallel_loop3A_346 = arith.index_cast %parallel_loop3A_161 : i32 to index
        %parallel_loop3A_347 = arith.constant 256 : index
        %parallel_loop3A_348 = tpu.vector_load %arg13[%parallel_loop3A_346, %parallel_loop3A_347] {strides = array<i32>} : memref<8x512xf32, #tpu.memory_space<vmem>>, vector<1x16xf32>,
        %parallel_loop3A_349 = vector.shape_cast %parallel_loop3A_348 : vector<1x16xf32> to vector<16xf32>
        %parallel_loop3A_350 = arith.index_cast %parallel_loop3A_161 : i32 to index
        %parallel_loop3A_351 = arith.constant 256 : index
        %parallel_loop3A_352 = tpu.vector_load %arg9[%parallel_loop3A_350, %parallel_loop3A_351] {strides = array<i32>} : memref<8x512xf32, #tpu.memory_space<vmem>>, vector<1x16xf32>,
        %parallel_loop3A_353 = vector.shape_cast %parallel_loop3A_352 : vector<1x16xf32> to vector<16xf32>
        %parallel_loop3A_354 = arith.subf %parallel_loop3A_349, %parallel_loop3A_353 : vector<16xf32>
        %parallel_loop3A_355 = arith.mulf %parallel_loop3A_354, %parallel_loop3A_354 : vector<16xf32>
        %parallel_loop3A_356 = arith.addf %parallel_loop3A_268, %parallel_loop3A_355 : vector<16xf32>
        %parallel_loop3A_357 = arith.index_cast %parallel_loop3A_161 : i32 to index
        %parallel_loop3A_358 = arith.constant 272 : index
        %parallel_loop3A_359 = tpu.vector_load %arg13[%parallel_loop3A_357, %parallel_loop3A_358] {strides = array<i32>} : memref<8x512xf32, #tpu.memory_space<vmem>>, vector<1x16xf32>,
        %parallel_loop3A_360 = vector.shape_cast %parallel_loop3A_359 : vector<1x16xf32> to vector<16xf32>
        %parallel_loop3A_361 = arith.index_cast %parallel_loop3A_161 : i32 to index
        %parallel_loop3A_362 = arith.constant 272 : index
        %parallel_loop3A_363 = tpu.vector_load %arg9[%parallel_loop3A_361, %parallel_loop3A_362] {strides = array<i32>} : memref<8x512xf32, #tpu.memory_space<vmem>>, vector<1x16xf32>,
        %parallel_loop3A_364 = vector.shape_cast %parallel_loop3A_363 : vector<1x16xf32> to vector<16xf32>
        %parallel_loop3A_365 = arith.subf %parallel_loop3A_360, %parallel_loop3A_364 : vector<16xf32>
        %parallel_loop3A_366 = arith.mulf %parallel_loop3A_365, %parallel_loop3A_365 : vector<16xf32>
        %parallel_loop3A_367 = arith.addf %parallel_loop3A_279, %parallel_loop3A_366 : vector<16xf32>
        %parallel_loop3A_368 = arith.index_cast %parallel_loop3A_161 : i32 to index
        %parallel_loop3A_369 = arith.constant 288 : index
        %parallel_loop3A_370 = tpu.vector_load %arg13[%parallel_loop3A_368, %parallel_loop3A_369] {strides = array<i32>} : memref<8x512xf32, #tpu.memory_space<vmem>>, vector<1x16xf32>,
        %parallel_loop3A_371 = vector.shape_cast %parallel_loop3A_370 : vector<1x16xf32> to vector<16xf32>
        %parallel_loop3A_372 = arith.index_cast %parallel_loop3A_161 : i32 to index
        %parallel_loop3A_373 = arith.constant 288 : index
        %parallel_loop3A_374 = tpu.vector_load %arg9[%parallel_loop3A_372, %parallel_loop3A_373] {strides = array<i32>} : memref<8x512xf32, #tpu.memory_space<vmem>>, vector<1x16xf32>,
        %parallel_loop3A_375 = vector.shape_cast %parallel_loop3A_374 : vector<1x16xf32> to vector<16xf32>
        %parallel_loop3A_376 = arith.subf %parallel_loop3A_371, %parallel_loop3A_375 : vector<16xf32>
        %parallel_loop3A_377 = arith.mulf %parallel_loop3A_376, %parallel_loop3A_376 : vector<16xf32>
        %parallel_loop3A_378 = arith.addf %parallel_loop3A_290, %parallel_loop3A_377 : vector<16xf32>
        %parallel_loop3A_379 = arith.index_cast %parallel_loop3A_161 : i32 to index
        %parallel_loop3A_380 = arith.constant 304 : index
        %parallel_loop3A_381 = tpu.vector_load %arg13[%parallel_loop3A_379, %parallel_loop3A_380] {strides = array<i32>} : memref<8x512xf32, #tpu.memory_space<vmem>>, vector<1x16xf32>,
        %parallel_loop3A_382 = vector.shape_cast %parallel_loop3A_381 : vector<1x16xf32> to vector<16xf32>
        %parallel_loop3A_383 = arith.index_cast %parallel_loop3A_161 : i32 to index
        %parallel_loop3A_384 = arith.constant 304 : index
        %parallel_loop3A_385 = tpu.vector_load %arg9[%parallel_loop3A_383, %parallel_loop3A_384] {strides = array<i32>} : memref<8x512xf32, #tpu.memory_space<vmem>>, vector<1x16xf32>,
        %parallel_loop3A_386 = vector.shape_cast %parallel_loop3A_385 : vector<1x16xf32> to vector<16xf32>
        %parallel_loop3A_387 = arith.subf %parallel_loop3A_382, %parallel_loop3A_386 : vector<16xf32>
        %parallel_loop3A_388 = arith.mulf %parallel_loop3A_387, %parallel_loop3A_387 : vector<16xf32>
        %parallel_loop3A_389 = arith.addf %parallel_loop3A_301, %parallel_loop3A_388 : vector<16xf32>
        %parallel_loop3A_390 = arith.index_cast %parallel_loop3A_161 : i32 to index
        %parallel_loop3A_391 = arith.constant 320 : index
        %parallel_loop3A_392 = tpu.vector_load %arg13[%parallel_loop3A_390, %parallel_loop3A_391] {strides = array<i32>} : memref<8x512xf32, #tpu.memory_space<vmem>>, vector<1x16xf32>,
        %parallel_loop3A_393 = vector.shape_cast %parallel_loop3A_392 : vector<1x16xf32> to vector<16xf32>
        %parallel_loop3A_394 = arith.index_cast %parallel_loop3A_161 : i32 to index
        %parallel_loop3A_395 = arith.constant 320 : index
        %parallel_loop3A_396 = tpu.vector_load %arg9[%parallel_loop3A_394, %parallel_loop3A_395] {strides = array<i32>} : memref<8x512xf32, #tpu.memory_space<vmem>>, vector<1x16xf32>,
        %parallel_loop3A_397 = vector.shape_cast %parallel_loop3A_396 : vector<1x16xf32> to vector<16xf32>
        %parallel_loop3A_398 = arith.subf %parallel_loop3A_393, %parallel_loop3A_397 : vector<16xf32>
        %parallel_loop3A_399 = arith.mulf %parallel_loop3A_398, %parallel_loop3A_398 : vector<16xf32>
        %parallel_loop3A_400 = arith.addf %parallel_loop3A_312, %parallel_loop3A_399 : vector<16xf32>
        %parallel_loop3A_401 = arith.index_cast %parallel_loop3A_161 : i32 to index
        %parallel_loop3A_402 = arith.constant 336 : index
        %parallel_loop3A_403 = tpu.vector_load %arg13[%parallel_loop3A_401, %parallel_loop3A_402] {strides = array<i32>} : memref<8x512xf32, #tpu.memory_space<vmem>>, vector<1x16xf32>,
        %parallel_loop3A_404 = vector.shape_cast %parallel_loop3A_403 : vector<1x16xf32> to vector<16xf32>
        %parallel_loop3A_405 = arith.index_cast %parallel_loop3A_161 : i32 to index
        %parallel_loop3A_406 = arith.constant 336 : index
        %parallel_loop3A_407 = tpu.vector_load %arg9[%parallel_loop3A_405, %parallel_loop3A_406] {strides = array<i32>} : memref<8x512xf32, #tpu.memory_space<vmem>>, vector<1x16xf32>,
        %parallel_loop3A_408 = vector.shape_cast %parallel_loop3A_407 : vector<1x16xf32> to vector<16xf32>
        %parallel_loop3A_409 = arith.subf %parallel_loop3A_404, %parallel_loop3A_408 : vector<16xf32>
        %parallel_loop3A_410 = arith.mulf %parallel_loop3A_409, %parallel_loop3A_409 : vector<16xf32>
        %parallel_loop3A_411 = arith.addf %parallel_loop3A_323, %parallel_loop3A_410 : vector<16xf32>
        %parallel_loop3A_412 = arith.index_cast %parallel_loop3A_161 : i32 to index
        %parallel_loop3A_413 = arith.constant 352 : index
        %parallel_loop3A_414 = tpu.vector_load %arg13[%parallel_loop3A_412, %parallel_loop3A_413] {strides = array<i32>} : memref<8x512xf32, #tpu.memory_space<vmem>>, vector<1x16xf32>,
        %parallel_loop3A_415 = vector.shape_cast %parallel_loop3A_414 : vector<1x16xf32> to vector<16xf32>
        %parallel_loop3A_416 = arith.index_cast %parallel_loop3A_161 : i32 to index
        %parallel_loop3A_417 = arith.constant 352 : index
        %parallel_loop3A_418 = tpu.vector_load %arg9[%parallel_loop3A_416, %parallel_loop3A_417] {strides = array<i32>} : memref<8x512xf32, #tpu.memory_space<vmem>>, vector<1x16xf32>,
        %parallel_loop3A_419 = vector.shape_cast %parallel_loop3A_418 : vector<1x16xf32> to vector<16xf32>
        %parallel_loop3A_420 = arith.subf %parallel_loop3A_415, %parallel_loop3A_419 : vector<16xf32>
        %parallel_loop3A_421 = arith.mulf %parallel_loop3A_420, %parallel_loop3A_420 : vector<16xf32>
        %parallel_loop3A_422 = arith.addf %parallel_loop3A_334, %parallel_loop3A_421 : vector<16xf32>
        %parallel_loop3A_423 = arith.index_cast %parallel_loop3A_161 : i32 to index
        %parallel_loop3A_424 = arith.constant 368 : index
        %parallel_loop3A_425 = tpu.vector_load %arg13[%parallel_loop3A_423, %parallel_loop3A_424] {strides = array<i32>} : memref<8x512xf32, #tpu.memory_space<vmem>>, vector<1x16xf32>,
        %parallel_loop3A_426 = vector.shape_cast %parallel_loop3A_425 : vector<1x16xf32> to vector<16xf32>
        %parallel_loop3A_427 = arith.index_cast %parallel_loop3A_161 : i32 to index
        %parallel_loop3A_428 = arith.constant 368 : index
        %parallel_loop3A_429 = tpu.vector_load %arg9[%parallel_loop3A_427, %parallel_loop3A_428] {strides = array<i32>} : memref<8x512xf32, #tpu.memory_space<vmem>>, vector<1x16xf32>,
        %parallel_loop3A_430 = vector.shape_cast %parallel_loop3A_429 : vector<1x16xf32> to vector<16xf32>
        %parallel_loop3A_431 = arith.subf %parallel_loop3A_426, %parallel_loop3A_430 : vector<16xf32>
        %parallel_loop3A_432 = arith.mulf %parallel_loop3A_431, %parallel_loop3A_431 : vector<16xf32>
        %parallel_loop3A_433 = arith.addf %parallel_loop3A_345, %parallel_loop3A_432 : vector<16xf32>
        %parallel_loop3A_434 = arith.index_cast %parallel_loop3A_161 : i32 to index
        %parallel_loop3A_435 = arith.constant 384 : index
        %parallel_loop3A_436 = tpu.vector_load %arg13[%parallel_loop3A_434, %parallel_loop3A_435] {strides = array<i32>} : memref<8x512xf32, #tpu.memory_space<vmem>>, vector<1x16xf32>,
        %parallel_loop3A_437 = vector.shape_cast %parallel_loop3A_436 : vector<1x16xf32> to vector<16xf32>
        %parallel_loop3A_438 = arith.index_cast %parallel_loop3A_161 : i32 to index
        %parallel_loop3A_439 = arith.constant 384 : index
        %parallel_loop3A_440 = tpu.vector_load %arg9[%parallel_loop3A_438, %parallel_loop3A_439] {strides = array<i32>} : memref<8x512xf32, #tpu.memory_space<vmem>>, vector<1x16xf32>,
        %parallel_loop3A_441 = vector.shape_cast %parallel_loop3A_440 : vector<1x16xf32> to vector<16xf32>
        %parallel_loop3A_442 = arith.subf %parallel_loop3A_437, %parallel_loop3A_441 : vector<16xf32>
        %parallel_loop3A_443 = arith.mulf %parallel_loop3A_442, %parallel_loop3A_442 : vector<16xf32>
        %parallel_loop3A_444 = arith.addf %parallel_loop3A_356, %parallel_loop3A_443 : vector<16xf32>
        %parallel_loop3A_445 = arith.index_cast %parallel_loop3A_161 : i32 to index
        %parallel_loop3A_446 = arith.constant 400 : index
        %parallel_loop3A_447 = tpu.vector_load %arg13[%parallel_loop3A_445, %parallel_loop3A_446] {strides = array<i32>} : memref<8x512xf32, #tpu.memory_space<vmem>>, vector<1x16xf32>,
        %parallel_loop3A_448 = vector.shape_cast %parallel_loop3A_447 : vector<1x16xf32> to vector<16xf32>
        %parallel_loop3A_449 = arith.index_cast %parallel_loop3A_161 : i32 to index
        %parallel_loop3A_450 = arith.constant 400 : index
        %parallel_loop3A_451 = tpu.vector_load %arg9[%parallel_loop3A_449, %parallel_loop3A_450] {strides = array<i32>} : memref<8x512xf32, #tpu.memory_space<vmem>>, vector<1x16xf32>,
        %parallel_loop3A_452 = vector.shape_cast %parallel_loop3A_451 : vector<1x16xf32> to vector<16xf32>
        %parallel_loop3A_453 = arith.subf %parallel_loop3A_448, %parallel_loop3A_452 : vector<16xf32>
        %parallel_loop3A_454 = arith.mulf %parallel_loop3A_453, %parallel_loop3A_453 : vector<16xf32>
        %parallel_loop3A_455 = arith.addf %parallel_loop3A_367, %parallel_loop3A_454 : vector<16xf32>
        %parallel_loop3A_456 = arith.index_cast %parallel_loop3A_161 : i32 to index
        %parallel_loop3A_457 = arith.constant 416 : index
        %parallel_loop3A_458 = tpu.vector_load %arg13[%parallel_loop3A_456, %parallel_loop3A_457] {strides = array<i32>} : memref<8x512xf32, #tpu.memory_space<vmem>>, vector<1x16xf32>,
        %parallel_loop3A_459 = vector.shape_cast %parallel_loop3A_458 : vector<1x16xf32> to vector<16xf32>
        %parallel_loop3A_460 = arith.index_cast %parallel_loop3A_161 : i32 to index
        %parallel_loop3A_461 = arith.constant 416 : index
        %parallel_loop3A_462 = tpu.vector_load %arg9[%parallel_loop3A_460, %parallel_loop3A_461] {strides = array<i32>} : memref<8x512xf32, #tpu.memory_space<vmem>>, vector<1x16xf32>,
        %parallel_loop3A_463 = vector.shape_cast %parallel_loop3A_462 : vector<1x16xf32> to vector<16xf32>
        %parallel_loop3A_464 = arith.subf %parallel_loop3A_459, %parallel_loop3A_463 : vector<16xf32>
        %parallel_loop3A_465 = arith.mulf %parallel_loop3A_464, %parallel_loop3A_464 : vector<16xf32>
        %parallel_loop3A_466 = arith.addf %parallel_loop3A_378, %parallel_loop3A_465 : vector<16xf32>
        %parallel_loop3A_467 = arith.index_cast %parallel_loop3A_161 : i32 to index
        %parallel_loop3A_468 = arith.constant 432 : index
        %parallel_loop3A_469 = tpu.vector_load %arg13[%parallel_loop3A_467, %parallel_loop3A_468] {strides = array<i32>} : memref<8x512xf32, #tpu.memory_space<vmem>>, vector<1x16xf32>,
        %parallel_loop3A_470 = vector.shape_cast %parallel_loop3A_469 : vector<1x16xf32> to vector<16xf32>
        %parallel_loop3A_471 = arith.index_cast %parallel_loop3A_161 : i32 to index
        %parallel_loop3A_472 = arith.constant 432 : index
        %parallel_loop3A_473 = tpu.vector_load %arg9[%parallel_loop3A_471, %parallel_loop3A_472] {strides = array<i32>} : memref<8x512xf32, #tpu.memory_space<vmem>>, vector<1x16xf32>,
        %parallel_loop3A_474 = vector.shape_cast %parallel_loop3A_473 : vector<1x16xf32> to vector<16xf32>
        %parallel_loop3A_475 = arith.subf %parallel_loop3A_470, %parallel_loop3A_474 : vector<16xf32>
        %parallel_loop3A_476 = arith.mulf %parallel_loop3A_475, %parallel_loop3A_475 : vector<16xf32>
        %parallel_loop3A_477 = arith.addf %parallel_loop3A_389, %parallel_loop3A_476 : vector<16xf32>
        %parallel_loop3A_478 = arith.index_cast %parallel_loop3A_161 : i32 to index
        %parallel_loop3A_479 = arith.constant 448 : index
        %parallel_loop3A_480 = tpu.vector_load %arg13[%parallel_loop3A_478, %parallel_loop3A_479] {strides = array<i32>} : memref<8x512xf32, #tpu.memory_space<vmem>>, vector<1x16xf32>,
        %parallel_loop3A_481 = vector.shape_cast %parallel_loop3A_480 : vector<1x16xf32> to vector<16xf32>
        %parallel_loop3A_482 = arith.index_cast %parallel_loop3A_161 : i32 to index
        %parallel_loop3A_483 = arith.constant 448 : index
        %parallel_loop3A_484 = tpu.vector_load %arg9[%parallel_loop3A_482, %parallel_loop3A_483] {strides = array<i32>} : memref<8x512xf32, #tpu.memory_space<vmem>>, vector<1x16xf32>,
        %parallel_loop3A_485 = vector.shape_cast %parallel_loop3A_484 : vector<1x16xf32> to vector<16xf32>
        %parallel_loop3A_486 = arith.subf %parallel_loop3A_481, %parallel_loop3A_485 : vector<16xf32>
        %parallel_loop3A_487 = arith.mulf %parallel_loop3A_486, %parallel_loop3A_486 : vector<16xf32>
        %parallel_loop3A_488 = arith.addf %parallel_loop3A_400, %parallel_loop3A_487 : vector<16xf32>
        %parallel_loop3A_489 = arith.index_cast %parallel_loop3A_161 : i32 to index
        %parallel_loop3A_490 = arith.constant 464 : index
        %parallel_loop3A_491 = tpu.vector_load %arg13[%parallel_loop3A_489, %parallel_loop3A_490] {strides = array<i32>} : memref<8x512xf32, #tpu.memory_space<vmem>>, vector<1x16xf32>,
        %parallel_loop3A_492 = vector.shape_cast %parallel_loop3A_491 : vector<1x16xf32> to vector<16xf32>
        %parallel_loop3A_493 = arith.index_cast %parallel_loop3A_161 : i32 to index
        %parallel_loop3A_494 = arith.constant 464 : index
        %parallel_loop3A_495 = tpu.vector_load %arg9[%parallel_loop3A_493, %parallel_loop3A_494] {strides = array<i32>} : memref<8x512xf32, #tpu.memory_space<vmem>>, vector<1x16xf32>,
        %parallel_loop3A_496 = vector.shape_cast %parallel_loop3A_495 : vector<1x16xf32> to vector<16xf32>
        %parallel_loop3A_497 = arith.subf %parallel_loop3A_492, %parallel_loop3A_496 : vector<16xf32>
        %parallel_loop3A_498 = arith.mulf %parallel_loop3A_497, %parallel_loop3A_497 : vector<16xf32>
        %parallel_loop3A_499 = arith.addf %parallel_loop3A_411, %parallel_loop3A_498 : vector<16xf32>
        %parallel_loop3A_500 = arith.index_cast %parallel_loop3A_161 : i32 to index
        %parallel_loop3A_501 = arith.constant 480 : index
        %parallel_loop3A_502 = tpu.vector_load %arg13[%parallel_loop3A_500, %parallel_loop3A_501] {strides = array<i32>} : memref<8x512xf32, #tpu.memory_space<vmem>>, vector<1x16xf32>,
        %parallel_loop3A_503 = vector.shape_cast %parallel_loop3A_502 : vector<1x16xf32> to vector<16xf32>
        %parallel_loop3A_504 = arith.index_cast %parallel_loop3A_161 : i32 to index
        %parallel_loop3A_505 = arith.constant 480 : index
        %parallel_loop3A_506 = tpu.vector_load %arg9[%parallel_loop3A_504, %parallel_loop3A_505] {strides = array<i32>} : memref<8x512xf32, #tpu.memory_space<vmem>>, vector<1x16xf32>,
        %parallel_loop3A_507 = vector.shape_cast %parallel_loop3A_506 : vector<1x16xf32> to vector<16xf32>
        %parallel_loop3A_508 = arith.subf %parallel_loop3A_503, %parallel_loop3A_507 : vector<16xf32>
        %parallel_loop3A_509 = arith.mulf %parallel_loop3A_508, %parallel_loop3A_508 : vector<16xf32>
        %parallel_loop3A_510 = arith.addf %parallel_loop3A_422, %parallel_loop3A_509 : vector<16xf32>
        %parallel_loop3A_511 = arith.index_cast %parallel_loop3A_161 : i32 to index
        %parallel_loop3A_512 = arith.constant 496 : index
        %parallel_loop3A_513 = tpu.vector_load %arg13[%parallel_loop3A_511, %parallel_loop3A_512] {strides = array<i32>} : memref<8x512xf32, #tpu.memory_space<vmem>>, vector<1x16xf32>,
        %parallel_loop3A_514 = vector.shape_cast %parallel_loop3A_513 : vector<1x16xf32> to vector<16xf32>
        %parallel_loop3A_515 = arith.index_cast %parallel_loop3A_161 : i32 to index
        %parallel_loop3A_516 = arith.constant 496 : index
        %parallel_loop3A_517 = tpu.vector_load %arg9[%parallel_loop3A_515, %parallel_loop3A_516] {strides = array<i32>} : memref<8x512xf32, #tpu.memory_space<vmem>>, vector<1x16xf32>,
        %parallel_loop3A_518 = vector.shape_cast %parallel_loop3A_517 : vector<1x16xf32> to vector<16xf32>
        %parallel_loop3A_519 = arith.subf %parallel_loop3A_514, %parallel_loop3A_518 : vector<16xf32>
        %parallel_loop3A_520 = arith.mulf %parallel_loop3A_519, %parallel_loop3A_519 : vector<16xf32>
        %parallel_loop3A_521 = arith.addf %parallel_loop3A_433, %parallel_loop3A_520 : vector<16xf32>
        scf.yield %parallel_loop3A_444, %parallel_loop3A_455, %parallel_loop3A_466, %parallel_loop3A_477, %parallel_loop3A_488, %parallel_loop3A_499, %parallel_loop3A_510, %parallel_loop3A_521 : vector<16xf32>, vector<16xf32>, vector<16xf32>, vector<16xf32>, vector<16xf32>, vector<16xf32>, vector<16xf32>, vector<16xf32>
      } {sc.loop_unroll_factor = 2 : i64, sc.parallel_access}
      %mul3A_138 = arith.constant 4 : i32
      %mul3A_139 = arith.muli %scan3A_65, %mul3A_138 : i32
      %add3A_140 = arith.constant 3 : i32
      %add3A_141 = arith.addi %mul3A_139, %add3A_140 : i32
      %add3A_142 = arith.constant 3 : i32
      %add3A_143 = arith.addi %add3A_141, %add3A_142 : i32
      %lt3A_144 = arith.constant 16 : i32
      %lt3A_145 = arith.cmpi slt, %add3A_143, %lt3A_144 : i32
      %convert_element_type3A_146 = arith.extui %lt3A_145 : i1 to i32
      %cond3A_147 = arith.constant 0 : i32
      %cond3A_148 = arith.cmpi ne, %convert_element_type3A_146, %cond3A_147 : i32
      scf.if %cond3A_148 {
        %mul3A_161 = arith.constant 8 : i32
        %mul3A_162 = arith.muli %add3A_143, %mul3A_161 : i32
        %dma_start3A_163 = tpu.memref_slice %arg6[%mul3A_162] : memref<128xi32, #tpu.memory_space<vmem>> -> memref<8xi32, #tpu.memory_space<vmem>>
        %dma_start3A_164 = arith.constant 0 : i32
        %dma_start3A_165 = arith.constant 0 : i32
        %dma_start3A_166 = tpu.memref_slice %arg4[%dma_start3A_164, %dma_start3A_165] : memref<100000x512xf32, #tpu.memory_space<hbm>> -> memref<100000x512xf32, #tpu.memory_space<hbm>>
        tpu.enqueue_indirect_dma source(%dma_start3A_166 : memref<100000x512xf32, #tpu.memory_space<hbm>>) target(%arg9 : memref<8x512xf32, #tpu.memory_space<vmem>>) offsets(%dma_start3A_163 : memref<8xi32, #tpu.memory_space<vmem>>) semaphore(%arg18 : memref<!tpu.dma_semaphore, #tpu.memory_space<semaphore_mem>>)
        %mul3A_167 = arith.constant 8 : i32
        %mul3A_168 = arith.muli %add3A_143, %mul3A_167 : i32
        %add3A_169 = arith.addi %mul3A_2, %mul3A_168 : i32
        %dma_start3A_170 = arith.constant 0 : i32
        %dma_start3A_171 = tpu.memref_slice %arg2[%add3A_169, %dma_start3A_170] : memref<4096x512xf32, #tpu.memory_space<hbm>> -> memref<8x512xf32, #tpu.memory_space<hbm>>
        %dma_start3A_172 = arith.constant 0 : i32
        %dma_start3A_173 = tpu.memref_slice %arg2[%add3A_169, %dma_start3A_172] : memref<4096x512xf32, #tpu.memory_space<hbm>> -> memref<8x512xf32, #tpu.memory_space<hbm>>
        tpu.enqueue_dma source(%dma_start3A_173 : memref<8x512xf32, #tpu.memory_space<hbm>>) target(%arg13 : memref<8x512xf32, #tpu.memory_space<vmem>>) target_semaphore(%arg22 : memref<!tpu.dma_semaphore, #tpu.memory_space<semaphore_mem>>)
      } else {
      }
      %dma_wait3A_149 = arith.constant 0 : i32
      %dma_wait3A_150 = tpu.memref_slice %arg2[%mul3A_2, %dma_wait3A_149] : memref<4096x512xf32, #tpu.memory_space<hbm>> -> memref<8x512xf32, #tpu.memory_space<hbm>>
      %dma_wait3A_151 = arith.constant 0 : i32
      %dma_wait3A_152 = tpu.memref_slice %arg2[%mul3A_2, %dma_wait3A_151] : memref<4096x512xf32, #tpu.memory_space<hbm>> -> memref<8x512xf32, #tpu.memory_space<hbm>>
      tpu.wait_dma2 semaphore(%arg19 : memref<!tpu.dma_semaphore, #tpu.memory_space<semaphore_mem>>) src(%dma_wait3A_152 : memref<8x512xf32, #tpu.memory_space<hbm>>) dst(%arg10 : memref<8x512xf32, #tpu.memory_space<vmem>>)
      %dma_wait3A_153 = arith.constant 0 : i32
      %dma_wait3A_154 = tpu.memref_slice %arg2[%mul3A_2, %dma_wait3A_153] : memref<4096x512xf32, #tpu.memory_space<hbm>> -> memref<8x512xf32, #tpu.memory_space<hbm>>
      %dma_wait3A_155 = arith.constant 0 : i32
      %dma_wait3A_156 = tpu.memref_slice %arg2[%mul3A_2, %dma_wait3A_155] : memref<4096x512xf32, #tpu.memory_space<hbm>> -> memref<8x512xf32, #tpu.memory_space<hbm>>
      tpu.wait_dma2 semaphore(%arg23 : memref<!tpu.dma_semaphore, #tpu.memory_space<semaphore_mem>>) src(%dma_wait3A_156 : memref<8x512xf32, #tpu.memory_space<hbm>>) dst(%arg14 : memref<8x512xf32, #tpu.memory_space<vmem>>)
      %parallel_loop3A_157 = arith.constant 0 : i32
      %parallel_loop3A_158 = arith.constant 8 : i32
      %parallel_loop3A_159 = arith.constant 1 : i32
      %parallel_loop3A_160:8 = scf.for %parallel_loop3A_161 = %parallel_loop3A_157 to %parallel_loop3A_158 step %parallel_loop3A_159 iter_args(%parallel_loop3A_162 = %parallel_loop3A_137#0, %parallel_loop3A_163 = %parallel_loop3A_137#1, %parallel_loop3A_164 = %parallel_loop3A_137#2, %parallel_loop3A_165 = %parallel_loop3A_137#3, %parallel_loop3A_166 = %parallel_loop3A_137#4, %parallel_loop3A_167 = %parallel_loop3A_137#5, %parallel_loop3A_168 = %parallel_loop3A_137#6, %parallel_loop3A_169 = %parallel_loop3A_137#7) -> (vector<16xf32>, vector<16xf32>, vector<16xf32>, vector<16xf32>, vector<16xf32>, vector<16xf32>, vector<16xf32>, vector<16xf32>)  : i32 {
        %parallel_loop3A_170 = arith.index_cast %parallel_loop3A_161 : i32 to index
        %parallel_loop3A_171 = arith.constant 0 : index
        %parallel_loop3A_172 = tpu.vector_load %arg14[%parallel_loop3A_170, %parallel_loop3A_171] {strides = array<i32>} : memref<8x512xf32, #tpu.memory_space<vmem>>, vector<1x16xf32>,
        %parallel_loop3A_173 = vector.shape_cast %parallel_loop3A_172 : vector<1x16xf32> to vector<16xf32>
        %parallel_loop3A_174 = arith.index_cast %parallel_loop3A_161 : i32 to index
        %parallel_loop3A_175 = arith.constant 0 : index
        %parallel_loop3A_176 = tpu.vector_load %arg10[%parallel_loop3A_174, %parallel_loop3A_175] {strides = array<i32>} : memref<8x512xf32, #tpu.memory_space<vmem>>, vector<1x16xf32>,
        %parallel_loop3A_177 = vector.shape_cast %parallel_loop3A_176 : vector<1x16xf32> to vector<16xf32>
        %parallel_loop3A_178 = arith.subf %parallel_loop3A_173, %parallel_loop3A_177 : vector<16xf32>
        %parallel_loop3A_179 = arith.mulf %parallel_loop3A_178, %parallel_loop3A_178 : vector<16xf32>
        %parallel_loop3A_180 = arith.addf %parallel_loop3A_162, %parallel_loop3A_179 : vector<16xf32>
        %parallel_loop3A_181 = arith.index_cast %parallel_loop3A_161 : i32 to index
        %parallel_loop3A_182 = arith.constant 16 : index
        %parallel_loop3A_183 = tpu.vector_load %arg14[%parallel_loop3A_181, %parallel_loop3A_182] {strides = array<i32>} : memref<8x512xf32, #tpu.memory_space<vmem>>, vector<1x16xf32>,
        %parallel_loop3A_184 = vector.shape_cast %parallel_loop3A_183 : vector<1x16xf32> to vector<16xf32>
        %parallel_loop3A_185 = arith.index_cast %parallel_loop3A_161 : i32 to index
        %parallel_loop3A_186 = arith.constant 16 : index
        %parallel_loop3A_187 = tpu.vector_load %arg10[%parallel_loop3A_185, %parallel_loop3A_186] {strides = array<i32>} : memref<8x512xf32, #tpu.memory_space<vmem>>, vector<1x16xf32>,
        %parallel_loop3A_188 = vector.shape_cast %parallel_loop3A_187 : vector<1x16xf32> to vector<16xf32>
        %parallel_loop3A_189 = arith.subf %parallel_loop3A_184, %parallel_loop3A_188 : vector<16xf32>
        %parallel_loop3A_190 = arith.mulf %parallel_loop3A_189, %parallel_loop3A_189 : vector<16xf32>
        %parallel_loop3A_191 = arith.addf %parallel_loop3A_163, %parallel_loop3A_190 : vector<16xf32>
        %parallel_loop3A_192 = arith.index_cast %parallel_loop3A_161 : i32 to index
        %parallel_loop3A_193 = arith.constant 32 : index
        %parallel_loop3A_194 = tpu.vector_load %arg14[%parallel_loop3A_192, %parallel_loop3A_193] {strides = array<i32>} : memref<8x512xf32, #tpu.memory_space<vmem>>, vector<1x16xf32>,
        %parallel_loop3A_195 = vector.shape_cast %parallel_loop3A_194 : vector<1x16xf32> to vector<16xf32>
        %parallel_loop3A_196 = arith.index_cast %parallel_loop3A_161 : i32 to index
        %parallel_loop3A_197 = arith.constant 32 : index
        %parallel_loop3A_198 = tpu.vector_load %arg10[%parallel_loop3A_196, %parallel_loop3A_197] {strides = array<i32>} : memref<8x512xf32, #tpu.memory_space<vmem>>, vector<1x16xf32>,
        %parallel_loop3A_199 = vector.shape_cast %parallel_loop3A_198 : vector<1x16xf32> to vector<16xf32>
        %parallel_loop3A_200 = arith.subf %parallel_loop3A_195, %parallel_loop3A_199 : vector<16xf32>
        %parallel_loop3A_201 = arith.mulf %parallel_loop3A_200, %parallel_loop3A_200 : vector<16xf32>
        %parallel_loop3A_202 = arith.addf %parallel_loop3A_164, %parallel_loop3A_201 : vector<16xf32>
        %parallel_loop3A_203 = arith.index_cast %parallel_loop3A_161 : i32 to index
        %parallel_loop3A_204 = arith.constant 48 : index
        %parallel_loop3A_205 = tpu.vector_load %arg14[%parallel_loop3A_203, %parallel_loop3A_204] {strides = array<i32>} : memref<8x512xf32, #tpu.memory_space<vmem>>, vector<1x16xf32>,
        %parallel_loop3A_206 = vector.shape_cast %parallel_loop3A_205 : vector<1x16xf32> to vector<16xf32>
        %parallel_loop3A_207 = arith.index_cast %parallel_loop3A_161 : i32 to index
        %parallel_loop3A_208 = arith.constant 48 : index
        %parallel_loop3A_209 = tpu.vector_load %arg10[%parallel_loop3A_207, %parallel_loop3A_208] {strides = array<i32>} : memref<8x512xf32, #tpu.memory_space<vmem>>, vector<1x16xf32>,
        %parallel_loop3A_210 = vector.shape_cast %parallel_loop3A_209 : vector<1x16xf32> to vector<16xf32>
        %parallel_loop3A_211 = arith.subf %parallel_loop3A_206, %parallel_loop3A_210 : vector<16xf32>
        %parallel_loop3A_212 = arith.mulf %parallel_loop3A_211, %parallel_loop3A_211 : vector<16xf32>
        %parallel_loop3A_213 = arith.addf %parallel_loop3A_165, %parallel_loop3A_212 : vector<16xf32>
        %parallel_loop3A_214 = arith.index_cast %parallel_loop3A_161 : i32 to index
        %parallel_loop3A_215 = arith.constant 64 : index
        %parallel_loop3A_216 = tpu.vector_load %arg14[%parallel_loop3A_214, %parallel_loop3A_215] {strides = array<i32>} : memref<8x512xf32, #tpu.memory_space<vmem>>, vector<1x16xf32>,
        %parallel_loop3A_217 = vector.shape_cast %parallel_loop3A_216 : vector<1x16xf32> to vector<16xf32>
        %parallel_loop3A_218 = arith.index_cast %parallel_loop3A_161 : i32 to index
        %parallel_loop3A_219 = arith.constant 64 : index
        %parallel_loop3A_220 = tpu.vector_load %arg10[%parallel_loop3A_218, %parallel_loop3A_219] {strides = array<i32>} : memref<8x512xf32, #tpu.memory_space<vmem>>, vector<1x16xf32>,
        %parallel_loop3A_221 = vector.shape_cast %parallel_loop3A_220 : vector<1x16xf32> to vector<16xf32>
        %parallel_loop3A_222 = arith.subf %parallel_loop3A_217, %parallel_loop3A_221 : vector<16xf32>
        %parallel_loop3A_223 = arith.mulf %parallel_loop3A_222, %parallel_loop3A_222 : vector<16xf32>
        %parallel_loop3A_224 = arith.addf %parallel_loop3A_166, %parallel_loop3A_223 : vector<16xf32>
        %parallel_loop3A_225 = arith.index_cast %parallel_loop3A_161 : i32 to index
        %parallel_loop3A_226 = arith.constant 80 : index
        %parallel_loop3A_227 = tpu.vector_load %arg14[%parallel_loop3A_225, %parallel_loop3A_226] {strides = array<i32>} : memref<8x512xf32, #tpu.memory_space<vmem>>, vector<1x16xf32>,
        %parallel_loop3A_228 = vector.shape_cast %parallel_loop3A_227 : vector<1x16xf32> to vector<16xf32>
        %parallel_loop3A_229 = arith.index_cast %parallel_loop3A_161 : i32 to index
        %parallel_loop3A_230 = arith.constant 80 : index
        %parallel_loop3A_231 = tpu.vector_load %arg10[%parallel_loop3A_229, %parallel_loop3A_230] {strides = array<i32>} : memref<8x512xf32, #tpu.memory_space<vmem>>, vector<1x16xf32>,
        %parallel_loop3A_232 = vector.shape_cast %parallel_loop3A_231 : vector<1x16xf32> to vector<16xf32>
        %parallel_loop3A_233 = arith.subf %parallel_loop3A_228, %parallel_loop3A_232 : vector<16xf32>
        %parallel_loop3A_234 = arith.mulf %parallel_loop3A_233, %parallel_loop3A_233 : vector<16xf32>
        %parallel_loop3A_235 = arith.addf %parallel_loop3A_167, %parallel_loop3A_234 : vector<16xf32>
        %parallel_loop3A_236 = arith.index_cast %parallel_loop3A_161 : i32 to index
        %parallel_loop3A_237 = arith.constant 96 : index
        %parallel_loop3A_238 = tpu.vector_load %arg14[%parallel_loop3A_236, %parallel_loop3A_237] {strides = array<i32>} : memref<8x512xf32, #tpu.memory_space<vmem>>, vector<1x16xf32>,
        %parallel_loop3A_239 = vector.shape_cast %parallel_loop3A_238 : vector<1x16xf32> to vector<16xf32>
        %parallel_loop3A_240 = arith.index_cast %parallel_loop3A_161 : i32 to index
        %parallel_loop3A_241 = arith.constant 96 : index
        %parallel_loop3A_242 = tpu.vector_load %arg10[%parallel_loop3A_240, %parallel_loop3A_241] {strides = array<i32>} : memref<8x512xf32, #tpu.memory_space<vmem>>, vector<1x16xf32>,
        %parallel_loop3A_243 = vector.shape_cast %parallel_loop3A_242 : vector<1x16xf32> to vector<16xf32>
        %parallel_loop3A_244 = arith.subf %parallel_loop3A_239, %parallel_loop3A_243 : vector<16xf32>
        %parallel_loop3A_245 = arith.mulf %parallel_loop3A_244, %parallel_loop3A_244 : vector<16xf32>
        %parallel_loop3A_246 = arith.addf %parallel_loop3A_168, %parallel_loop3A_245 : vector<16xf32>
        %parallel_loop3A_247 = arith.index_cast %parallel_loop3A_161 : i32 to index
        %parallel_loop3A_248 = arith.constant 112 : index
        %parallel_loop3A_249 = tpu.vector_load %arg14[%parallel_loop3A_247, %parallel_loop3A_248] {strides = array<i32>} : memref<8x512xf32, #tpu.memory_space<vmem>>, vector<1x16xf32>,
        %parallel_loop3A_250 = vector.shape_cast %parallel_loop3A_249 : vector<1x16xf32> to vector<16xf32>
        %parallel_loop3A_251 = arith.index_cast %parallel_loop3A_161 : i32 to index
        %parallel_loop3A_252 = arith.constant 112 : index
        %parallel_loop3A_253 = tpu.vector_load %arg10[%parallel_loop3A_251, %parallel_loop3A_252] {strides = array<i32>} : memref<8x512xf32, #tpu.memory_space<vmem>>, vector<1x16xf32>,
        %parallel_loop3A_254 = vector.shape_cast %parallel_loop3A_253 : vector<1x16xf32> to vector<16xf32>
        %parallel_loop3A_255 = arith.subf %parallel_loop3A_250, %parallel_loop3A_254 : vector<16xf32>
        %parallel_loop3A_256 = arith.mulf %parallel_loop3A_255, %parallel_loop3A_255 : vector<16xf32>
        %parallel_loop3A_257 = arith.addf %parallel_loop3A_169, %parallel_loop3A_256 : vector<16xf32>
        %parallel_loop3A_258 = arith.index_cast %parallel_loop3A_161 : i32 to index
        %parallel_loop3A_259 = arith.constant 128 : index
        %parallel_loop3A_260 = tpu.vector_load %arg14[%parallel_loop3A_258, %parallel_loop3A_259] {strides = array<i32>} : memref<8x512xf32, #tpu.memory_space<vmem>>, vector<1x16xf32>,
        %parallel_loop3A_261 = vector.shape_cast %parallel_loop3A_260 : vector<1x16xf32> to vector<16xf32>
        %parallel_loop3A_262 = arith.index_cast %parallel_loop3A_161 : i32 to index
        %parallel_loop3A_263 = arith.constant 128 : index
        %parallel_loop3A_264 = tpu.vector_load %arg10[%parallel_loop3A_262, %parallel_loop3A_263] {strides = array<i32>} : memref<8x512xf32, #tpu.memory_space<vmem>>, vector<1x16xf32>,
        %parallel_loop3A_265 = vector.shape_cast %parallel_loop3A_264 : vector<1x16xf32> to vector<16xf32>
        %parallel_loop3A_266 = arith.subf %parallel_loop3A_261, %parallel_loop3A_265 : vector<16xf32>
        %parallel_loop3A_267 = arith.mulf %parallel_loop3A_266, %parallel_loop3A_266 : vector<16xf32>
        %parallel_loop3A_268 = arith.addf %parallel_loop3A_180, %parallel_loop3A_267 : vector<16xf32>
        %parallel_loop3A_269 = arith.index_cast %parallel_loop3A_161 : i32 to index
        %parallel_loop3A_270 = arith.constant 144 : index
        %parallel_loop3A_271 = tpu.vector_load %arg14[%parallel_loop3A_269, %parallel_loop3A_270] {strides = array<i32>} : memref<8x512xf32, #tpu.memory_space<vmem>>, vector<1x16xf32>,
        %parallel_loop3A_272 = vector.shape_cast %parallel_loop3A_271 : vector<1x16xf32> to vector<16xf32>
        %parallel_loop3A_273 = arith.index_cast %parallel_loop3A_161 : i32 to index
        %parallel_loop3A_274 = arith.constant 144 : index
        %parallel_loop3A_275 = tpu.vector_load %arg10[%parallel_loop3A_273, %parallel_loop3A_274] {strides = array<i32>} : memref<8x512xf32, #tpu.memory_space<vmem>>, vector<1x16xf32>,
        %parallel_loop3A_276 = vector.shape_cast %parallel_loop3A_275 : vector<1x16xf32> to vector<16xf32>
        %parallel_loop3A_277 = arith.subf %parallel_loop3A_272, %parallel_loop3A_276 : vector<16xf32>
        %parallel_loop3A_278 = arith.mulf %parallel_loop3A_277, %parallel_loop3A_277 : vector<16xf32>
        %parallel_loop3A_279 = arith.addf %parallel_loop3A_191, %parallel_loop3A_278 : vector<16xf32>
        %parallel_loop3A_280 = arith.index_cast %parallel_loop3A_161 : i32 to index
        %parallel_loop3A_281 = arith.constant 160 : index
        %parallel_loop3A_282 = tpu.vector_load %arg14[%parallel_loop3A_280, %parallel_loop3A_281] {strides = array<i32>} : memref<8x512xf32, #tpu.memory_space<vmem>>, vector<1x16xf32>,
        %parallel_loop3A_283 = vector.shape_cast %parallel_loop3A_282 : vector<1x16xf32> to vector<16xf32>
        %parallel_loop3A_284 = arith.index_cast %parallel_loop3A_161 : i32 to index
        %parallel_loop3A_285 = arith.constant 160 : index
        %parallel_loop3A_286 = tpu.vector_load %arg10[%parallel_loop3A_284, %parallel_loop3A_285] {strides = array<i32>} : memref<8x512xf32, #tpu.memory_space<vmem>>, vector<1x16xf32>,
        %parallel_loop3A_287 = vector.shape_cast %parallel_loop3A_286 : vector<1x16xf32> to vector<16xf32>
        %parallel_loop3A_288 = arith.subf %parallel_loop3A_283, %parallel_loop3A_287 : vector<16xf32>
        %parallel_loop3A_289 = arith.mulf %parallel_loop3A_288, %parallel_loop3A_288 : vector<16xf32>
        %parallel_loop3A_290 = arith.addf %parallel_loop3A_202, %parallel_loop3A_289 : vector<16xf32>
        %parallel_loop3A_291 = arith.index_cast %parallel_loop3A_161 : i32 to index
        %parallel_loop3A_292 = arith.constant 176 : index
        %parallel_loop3A_293 = tpu.vector_load %arg14[%parallel_loop3A_291, %parallel_loop3A_292] {strides = array<i32>} : memref<8x512xf32, #tpu.memory_space<vmem>>, vector<1x16xf32>,
        %parallel_loop3A_294 = vector.shape_cast %parallel_loop3A_293 : vector<1x16xf32> to vector<16xf32>
        %parallel_loop3A_295 = arith.index_cast %parallel_loop3A_161 : i32 to index
        %parallel_loop3A_296 = arith.constant 176 : index
        %parallel_loop3A_297 = tpu.vector_load %arg10[%parallel_loop3A_295, %parallel_loop3A_296] {strides = array<i32>} : memref<8x512xf32, #tpu.memory_space<vmem>>, vector<1x16xf32>,
        %parallel_loop3A_298 = vector.shape_cast %parallel_loop3A_297 : vector<1x16xf32> to vector<16xf32>
        %parallel_loop3A_299 = arith.subf %parallel_loop3A_294, %parallel_loop3A_298 : vector<16xf32>
        %parallel_loop3A_300 = arith.mulf %parallel_loop3A_299, %parallel_loop3A_299 : vector<16xf32>
        %parallel_loop3A_301 = arith.addf %parallel_loop3A_213, %parallel_loop3A_300 : vector<16xf32>
        %parallel_loop3A_302 = arith.index_cast %parallel_loop3A_161 : i32 to index
        %parallel_loop3A_303 = arith.constant 192 : index
        %parallel_loop3A_304 = tpu.vector_load %arg14[%parallel_loop3A_302, %parallel_loop3A_303] {strides = array<i32>} : memref<8x512xf32, #tpu.memory_space<vmem>>, vector<1x16xf32>,
        %parallel_loop3A_305 = vector.shape_cast %parallel_loop3A_304 : vector<1x16xf32> to vector<16xf32>
        %parallel_loop3A_306 = arith.index_cast %parallel_loop3A_161 : i32 to index
        %parallel_loop3A_307 = arith.constant 192 : index
        %parallel_loop3A_308 = tpu.vector_load %arg10[%parallel_loop3A_306, %parallel_loop3A_307] {strides = array<i32>} : memref<8x512xf32, #tpu.memory_space<vmem>>, vector<1x16xf32>,
        %parallel_loop3A_309 = vector.shape_cast %parallel_loop3A_308 : vector<1x16xf32> to vector<16xf32>
        %parallel_loop3A_310 = arith.subf %parallel_loop3A_305, %parallel_loop3A_309 : vector<16xf32>
        %parallel_loop3A_311 = arith.mulf %parallel_loop3A_310, %parallel_loop3A_310 : vector<16xf32>
        %parallel_loop3A_312 = arith.addf %parallel_loop3A_224, %parallel_loop3A_311 : vector<16xf32>
        %parallel_loop3A_313 = arith.index_cast %parallel_loop3A_161 : i32 to index
        %parallel_loop3A_314 = arith.constant 208 : index
        %parallel_loop3A_315 = tpu.vector_load %arg14[%parallel_loop3A_313, %parallel_loop3A_314] {strides = array<i32>} : memref<8x512xf32, #tpu.memory_space<vmem>>, vector<1x16xf32>,
        %parallel_loop3A_316 = vector.shape_cast %parallel_loop3A_315 : vector<1x16xf32> to vector<16xf32>
        %parallel_loop3A_317 = arith.index_cast %parallel_loop3A_161 : i32 to index
        %parallel_loop3A_318 = arith.constant 208 : index
        %parallel_loop3A_319 = tpu.vector_load %arg10[%parallel_loop3A_317, %parallel_loop3A_318] {strides = array<i32>} : memref<8x512xf32, #tpu.memory_space<vmem>>, vector<1x16xf32>,
        %parallel_loop3A_320 = vector.shape_cast %parallel_loop3A_319 : vector<1x16xf32> to vector<16xf32>
        %parallel_loop3A_321 = arith.subf %parallel_loop3A_316, %parallel_loop3A_320 : vector<16xf32>
        %parallel_loop3A_322 = arith.mulf %parallel_loop3A_321, %parallel_loop3A_321 : vector<16xf32>
        %parallel_loop3A_323 = arith.addf %parallel_loop3A_235, %parallel_loop3A_322 : vector<16xf32>
        %parallel_loop3A_324 = arith.index_cast %parallel_loop3A_161 : i32 to index
        %parallel_loop3A_325 = arith.constant 224 : index
        %parallel_loop3A_326 = tpu.vector_load %arg14[%parallel_loop3A_324, %parallel_loop3A_325] {strides = array<i32>} : memref<8x512xf32, #tpu.memory_space<vmem>>, vector<1x16xf32>,
        %parallel_loop3A_327 = vector.shape_cast %parallel_loop3A_326 : vector<1x16xf32> to vector<16xf32>
        %parallel_loop3A_328 = arith.index_cast %parallel_loop3A_161 : i32 to index
        %parallel_loop3A_329 = arith.constant 224 : index
        %parallel_loop3A_330 = tpu.vector_load %arg10[%parallel_loop3A_328, %parallel_loop3A_329] {strides = array<i32>} : memref<8x512xf32, #tpu.memory_space<vmem>>, vector<1x16xf32>,
        %parallel_loop3A_331 = vector.shape_cast %parallel_loop3A_330 : vector<1x16xf32> to vector<16xf32>
        %parallel_loop3A_332 = arith.subf %parallel_loop3A_327, %parallel_loop3A_331 : vector<16xf32>
        %parallel_loop3A_333 = arith.mulf %parallel_loop3A_332, %parallel_loop3A_332 : vector<16xf32>
        %parallel_loop3A_334 = arith.addf %parallel_loop3A_246, %parallel_loop3A_333 : vector<16xf32>
        %parallel_loop3A_335 = arith.index_cast %parallel_loop3A_161 : i32 to index
        %parallel_loop3A_336 = arith.constant 240 : index
        %parallel_loop3A_337 = tpu.vector_load %arg14[%parallel_loop3A_335, %parallel_loop3A_336] {strides = array<i32>} : memref<8x512xf32, #tpu.memory_space<vmem>>, vector<1x16xf32>,
        %parallel_loop3A_338 = vector.shape_cast %parallel_loop3A_337 : vector<1x16xf32> to vector<16xf32>
        %parallel_loop3A_339 = arith.index_cast %parallel_loop3A_161 : i32 to index
        %parallel_loop3A_340 = arith.constant 240 : index
        %parallel_loop3A_341 = tpu.vector_load %arg10[%parallel_loop3A_339, %parallel_loop3A_340] {strides = array<i32>} : memref<8x512xf32, #tpu.memory_space<vmem>>, vector<1x16xf32>,
        %parallel_loop3A_342 = vector.shape_cast %parallel_loop3A_341 : vector<1x16xf32> to vector<16xf32>
        %parallel_loop3A_343 = arith.subf %parallel_loop3A_338, %parallel_loop3A_342 : vector<16xf32>
        %parallel_loop3A_344 = arith.mulf %parallel_loop3A_343, %parallel_loop3A_343 : vector<16xf32>
        %parallel_loop3A_345 = arith.addf %parallel_loop3A_257, %parallel_loop3A_344 : vector<16xf32>
        %parallel_loop3A_346 = arith.index_cast %parallel_loop3A_161 : i32 to index
        %parallel_loop3A_347 = arith.constant 256 : index
        %parallel_loop3A_348 = tpu.vector_load %arg14[%parallel_loop3A_346, %parallel_loop3A_347] {strides = array<i32>} : memref<8x512xf32, #tpu.memory_space<vmem>>, vector<1x16xf32>,
        %parallel_loop3A_349 = vector.shape_cast %parallel_loop3A_348 : vector<1x16xf32> to vector<16xf32>
        %parallel_loop3A_350 = arith.index_cast %parallel_loop3A_161 : i32 to index
        %parallel_loop3A_351 = arith.constant 256 : index
        %parallel_loop3A_352 = tpu.vector_load %arg10[%parallel_loop3A_350, %parallel_loop3A_351] {strides = array<i32>} : memref<8x512xf32, #tpu.memory_space<vmem>>, vector<1x16xf32>,
        %parallel_loop3A_353 = vector.shape_cast %parallel_loop3A_352 : vector<1x16xf32> to vector<16xf32>
        %parallel_loop3A_354 = arith.subf %parallel_loop3A_349, %parallel_loop3A_353 : vector<16xf32>
        %parallel_loop3A_355 = arith.mulf %parallel_loop3A_354, %parallel_loop3A_354 : vector<16xf32>
        %parallel_loop3A_356 = arith.addf %parallel_loop3A_268, %parallel_loop3A_355 : vector<16xf32>
        %parallel_loop3A_357 = arith.index_cast %parallel_loop3A_161 : i32 to index
        %parallel_loop3A_358 = arith.constant 272 : index
        %parallel_loop3A_359 = tpu.vector_load %arg14[%parallel_loop3A_357, %parallel_loop3A_358] {strides = array<i32>} : memref<8x512xf32, #tpu.memory_space<vmem>>, vector<1x16xf32>,
        %parallel_loop3A_360 = vector.shape_cast %parallel_loop3A_359 : vector<1x16xf32> to vector<16xf32>
        %parallel_loop3A_361 = arith.index_cast %parallel_loop3A_161 : i32 to index
        %parallel_loop3A_362 = arith.constant 272 : index
        %parallel_loop3A_363 = tpu.vector_load %arg10[%parallel_loop3A_361, %parallel_loop3A_362] {strides = array<i32>} : memref<8x512xf32, #tpu.memory_space<vmem>>, vector<1x16xf32>,
        %parallel_loop3A_364 = vector.shape_cast %parallel_loop3A_363 : vector<1x16xf32> to vector<16xf32>
        %parallel_loop3A_365 = arith.subf %parallel_loop3A_360, %parallel_loop3A_364 : vector<16xf32>
        %parallel_loop3A_366 = arith.mulf %parallel_loop3A_365, %parallel_loop3A_365 : vector<16xf32>
        %parallel_loop3A_367 = arith.addf %parallel_loop3A_279, %parallel_loop3A_366 : vector<16xf32>
        %parallel_loop3A_368 = arith.index_cast %parallel_loop3A_161 : i32 to index
        %parallel_loop3A_369 = arith.constant 288 : index
        %parallel_loop3A_370 = tpu.vector_load %arg14[%parallel_loop3A_368, %parallel_loop3A_369] {strides = array<i32>} : memref<8x512xf32, #tpu.memory_space<vmem>>, vector<1x16xf32>,
        %parallel_loop3A_371 = vector.shape_cast %parallel_loop3A_370 : vector<1x16xf32> to vector<16xf32>
        %parallel_loop3A_372 = arith.index_cast %parallel_loop3A_161 : i32 to index
        %parallel_loop3A_373 = arith.constant 288 : index
        %parallel_loop3A_374 = tpu.vector_load %arg10[%parallel_loop3A_372, %parallel_loop3A_373] {strides = array<i32>} : memref<8x512xf32, #tpu.memory_space<vmem>>, vector<1x16xf32>,
        %parallel_loop3A_375 = vector.shape_cast %parallel_loop3A_374 : vector<1x16xf32> to vector<16xf32>
        %parallel_loop3A_376 = arith.subf %parallel_loop3A_371, %parallel_loop3A_375 : vector<16xf32>
        %parallel_loop3A_377 = arith.mulf %parallel_loop3A_376, %parallel_loop3A_376 : vector<16xf32>
        %parallel_loop3A_378 = arith.addf %parallel_loop3A_290, %parallel_loop3A_377 : vector<16xf32>
        %parallel_loop3A_379 = arith.index_cast %parallel_loop3A_161 : i32 to index
        %parallel_loop3A_380 = arith.constant 304 : index
        %parallel_loop3A_381 = tpu.vector_load %arg14[%parallel_loop3A_379, %parallel_loop3A_380] {strides = array<i32>} : memref<8x512xf32, #tpu.memory_space<vmem>>, vector<1x16xf32>,
        %parallel_loop3A_382 = vector.shape_cast %parallel_loop3A_381 : vector<1x16xf32> to vector<16xf32>
        %parallel_loop3A_383 = arith.index_cast %parallel_loop3A_161 : i32 to index
        %parallel_loop3A_384 = arith.constant 304 : index
        %parallel_loop3A_385 = tpu.vector_load %arg10[%parallel_loop3A_383, %parallel_loop3A_384] {strides = array<i32>} : memref<8x512xf32, #tpu.memory_space<vmem>>, vector<1x16xf32>,
        %parallel_loop3A_386 = vector.shape_cast %parallel_loop3A_385 : vector<1x16xf32> to vector<16xf32>
        %parallel_loop3A_387 = arith.subf %parallel_loop3A_382, %parallel_loop3A_386 : vector<16xf32>
        %parallel_loop3A_388 = arith.mulf %parallel_loop3A_387, %parallel_loop3A_387 : vector<16xf32>
        %parallel_loop3A_389 = arith.addf %parallel_loop3A_301, %parallel_loop3A_388 : vector<16xf32>
        %parallel_loop3A_390 = arith.index_cast %parallel_loop3A_161 : i32 to index
        %parallel_loop3A_391 = arith.constant 320 : index
        %parallel_loop3A_392 = tpu.vector_load %arg14[%parallel_loop3A_390, %parallel_loop3A_391] {strides = array<i32>} : memref<8x512xf32, #tpu.memory_space<vmem>>, vector<1x16xf32>,
        %parallel_loop3A_393 = vector.shape_cast %parallel_loop3A_392 : vector<1x16xf32> to vector<16xf32>
        %parallel_loop3A_394 = arith.index_cast %parallel_loop3A_161 : i32 to index
        %parallel_loop3A_395 = arith.constant 320 : index
        %parallel_loop3A_396 = tpu.vector_load %arg10[%parallel_loop3A_394, %parallel_loop3A_395] {strides = array<i32>} : memref<8x512xf32, #tpu.memory_space<vmem>>, vector<1x16xf32>,
        %parallel_loop3A_397 = vector.shape_cast %parallel_loop3A_396 : vector<1x16xf32> to vector<16xf32>
        %parallel_loop3A_398 = arith.subf %parallel_loop3A_393, %parallel_loop3A_397 : vector<16xf32>
        %parallel_loop3A_399 = arith.mulf %parallel_loop3A_398, %parallel_loop3A_398 : vector<16xf32>
        %parallel_loop3A_400 = arith.addf %parallel_loop3A_312, %parallel_loop3A_399 : vector<16xf32>
        %parallel_loop3A_401 = arith.index_cast %parallel_loop3A_161 : i32 to index
        %parallel_loop3A_402 = arith.constant 336 : index
        %parallel_loop3A_403 = tpu.vector_load %arg14[%parallel_loop3A_401, %parallel_loop3A_402] {strides = array<i32>} : memref<8x512xf32, #tpu.memory_space<vmem>>, vector<1x16xf32>,
        %parallel_loop3A_404 = vector.shape_cast %parallel_loop3A_403 : vector<1x16xf32> to vector<16xf32>
        %parallel_loop3A_405 = arith.index_cast %parallel_loop3A_161 : i32 to index
        %parallel_loop3A_406 = arith.constant 336 : index
        %parallel_loop3A_407 = tpu.vector_load %arg10[%parallel_loop3A_405, %parallel_loop3A_406] {strides = array<i32>} : memref<8x512xf32, #tpu.memory_space<vmem>>, vector<1x16xf32>,
        %parallel_loop3A_408 = vector.shape_cast %parallel_loop3A_407 : vector<1x16xf32> to vector<16xf32>
        %parallel_loop3A_409 = arith.subf %parallel_loop3A_404, %parallel_loop3A_408 : vector<16xf32>
        %parallel_loop3A_410 = arith.mulf %parallel_loop3A_409, %parallel_loop3A_409 : vector<16xf32>
        %parallel_loop3A_411 = arith.addf %parallel_loop3A_323, %parallel_loop3A_410 : vector<16xf32>
        %parallel_loop3A_412 = arith.index_cast %parallel_loop3A_161 : i32 to index
        %parallel_loop3A_413 = arith.constant 352 : index
        %parallel_loop3A_414 = tpu.vector_load %arg14[%parallel_loop3A_412, %parallel_loop3A_413] {strides = array<i32>} : memref<8x512xf32, #tpu.memory_space<vmem>>, vector<1x16xf32>,
        %parallel_loop3A_415 = vector.shape_cast %parallel_loop3A_414 : vector<1x16xf32> to vector<16xf32>
        %parallel_loop3A_416 = arith.index_cast %parallel_loop3A_161 : i32 to index
        %parallel_loop3A_417 = arith.constant 352 : index
        %parallel_loop3A_418 = tpu.vector_load %arg10[%parallel_loop3A_416, %parallel_loop3A_417] {strides = array<i32>} : memref<8x512xf32, #tpu.memory_space<vmem>>, vector<1x16xf32>,
        %parallel_loop3A_419 = vector.shape_cast %parallel_loop3A_418 : vector<1x16xf32> to vector<16xf32>
        %parallel_loop3A_420 = arith.subf %parallel_loop3A_415, %parallel_loop3A_419 : vector<16xf32>
        %parallel_loop3A_421 = arith.mulf %parallel_loop3A_420, %parallel_loop3A_420 : vector<16xf32>
        %parallel_loop3A_422 = arith.addf %parallel_loop3A_334, %parallel_loop3A_421 : vector<16xf32>
        %parallel_loop3A_423 = arith.index_cast %parallel_loop3A_161 : i32 to index
        %parallel_loop3A_424 = arith.constant 368 : index
        %parallel_loop3A_425 = tpu.vector_load %arg14[%parallel_loop3A_423, %parallel_loop3A_424] {strides = array<i32>} : memref<8x512xf32, #tpu.memory_space<vmem>>, vector<1x16xf32>,
        %parallel_loop3A_426 = vector.shape_cast %parallel_loop3A_425 : vector<1x16xf32> to vector<16xf32>
        %parallel_loop3A_427 = arith.index_cast %parallel_loop3A_161 : i32 to index
        %parallel_loop3A_428 = arith.constant 368 : index
        %parallel_loop3A_429 = tpu.vector_load %arg10[%parallel_loop3A_427, %parallel_loop3A_428] {strides = array<i32>} : memref<8x512xf32, #tpu.memory_space<vmem>>, vector<1x16xf32>,
        %parallel_loop3A_430 = vector.shape_cast %parallel_loop3A_429 : vector<1x16xf32> to vector<16xf32>
        %parallel_loop3A_431 = arith.subf %parallel_loop3A_426, %parallel_loop3A_430 : vector<16xf32>
        %parallel_loop3A_432 = arith.mulf %parallel_loop3A_431, %parallel_loop3A_431 : vector<16xf32>
        %parallel_loop3A_433 = arith.addf %parallel_loop3A_345, %parallel_loop3A_432 : vector<16xf32>
        %parallel_loop3A_434 = arith.index_cast %parallel_loop3A_161 : i32 to index
        %parallel_loop3A_435 = arith.constant 384 : index
        %parallel_loop3A_436 = tpu.vector_load %arg14[%parallel_loop3A_434, %parallel_loop3A_435] {strides = array<i32>} : memref<8x512xf32, #tpu.memory_space<vmem>>, vector<1x16xf32>,
        %parallel_loop3A_437 = vector.shape_cast %parallel_loop3A_436 : vector<1x16xf32> to vector<16xf32>
        %parallel_loop3A_438 = arith.index_cast %parallel_loop3A_161 : i32 to index
        %parallel_loop3A_439 = arith.constant 384 : index
        %parallel_loop3A_440 = tpu.vector_load %arg10[%parallel_loop3A_438, %parallel_loop3A_439] {strides = array<i32>} : memref<8x512xf32, #tpu.memory_space<vmem>>, vector<1x16xf32>,
        %parallel_loop3A_441 = vector.shape_cast %parallel_loop3A_440 : vector<1x16xf32> to vector<16xf32>
        %parallel_loop3A_442 = arith.subf %parallel_loop3A_437, %parallel_loop3A_441 : vector<16xf32>
        %parallel_loop3A_443 = arith.mulf %parallel_loop3A_442, %parallel_loop3A_442 : vector<16xf32>
        %parallel_loop3A_444 = arith.addf %parallel_loop3A_356, %parallel_loop3A_443 : vector<16xf32>
        %parallel_loop3A_445 = arith.index_cast %parallel_loop3A_161 : i32 to index
        %parallel_loop3A_446 = arith.constant 400 : index
        %parallel_loop3A_447 = tpu.vector_load %arg14[%parallel_loop3A_445, %parallel_loop3A_446] {strides = array<i32>} : memref<8x512xf32, #tpu.memory_space<vmem>>, vector<1x16xf32>,
        %parallel_loop3A_448 = vector.shape_cast %parallel_loop3A_447 : vector<1x16xf32> to vector<16xf32>
        %parallel_loop3A_449 = arith.index_cast %parallel_loop3A_161 : i32 to index
        %parallel_loop3A_450 = arith.constant 400 : index
        %parallel_loop3A_451 = tpu.vector_load %arg10[%parallel_loop3A_449, %parallel_loop3A_450] {strides = array<i32>} : memref<8x512xf32, #tpu.memory_space<vmem>>, vector<1x16xf32>,
        %parallel_loop3A_452 = vector.shape_cast %parallel_loop3A_451 : vector<1x16xf32> to vector<16xf32>
        %parallel_loop3A_453 = arith.subf %parallel_loop3A_448, %parallel_loop3A_452 : vector<16xf32>
        %parallel_loop3A_454 = arith.mulf %parallel_loop3A_453, %parallel_loop3A_453 : vector<16xf32>
        %parallel_loop3A_455 = arith.addf %parallel_loop3A_367, %parallel_loop3A_454 : vector<16xf32>
        %parallel_loop3A_456 = arith.index_cast %parallel_loop3A_161 : i32 to index
        %parallel_loop3A_457 = arith.constant 416 : index
        %parallel_loop3A_458 = tpu.vector_load %arg14[%parallel_loop3A_456, %parallel_loop3A_457] {strides = array<i32>} : memref<8x512xf32, #tpu.memory_space<vmem>>, vector<1x16xf32>,
        %parallel_loop3A_459 = vector.shape_cast %parallel_loop3A_458 : vector<1x16xf32> to vector<16xf32>
        %parallel_loop3A_460 = arith.index_cast %parallel_loop3A_161 : i32 to index
        %parallel_loop3A_461 = arith.constant 416 : index
        %parallel_loop3A_462 = tpu.vector_load %arg10[%parallel_loop3A_460, %parallel_loop3A_461] {strides = array<i32>} : memref<8x512xf32, #tpu.memory_space<vmem>>, vector<1x16xf32>,
        %parallel_loop3A_463 = vector.shape_cast %parallel_loop3A_462 : vector<1x16xf32> to vector<16xf32>
        %parallel_loop3A_464 = arith.subf %parallel_loop3A_459, %parallel_loop3A_463 : vector<16xf32>
        %parallel_loop3A_465 = arith.mulf %parallel_loop3A_464, %parallel_loop3A_464 : vector<16xf32>
        %parallel_loop3A_466 = arith.addf %parallel_loop3A_378, %parallel_loop3A_465 : vector<16xf32>
        %parallel_loop3A_467 = arith.index_cast %parallel_loop3A_161 : i32 to index
        %parallel_loop3A_468 = arith.constant 432 : index
        %parallel_loop3A_469 = tpu.vector_load %arg14[%parallel_loop3A_467, %parallel_loop3A_468] {strides = array<i32>} : memref<8x512xf32, #tpu.memory_space<vmem>>, vector<1x16xf32>,
        %parallel_loop3A_470 = vector.shape_cast %parallel_loop3A_469 : vector<1x16xf32> to vector<16xf32>
        %parallel_loop3A_471 = arith.index_cast %parallel_loop3A_161 : i32 to index
        %parallel_loop3A_472 = arith.constant 432 : index
        %parallel_loop3A_473 = tpu.vector_load %arg10[%parallel_loop3A_471, %parallel_loop3A_472] {strides = array<i32>} : memref<8x512xf32, #tpu.memory_space<vmem>>, vector<1x16xf32>,
        %parallel_loop3A_474 = vector.shape_cast %parallel_loop3A_473 : vector<1x16xf32> to vector<16xf32>
        %parallel_loop3A_475 = arith.subf %parallel_loop3A_470, %parallel_loop3A_474 : vector<16xf32>
        %parallel_loop3A_476 = arith.mulf %parallel_loop3A_475, %parallel_loop3A_475 : vector<16xf32>
        %parallel_loop3A_477 = arith.addf %parallel_loop3A_389, %parallel_loop3A_476 : vector<16xf32>
        %parallel_loop3A_478 = arith.index_cast %parallel_loop3A_161 : i32 to index
        %parallel_loop3A_479 = arith.constant 448 : index
        %parallel_loop3A_480 = tpu.vector_load %arg14[%parallel_loop3A_478, %parallel_loop3A_479] {strides = array<i32>} : memref<8x512xf32, #tpu.memory_space<vmem>>, vector<1x16xf32>,
        %parallel_loop3A_481 = vector.shape_cast %parallel_loop3A_480 : vector<1x16xf32> to vector<16xf32>
        %parallel_loop3A_482 = arith.index_cast %parallel_loop3A_161 : i32 to index
        %parallel_loop3A_483 = arith.constant 448 : index
        %parallel_loop3A_484 = tpu.vector_load %arg10[%parallel_loop3A_482, %parallel_loop3A_483] {strides = array<i32>} : memref<8x512xf32, #tpu.memory_space<vmem>>, vector<1x16xf32>,
        %parallel_loop3A_485 = vector.shape_cast %parallel_loop3A_484 : vector<1x16xf32> to vector<16xf32>
        %parallel_loop3A_486 = arith.subf %parallel_loop3A_481, %parallel_loop3A_485 : vector<16xf32>
        %parallel_loop3A_487 = arith.mulf %parallel_loop3A_486, %parallel_loop3A_486 : vector<16xf32>
        %parallel_loop3A_488 = arith.addf %parallel_loop3A_400, %parallel_loop3A_487 : vector<16xf32>
        %parallel_loop3A_489 = arith.index_cast %parallel_loop3A_161 : i32 to index
        %parallel_loop3A_490 = arith.constant 464 : index
        %parallel_loop3A_491 = tpu.vector_load %arg14[%parallel_loop3A_489, %parallel_loop3A_490] {strides = array<i32>} : memref<8x512xf32, #tpu.memory_space<vmem>>, vector<1x16xf32>,
        %parallel_loop3A_492 = vector.shape_cast %parallel_loop3A_491 : vector<1x16xf32> to vector<16xf32>
        %parallel_loop3A_493 = arith.index_cast %parallel_loop3A_161 : i32 to index
        %parallel_loop3A_494 = arith.constant 464 : index
        %parallel_loop3A_495 = tpu.vector_load %arg10[%parallel_loop3A_493, %parallel_loop3A_494] {strides = array<i32>} : memref<8x512xf32, #tpu.memory_space<vmem>>, vector<1x16xf32>,
        %parallel_loop3A_496 = vector.shape_cast %parallel_loop3A_495 : vector<1x16xf32> to vector<16xf32>
        %parallel_loop3A_497 = arith.subf %parallel_loop3A_492, %parallel_loop3A_496 : vector<16xf32>
        %parallel_loop3A_498 = arith.mulf %parallel_loop3A_497, %parallel_loop3A_497 : vector<16xf32>
        %parallel_loop3A_499 = arith.addf %parallel_loop3A_411, %parallel_loop3A_498 : vector<16xf32>
        %parallel_loop3A_500 = arith.index_cast %parallel_loop3A_161 : i32 to index
        %parallel_loop3A_501 = arith.constant 480 : index
        %parallel_loop3A_502 = tpu.vector_load %arg14[%parallel_loop3A_500, %parallel_loop3A_501] {strides = array<i32>} : memref<8x512xf32, #tpu.memory_space<vmem>>, vector<1x16xf32>,
        %parallel_loop3A_503 = vector.shape_cast %parallel_loop3A_502 : vector<1x16xf32> to vector<16xf32>
        %parallel_loop3A_504 = arith.index_cast %parallel_loop3A_161 : i32 to index
        %parallel_loop3A_505 = arith.constant 480 : index
        %parallel_loop3A_506 = tpu.vector_load %arg10[%parallel_loop3A_504, %parallel_loop3A_505] {strides = array<i32>} : memref<8x512xf32, #tpu.memory_space<vmem>>, vector<1x16xf32>,
        %parallel_loop3A_507 = vector.shape_cast %parallel_loop3A_506 : vector<1x16xf32> to vector<16xf32>
        %parallel_loop3A_508 = arith.subf %parallel_loop3A_503, %parallel_loop3A_507 : vector<16xf32>
        %parallel_loop3A_509 = arith.mulf %parallel_loop3A_508, %parallel_loop3A_508 : vector<16xf32>
        %parallel_loop3A_510 = arith.addf %parallel_loop3A_422, %parallel_loop3A_509 : vector<16xf32>
        %parallel_loop3A_511 = arith.index_cast %parallel_loop3A_161 : i32 to index
        %parallel_loop3A_512 = arith.constant 496 : index
        %parallel_loop3A_513 = tpu.vector_load %arg14[%parallel_loop3A_511, %parallel_loop3A_512] {strides = array<i32>} : memref<8x512xf32, #tpu.memory_space<vmem>>, vector<1x16xf32>,
        %parallel_loop3A_514 = vector.shape_cast %parallel_loop3A_513 : vector<1x16xf32> to vector<16xf32>
        %parallel_loop3A_515 = arith.index_cast %parallel_loop3A_161 : i32 to index
        %parallel_loop3A_516 = arith.constant 496 : index
        %parallel_loop3A_517 = tpu.vector_load %arg10[%parallel_loop3A_515, %parallel_loop3A_516] {strides = array<i32>} : memref<8x512xf32, #tpu.memory_space<vmem>>, vector<1x16xf32>,
        %parallel_loop3A_518 = vector.shape_cast %parallel_loop3A_517 : vector<1x16xf32> to vector<16xf32>
        %parallel_loop3A_519 = arith.subf %parallel_loop3A_514, %parallel_loop3A_518 : vector<16xf32>
        %parallel_loop3A_520 = arith.mulf %parallel_loop3A_519, %parallel_loop3A_519 : vector<16xf32>
        %parallel_loop3A_521 = arith.addf %parallel_loop3A_433, %parallel_loop3A_520 : vector<16xf32>
        scf.yield %parallel_loop3A_444, %parallel_loop3A_455, %parallel_loop3A_466, %parallel_loop3A_477, %parallel_loop3A_488, %parallel_loop3A_499, %parallel_loop3A_510, %parallel_loop3A_521 : vector<16xf32>, vector<16xf32>, vector<16xf32>, vector<16xf32>, vector<16xf32>, vector<16xf32>, vector<16xf32>, vector<16xf32>
      } {sc.loop_unroll_factor = 2 : i64, sc.parallel_access}
      scf.yield %parallel_loop3A_160#0, %parallel_loop3A_160#1, %parallel_loop3A_160#2, %parallel_loop3A_160#3, %parallel_loop3A_160#4, %parallel_loop3A_160#5, %parallel_loop3A_160#6, %parallel_loop3A_160#7 : vector<16xf32>, vector<16xf32>, vector<16xf32>, vector<16xf32>, vector<16xf32>, vector<16xf32>, vector<16xf32>, vector<16xf32>
    }
    %scan3A_54 = arith.constant 4 : i32
    %add3A_55 = arith.addf %scan3A_53#0, %scan3A_53#1 : vector<16xf32>
    %add3A_56 = arith.addf %scan3A_53#2, %scan3A_53#3 : vector<16xf32>
    %add3A_57 = arith.addf %add3A_55, %add3A_56 : vector<16xf32>
    %add3A_58 = arith.addf %scan3A_53#4, %scan3A_53#5 : vector<16xf32>
    %add3A_59 = arith.addf %scan3A_53#6, %scan3A_53#7 : vector<16xf32>
    %add3A_60 = arith.addf %add3A_58, %add3A_59 : vector<16xf32>
    %add3A_61 = arith.addf %add3A_57, %add3A_60 : vector<16xf32>
    %swap3A = arith.constant 0 : index
    %swap3A_62 = tpu.vector_load %arg15[%swap3A] {strides = array<i32>} : memref<16xf32, #tpu.memory_space<vmem>>, vector<16xf32>,
    %swap3A_63 = vector.shape_cast %swap3A_62 : vector<16xf32> to vector<16xf32>
    %swap3A_64 = vector.shape_cast %add3A_61 : vector<16xf32> to vector<16xf32>
    tpu.vector_store %arg15[%swap3A], %swap3A_64 {strides = array<i32>} : memref<16xf32, #tpu.memory_space<vmem>>, vector<16xf32>,
    "tpu.region"() ({
      %run_scoped3A = tpu.sem_alloc : memref<!tpu.dma_semaphore, #tpu.memory_space<semaphore_mem>>
      %dma_start3A_65 = arith.constant 0 : i32
      %dma_start3A_66 = tpu.memref_slice %arg5[%add3A, %dma_start3A_65] : memref<32x16xf32, #tpu.memory_space<hbm>> -> memref<1x16xf32, #tpu.memory_space<hbm>>
      %dma_start3A_67 = tpu.memref_squeeze %dma_start3A_66 : memref<1x16xf32, #tpu.memory_space<hbm>> -> memref<16xf32, #tpu.memory_space<hbm>>
      %dma_start3A_68 = arith.constant 0 : i32
      %dma_start3A_69 = tpu.memref_slice %arg5[%add3A, %dma_start3A_68] : memref<32x16xf32, #tpu.memory_space<hbm>> -> memref<1x16xf32, #tpu.memory_space<hbm>>
      %dma_start3A_70 = tpu.memref_squeeze %dma_start3A_69 : memref<1x16xf32, #tpu.memory_space<hbm>> -> memref<16xf32, #tpu.memory_space<hbm>>
      tpu.enqueue_dma source(%arg15 : memref<16xf32, #tpu.memory_space<vmem>>) target(%dma_start3A_70 : memref<16xf32, #tpu.memory_space<hbm>>) target_semaphore(%run_scoped3A : memref<!tpu.dma_semaphore, #tpu.memory_space<semaphore_mem>>)
      %dma_wait3A = arith.constant 0 : i32
      %dma_wait3A_71 = tpu.memref_slice %arg5[%add3A, %dma_wait3A] : memref<32x16xf32, #tpu.memory_space<hbm>> -> memref<1x16xf32, #tpu.memory_space<hbm>>
      %dma_wait3A_72 = tpu.memref_squeeze %dma_wait3A_71 : memref<1x16xf32, #tpu.memory_space<hbm>> -> memref<16xf32, #tpu.memory_space<hbm>>
      %dma_wait3A_73 = arith.constant 0 : i32
      %dma_wait3A_74 = tpu.memref_slice %arg5[%add3A, %dma_wait3A_73] : memref<32x16xf32, #tpu.memory_space<hbm>> -> memref<1x16xf32, #tpu.memory_space<hbm>>
      %dma_wait3A_75 = tpu.memref_squeeze %dma_wait3A_74 : memref<1x16xf32, #tpu.memory_space<hbm>> -> memref<16xf32, #tpu.memory_space<hbm>>
      tpu.wait_dma2 semaphore(%run_scoped3A : memref<!tpu.dma_semaphore, #tpu.memory_space<semaphore_mem>>) src(%arg15 : memref<16xf32, #tpu.memory_space<vmem>>) dst(%dma_wait3A_75 : memref<16xf32, #tpu.memory_space<hbm>>)
      tpu.yield
    }) : () -> ()
    return
  }
}

</mosaic_0001>

<sc_bundles>
// kernel: _partials.3.cloned.1.call-start
scs
__scs_entry_jumppad:
0x0: {  	(pc) =	sbr.rel $0x88, $3  }
0x1: {  	(tag) =	ssettag $0x0;
	lr =	simm.s32 $0x1  }
0x2: {  	[smem:$0x3F9E] =	sst lr;
	_ =	strace $0xD0000000  }
0x3: {  	_ = 	snop  }
0x4: {  	_ = 	snop  }
0x5: {  	_ = 	snop  }
0x6: {  	_ = 	snop  }
0x7: {  	_ = 	snop  }
__scs_overlays_trampoline_lowered:
0x8: {  	[smem:$0x3FAD] =	sst s0  }
0x9: {  	[smem:$0x3FAE] =	sst s1  }
0xa: {  	[smem:$0x3FAF] =	sst s2  }
0xb: {  	[smem:$0x3FB0] =	sst s3  }
0xc: {  	[smem:$0x3FB1] =	sst s4  }
0xd: {  	[smem:$0x3FB2] =	sst s5  }
0xe: {  	[smem:$0x3FB3] =	sst s6  }
0xf: {  	[smem:$0x3FB4] =	sst s7  }
0x10: {  	[smem:$0x3FB5] =	sst s8  }
0x11: {  	[smem:$0x3FB6] =	sst s9;
	s0 =	simm.s32 @!p0 $0x0  }
0x12: {  	s1 =	sld [smem:$0x3F9C];
	s0 =	simm.s32 @p0 $0x1  }
0x13: {  	[smem:$0x3FB7] =	sst s0;
	s0 =	simm.s32 @!p1 $0x0  }
0x14: {  	s2 =	sld [smem:$0x3F9B];
	s0 =	simm.s32 @p1 $0x1  }
0x15: {  	[smem:$0x3FB8] =	sst s0;
	s0 =	simm.s32 @!p2 $0x0  }
0x16: {  	s3 =	sld [smem:$0x3FDB];
	s0 =	simm.s32 @p2 $0x1  }
0x17: {  	s4 =	simm.s32 $0x1BF5;
	[smem:$0x3FBA] =	sst s0  }
0x18: {  	s0 =	sld [smem:$0x3F9D];
	_ =	swait.ge [sflag:s4], $0x0  }
0x19: {  	s7 =	sld [smem:$0x3F9E]  }
0x1a: {  	s8 =	sadd.s32 $0xFFFFE003, lr  }
0x1b: {  	s9 =	sadd.s32 $0xFFFFFEF7, lr;
	s5 =	simm.s32 $0xFFFFFFFF;
	p2 =	slt.u32 s8, $0xFFFFF086  }
0x1c: {  	p1 =	slt.u32 s9, $0xF7A;
	s5 =	simm.s32 @!p2 $0x0  }
0x1d: {  	s5 =	simm.s32 @p1 $0x1;
	p0 =	seq.s32 s7, s2  }
0x1e: {  	s7 =	smul.u32 @!p0 $0xF7A, s2;
	p2 =	seq.s32 @!p0 s5, $0x0  }
0x1f: {  	s9 =	smul.u32 $0xF7A, s1;
	s8 =	simm.s32 @!p0 $0x1BF5;
	p2 =	por !p2, p0  }
0x20: {  	[sflag:s8] =	ssyncset.s32 @!p0 $0xFFFFF086;
	s6 =	sadd.s32 @!p0 s3, s7;
	s7 =	simm.s32 @!p0 $0x108  }
0x21: {  	s3 =	sadd.s32 s3, s9;
	s6 =	sadd.s32 @!p0 $0x88, s6;
	s7 =	simm.s32 @p2 $0x1082  }
0x22: {  	[simem:s7], [sflag:s8] =	dma.local @!p0 [hbm:s6], $0xF7A  }
0x23: {  	s9 =	sor.u32 $0xD0000000, s2;
	s6 =	simm.s32 $0x108;
	_ =	swait.ge @!p0 [sflag:s8], $0x0  }
0x24: {  	s3 =	sadd.s32 $0x88, s3;
	s6 =	simm.s32 @!p1 $0x1082;
	[sflag:s4] =	ssyncset.s32 $0xFFFFF086  }
0x25: {  	[simem:s6], [sflag:s4] =	dma.local [hbm:s3], $0xF7A  }
0x26: {  	[smem:$0x3F9E] =	sst s1;
	(tag) =	ssettag s2;
	_ =	strace s9  }
0x27: {  	s1 =	sld [smem:$0x3FAE]  }
0x28: {  	s2 =	sld [smem:$0x3FAF]  }
0x29: {  	s4 =	sld [smem:$0x3FB1]  }
0x2a: {  	p0 =	seq.s32 s5, $0x0;
	s5 =	sld [smem:$0x3FB2]  }
0x2b: {  	s6 =	sld [smem:$0x3FB3]  }
0x2c: {  	s7 =	sld [smem:$0x3FB4]  }
0x2d: {  	s3 =	simm.s32 $0x108;
	s8 =	sld [smem:$0x3FB5]  }
0x2e: {  	s3 =	simm.s32 @!p0 $0x1082;
	s9 =	sld [smem:$0x3FB6]  }
0x2f: {  	lr =	sadd.s32 s0, s3;
	s0 =	sld [smem:$0x3FAD]  }
0x30: {  	s3 =	sld [smem:$0x3FB0]  }
0x31: {  	[smem:$0x3FB9] =	sst s10  }
0x32: {  	s10 =	sld [smem:$0x3FB7];
	_ =	sdelay $0x3  }
0x33: {  	p0 =	seq.s32 s10, $0x1;
	s10 =	sld [smem:$0x3FB9];
	_ =	sdelay $0x3  }
0x34: {  	[smem:$0x3FB9] =	sst s10  }
0x35: {  	s10 =	sld [smem:$0x3FB8];
	_ =	sdelay $0x3  }
0x36: {  	p1 =	seq.s32 s10, $0x1;
	s10 =	sld [smem:$0x3FB9];
	_ =	sdelay $0x3  }
0x37: {  	[smem:$0x3FB9] =	sst s10  }
0x38: {  	s10 =	sld [smem:$0x3FBA]  }
0x39: {  	_ = 	snop;
	(pc) =	sbr.ind lr, $3  }
0x3a: {  	_ = 	snop  }
0x3b: {  	_ = 	snop  }
0x3c: {  	p2 =	seq.s32 s10, $0x1;
	s10 =	sld [smem:$0x3FB9]  }
0x3d: {  	_ =	shalt  }
0x3e: {  	_ =	shalt  }
0x3f: {  	_ =	shalt  }
0x40: {  	_ =	shalt  }
0x41: {  	_ =	shalt  }
0x42: {  	_ =	shalt  }
0x43: {  	_ =	shalt  }
0x44: {  	_ =	shalt  }
0x45: {  	_ =	shalt  }
0x46: {  	_ =	shalt  }
0x47: {  	_ =	shalt  }
0x48: {  	_ =	shalt  }
0x49: {  	_ =	shalt  }
0x4a: {  	_ =	shalt  }
0x4b: {  	_ =	shalt  }
0x4c: {  	_ =	shalt  }
0x4d: {  	_ =	shalt  }
0x4e: {  	_ =	shalt  }
0x4f: {  	_ =	shalt  }
0x50: {  	_ =	shalt  }
0x51: {  	_ =	shalt  }
0x52: {  	_ =	shalt  }
0x53: {  	_ =	shalt  }
0x54: {  	_ =	shalt  }
0x55: {  	_ =	shalt  }
0x56: {  	_ =	shalt  }
0x57: {  	_ =	shalt  }
0x58: {  	_ =	shalt  }
0x59: {  	_ =	shalt  }
0x5a: {  	_ =	shalt  }
0x5b: {  	_ =	shalt  }
0x5c: {  	_ =	shalt  }
0x5d: {  	_ =	shalt  }
0x5e: {  	_ =	shalt  }
0x5f: {  	_ =	shalt  }
0x60: {  	_ =	shalt  }
0x61: {  	_ =	shalt  }
0x62: {  	_ =	shalt  }
0x63: {  	_ =	shalt  }
0x64: {  	_ =	shalt  }
0x65: {  	_ =	shalt  }
0x66: {  	_ =	shalt  }
0x67: {  	_ =	shalt  }
0x68: {  	_ =	shalt  }
0x69: {  	_ =	shalt  }
0x6a: {  	_ =	shalt  }
0x6b: {  	_ =	shalt  }
0x6c: {  	_ =	shalt  }
0x6d: {  	_ =	shalt  }
0x6e: {  	_ =	shalt  }
0x6f: {  	_ =	shalt  }
0x70: {  	_ =	shalt  }
0x71: {  	_ =	shalt  }
0x72: {  	_ =	shalt  }
0x73: {  	_ =	shalt  }
0x74: {  	_ =	shalt  }
0x75: {  	_ =	shalt  }
0x76: {  	_ =	shalt  }
0x77: {  	_ =	shalt  }
0x78: {  	_ =	shalt  }
0x79: {  	_ =	shalt  }
0x7a: {  	_ =	shalt  }
0x7b: {  	_ =	shalt  }
0x7c: {  	_ =	shalt  }
0x7d: {  	_ =	shalt  }
0x7e: {  	_ =	shalt  }
0x7f: {  	_ =	shalt  }
0x80: {  	_ =	shalt  }
0x81: {  	_ =	shalt  }
0x82: {  	_ =	shalt  }
0x83: {  	_ =	shalt  }
0x84: {  	_ =	shalt  }
0x85: {  	_ =	shalt  }
0x86: {  	_ =	shalt  }
0x87: {  	_ =	shalt  }
.Lfunc_end0:
.L_simem_size_0:
called_computation_lowered:
.L_overlay_start_0:
0x88: {  	s2 =	sld [smem:$0x3FD9]  }
0x89: {  	s3 =	sld [smem:$0x3FFE];
	_ =	sdelay $0x1  }
0x8a: {  	s1 =	srdreg.scid  }
0x8b: {  	s0 =	sand.u32 $0x1, s1  }
0x8c: {  	s17 =	sshll.u32 s0, $0xA;
	s2 =	sadd.s32 s3, s2  }
0x8d: {  	s2 =	sadd.s32 s2, s17  }
0x8e: {  	[smem:$0x3FC5] =	sst s2  }
0x8f: {  	_ = 	snop  }
0x90: {  	s2 =	sld [smem:$0x3FC9]  }
0x91: {  	s18 =	sld [smem:$0x3FC8]  }
0x92: {  	s4 =	sld [smem:$0x3FC7];
	(tm) =	ssettm $0x1  }
0x93: {  	s5 =	sld [smem:$0x3FFB];
	_ =	sdelay $0x3  }
0x94: {  	_ =	strace s5  }
0x95: {  	s5 =	sld [smem:$0x3FFC];
	_ =	sdelay $0x3  }
0x96: {  	_ =	strace s5  }
0x97: {  	s5 =	sld [smem:$0x3FFD];
	_ =	sdelay $0x3  }
0x98: {  	_ =	strace s5  }
0x99: {  	_ =	strace $0x8FFFFFFF  }
0x9a: {  	s19 =	sld [smem:$0x3FDB];
	_ =	sdelay $0x1  }
0x9b: {  	s6 =	simm.s32 $_scs_section_size  }
0x9c: {  	s7 =	simm.s32 $_size__tile_overlayer_lowered;
	s8 =	simm.s32 $_tile_overlayer_lowered  }
0x9d: {  	s22 =	simm.s32 $0x1BFF;
	s21 =	sshll.u32 s8, $0x1;
	s5 =	sadd.s32 s6, s19  }
0x9e: {  	s9 =	simm.s32 $0x0;
	s20 =	sshll.u32 s7, $0x1;
	s7 =	sadd.s32 s21, s5  }
0x9f: {  	[timem:s9], [sflag:s22] =	dma.local [hbm:s7], s20  }
0xa0: {  	_ =	swait.ge [sflag:s22], s20  }
0xa1: {  	s6 =	ssub.s32 $0x0, s20;
	[sflag:s22] =	ssyncset.done $0x0  }
0xa2: {  	[sflag:s22] =	ssyncadd.s32 s6;
	_ =	sdelay $0x1  }
0xa3: {  	s23 =	simm.s32 $0x1B8B  }
0xa4: {  	_ =	swait.ge [sflag:s23], $0x1  }
0xa5: {  	[sflag:s23] =	ssyncset.done $0x0  }
0xa6: {  	s25 =	simm.s32 $0x1B8E;
	s24 =	sld [smem:$0x3FFE];
	[sflag:s23] =	ssyncadd.s32 $0xFFFFFFFF  }
0xa7: {  	s26 =	simm.s32 $execute0_lowered;
	[smem:$0x3FD2] =	sst s25  }
0xa8: {  	s7 =	sshll.u32 s26, $0x1;
	_ =	strace $0x80000046;
	[dreg:$0x1] =	wrdreg $0xFFFFFFFF  }
0xa9: {  	s28 =	simm.s32 $_size_execute0_lowered;
	s5 =	sadd.s32 s5, s7;
	[dreg:$0x0] =	wrdreg $0x0  }
0xaa: {  	s7 =	sshll.u32 s28, $0x1;
	[dreg:$0x2] =	wrdreg s5  }
0xab: {  	[dreg:$0x3] =	wrdreg s7  }
0xac: {  	[dreg:$0x4] =	wrdreg $0xC0  }
0xad: {  	_ =	task [dreg:s9], $0x5FFFF  }
0xae: {  	[dreg:$0x1] =	wrdreg $0xFFFFFFFF  }
0xaf: {  	[dreg:$0x0] =	wrdreg $0x60  }
0xb0: {  	[dreg:$0x2] =	wrdreg s2  }
0xb1: {  	[dreg:$0x3] =	wrdreg s18  }
0xb2: {  	[dreg:$0x4] =	wrdreg s4  }
0xb3: {  	[dreg:$0x5] =	wrdreg s24  }
0xb4: {  	[dreg:$0x6] =	wrdreg $0x9  }
0xb5: {  	_ =	task.clear_ibuf [dreg:s9], $0x7FFFF;
	_ =	strace $0x90000046  }
0xb6: {  	s29 =	simm.s32 $0x9;
	_ =	strace $0x80000048  }
0xb7: {  	_ =	swait.ge [sflag:s29], $0x1  }
0xb8: {  	[sflag:s29] =	ssyncadd.s32 $0xFFFFFFFF  }
0xb9: {  	_ =	strace $0x90000048  }
0xba: {  	_ =	sfence  }
0xbb: {  	s30 =	sld [smem:$0x0];
	_ =	sdelay $0x2  }
0xbc: {  	s31 =	sshll.u32 s1, $0xD;
	s1 =	sshrl.u32 s1, $0x2  }
0xbd: {  	s3 =	sand.u32 $0x4000, s31;
	s1 =	sadd.s32 s1, s30  }
0xbe: {  	s0 =	sor.u32 s3, s0;
	s1 =	sshll.u32 s1, $0x11  }
0xbf: {  	s0 =	sor.u32 s1, s0  }
0xc0: {  	s0 =	sadd.s32 $0x8F2B, s0  }
0xc1: {  	[sflag:s0] =	ssyncadd.remote.s32 $0x1  }
0xc2: {  	_ =	sfence.sel $0xFFFF  }
0xc3: {  	[dreg:$0x0] =	wrdreg $0xFFFFFFFF;
	(pc) =	sbr.abs _section_cstart, $3  }
0xc4: {  	[dreg:$0x1] =	wrdreg $0xFFFFFFFF  }
0xc5: {  	_ =	task.clear_ibuf [dreg:s9], $0x2FFFF;
	_ =	strace $0x9FFFFFFF  }
0xc6: {  	(tm) =	ssettm $0x7FFFFFFF  }
0xc7: {  	_ =	shalt  }
tec
execute0_lowered:
.L_overlay_start_1:
0x0: {  	(tag) =	ssettag $0x1  }
0x1: {  	s1 =	rddreg [dreg:$0x0]  }
0x2: {  	s0 =	rddreg [dreg:$0x1]  }
0x3: {  	s3 =	rddreg [dreg:$0x2]  }
0x4: {  	s2 =	srdreg.scid;
	s4 =	stileid.u32  }
0x5: {  	s5 =	rddreg [dreg:$0x3];
	s13 =	simm.s32 $0x9;
	s22 =	simm.s32 $0x6080  }
0x6: {  	s23 =	simm.s32 $0x3080;
	s24 =	simm.s32 $0x3880;
	s25 =	simm.s32 $0x7080  }
0x7: {  	s28 =	simm.s32 $0x5;
	s29 =	simm.s32 $0x2;
	s30 =	simm.s32 $0x6  }
0x8: {  	s31 =	simm.s32 $0x3;
	s14 =	simm.s32 $0x8;
	s15 =	simm.s32 $0x8080  }
0x9: {  	s2 =	sand.u32 $0x1, s2;
	s6 =	sshll.u32 s4, $0x1;
	s4 =	simm.s32 $0x0  }
0xa: {  	s16 =	simm.s32 $0x0;
	s6 =	sor.u32 s2, s6;
	[smem:$0x7FF] =	sst s4  }
0xb: {  	s2 =	ssub.s32 $0x2, s2;
	s7 =	sshll.u32 s6, $0x4;
	_ =	strace $0x80000047  }
0xc: {  	v0 =	vlaneseq.u32;
	s26 =	sshrl.u32 s2, $0x1;
	s8 =	sshll.u32 s6, $0xD;
	s11 =	sadd.s32 s7, s5  }
0xd: {  	v1 =	vshrl.u32 v0, $0x3;
	s2 =	ssub.s32 s2, s26;
	s5 =	sshll.u32 s6, $0x7;
	s6 =	sadd.s32 s0, s7  }
0xe: {  	v0 =	vand.u32 $0x7, v0;
	v63 =	vmul.u32 $0x8, v1;
	s7 =	sadd.s32 $0x100, s3;
	s8 =	sadd.s32 s1, s8;
	s26 =	simm.s32 $0x1  }
0xf: {  	[tilespmem:$0x1FFE0] =	vst v0;
	s0 =	simm.s32 $0x4;
	s9 =	sadd.s32 $0x200, s8;
	s10 =	sadd.s32 $0x400, s8  }
0x10: {  	vm0 =	vmmov $0xffff;
	[tilespmem:$0x1FFF0] =	vst v63;
	s11 =	sadd.s32 $0x400, s11;
	s12 =	smax.u32 s2, $0x1;
	s2 =	simm.s32 $0x7  }
.LBB2_1:
0x11: {  	[tilespmem:s4], [sflag:$0x9] =	stream.linear.gather [hbm4b:s6+s4], $0x80, $0x38;
	[tilespmem:$0x8100] =	vst v63  }
0x12: {  	_ =	swait.ge [sflag:s13], $0x80  }
0x13: {  	[sflag:s13] =	ssyncset.done $0x0  }
0x14: {  	[sflag:s13] =	ssyncadd.s32 $0xFFFFFF80  }
0x15: {  	v2 =	vld.msk [tilespmem:$0x0], $0xff;
	_ =	sdelay $0x2  }
0x16: {  	v0 =	vld [tilespmem:$0x1FFE0];
	_ =	sdelay $0x1  }
0x17: {  	v1 =	vld [tilespmem:$0x1FFF0];
	v3 =	vshll.u32 v2, $0x2  }
0x18: {  	v2 =	vand.u32 $0x7, v2;
	v3 =	vand.u32 $0xFFFFFFE0, v3  }
0x19: {  	v2 =	vor.u32 v2, v3  }
0x1a: {  	v2 =	vperm.xlane v2, v0;
	_ =	sdelay $0x1  }
0x1b: {  	v2 =	vadd.s32 v1, v2;
	_ =	sdelay $0x3  }
0x1c: {  	s17 =	simm.s32 $0x80  }
0x1d: {  	[tilespmem:s17], [sflag:$0x1] =	stream.indirect_vreg.gather [hbm4b:s3+s4], $0x80, v2, vm0, $0xb8;
	[tilespmem:$0x8100] =	vst v63  }
0x1e: {  	s19 =	simm.s32 $0x880  }
0x1f: {  	[tilespmem:s19], [sflag:$0x1] =	stream.indirect_vreg.gather [hbm4b:s7+s4], $0x80, v2, vm0, $0xb8;
	[tilespmem:$0x8100] =	vst v63  }
0x20: {  	s20 =	simm.s32 $0x4080  }
0x21: {  	[tilespmem:s20], [sflag:$0x5] =	stream.linear.gather [hbm4b:s8+s4], $0x1000, $0x38;
	[tilespmem:$0x8100] =	vst v63  }
0x22: {  	v2 =	vld.msk [tilespmem:$0x8], $0xff;
	_ =	sdelay $0x4  }
0x23: {  	v3 =	vshll.u32 v2, $0x2  }
0x24: {  	v2 =	vand.u32 $0x7, v2;
	v3 =	vand.u32 $0xFFFFFFE0, v3  }
0x25: {  	v2 =	vor.u32 v2, v3  }
0x26: {  	v2 =	vperm.xlane v2, v0;
	_ =	sdelay $0x1  }
0x27: {  	v2 =	vadd.s32 v1, v2;
	_ =	sdelay $0x3  }
0x28: {  	s21 =	simm.s32 $0x1080  }
0x29: {  	[tilespmem:s21], [sflag:$0x2] =	stream.indirect_vreg.gather [hbm4b:s3+s4], $0x80, v2, vm0, $0xb8;
	[tilespmem:$0x8100] =	vst v63  }
0x2a: {  	s18 =	simm.s32 $0x1880  }
0x2b: {  	[tilespmem:s18], [sflag:$0x2] =	stream.indirect_vreg.gather [hbm4b:s7+s4], $0x80, v2, vm0, $0xb8;
	[tilespmem:$0x8100] =	vst v63  }
0x2c: {  	s19 =	simm.s32 $0x5080  }
0x2d: {  	[tilespmem:s19], [sflag:$0x6] =	stream.linear.gather [hbm4b:s9+s4], $0x1000, $0x38;
	[tilespmem:$0x8100] =	vst v63  }
0x2e: {  	v2 =	vld.msk [tilespmem:$0x10], $0xff;
	_ =	sdelay $0x4  }
0x2f: {  	v3 =	vshll.u32 v2, $0x2  }
0x30: {  	v2 =	vand.u32 $0x7, v2;
	v3 =	vand.u32 $0xFFFFFFE0, v3  }
0x31: {  	v2 =	vor.u32 v2, v3  }
0x32: {  	v2 =	vperm.xlane v2, v0;
	_ =	sdelay $0x1  }
0x33: {  	v2 =	vadd.s32 v1, v2;
	_ =	sdelay $0x3  }
0x34: {  	s20 =	simm.s32 $0x2080  }
0x35: {  	[tilespmem:s20], [sflag:$0x3] =	stream.indirect_vreg.gather [hbm4b:s3+s4], $0x80, v2, vm0, $0xb8;
	[tilespmem:$0x8100] =	vst v63  }
0x36: {  	s21 =	simm.s32 $0x2880  }
0x37: {  	v10 =	vimm.f32 $0.0e+00;
	v5 =	vimm.f32 $0.0e+00;
	[tilespmem:s21], [sflag:$0x3] =	stream.indirect_vreg.gather [hbm4b:s7+s4], $0x80, v2, vm0, $0xb8;
	[tilespmem:$0x8100] =	vst v63  }
0x38: {  	v6 =	vimm.f32 $0.0e+00;
	v7 =	vimm.f32 $0.0e+00;
	v8 =	vimm.f32 $0.0e+00;
	s17 =	simm.s32 $0x0  }
0x39: {  	v9 =	vimm.f32 $0.0e+00;
	v3 =	vimm.f32 $0.0e+00;
	v2 =	vimm.f32 $0.0e+00;
	[tilespmem:s22], [sflag:$0x7] =	stream.linear.gather [hbm4b:s10+s4], $0x1000, $0x38;
	[tilespmem:$0x8100] =	vst v63  }
.LBB2_2:
0x3a: {  	s18 =	sshll.u32 s17, $0x5  }
0x3b: {  	s19 =	sor.u32 $0x18, s18  }
0x3c: {  	[tilespmem:$0x1FFC0] =	vst v10;
	v10 =	vld.msk [tilespmem:s19+$0x0], $0xff;
	_ =	sdelay $0x2  }
0x3d: {  	v0 =	vld [tilespmem:$0x1FFE0];
	_ =	sdelay $0x1  }
0x3e: {  	v50 =	vld [tilespmem:$0x1FFF0];
	v11 =	vshll.u32 v10, $0x2  }
0x3f: {  	v10 =	vand.u32 $0x7, v10;
	v11 =	vand.u32 $0xFFFFFFE0, v11  }
0x40: {  	v10 =	vor.u32 v10, v11  }
0x41: {  	v10 =	vperm.xlane v10, v0;
	_ =	sdelay $0x1  }
0x42: {  	v10 =	vadd.s32 v50, v10;
	_ =	sdelay $0x3  }
0x43: {  	s19 =	sadd.s32 s5, s19  }
0x44: {  	[tilespmem:s23], [sflag:$0x4] =	stream.indirect_vreg.gather [hbm4b:s3+s4], $0x80, v10, vm0, $0xb8;
	[tilespmem:$0x8100] =	vst v63  }
0x45: {  	s19 =	sshll.u32 s19, $0x6  }
0x46: {  	[tilespmem:s24], [sflag:$0x4] =	stream.indirect_vreg.gather [hbm4b:s7+s4], $0x80, v10, vm0, $0xb8;
	[tilespmem:$0x8100] =	vst v63  }
0x47: {  	[tilespmem:$0x1FFB0] =	vst v2;
	s19 =	sadd.s32 s1, s19  }
0x48: {  	[tilespmem:s25], [sflag:$0x8] =	stream.linear.gather [hbm4b:s19+s4], $0x1000, $0x38;
	[tilespmem:$0x8100] =	vst v63  }
0x49: {  	_ =	swait.ge [sflag:s26], $0x1000  }
0x4a: {  	[sflag:s26] =	ssyncset.done $0x0  }
0x4b: {  	[sflag:s26] =	ssyncadd.s32 $0xFFFFF000  }
0x4c: {  	_ =	swait.ge [sflag:s28], $0x1000  }
0x4d: {  	[sflag:s28] =	ssyncset.done $0x0  }
0x4e: {  	s21 =	simm.s32 $0xFFFFFC00;
	[sflag:s28] =	ssyncadd.s32 $0xFFFFF000  }
0x4f: {  	v10 =	vld [tilespmem:s21+$0x5080]  }
0x50: {  	v11 =	vld [tilespmem:s21+$0x1080]  }
0x51: {  	v0 =	vld [tilespmem:s21+$0x5090]  }
0x52: {  	v13 =	vld [tilespmem:s21+$0x1090]  }
0x53: {  	v14 =	vld [tilespmem:s21+$0x50A0]  }
0x54: {  	v15 =	vld [tilespmem:s21+$0x10A0]  }
0x55: {  	v16 =	vld [tilespmem:s21+$0x50B0]  }
0x56: {  	v17 =	vld [tilespmem:s21+$0x10B0]  }
0x57: {  	v18 =	vld [tilespmem:s21+$0x50C0]  }
0x58: {  	v19 =	vld [tilespmem:s21+$0x10C0]  }
0x59: {  	v20 =	vld [tilespmem:s21+$0x50D0]  }
0x5a: {  	v21 =	vld [tilespmem:s21+$0x10D0]  }
0x5b: {  	v22 =	vld [tilespmem:s21+$0x50E0]  }
0x5c: {  	v23 =	vld [tilespmem:s21+$0x10E0]  }
0x5d: {  	v24 =	vld [tilespmem:s21+$0x50F0]  }
0x5e: {  	v25 =	vld [tilespmem:s21+$0x10F0]  }
0x5f: {  	v26 =	vld [tilespmem:s21+$0x4C80]  }
0x60: {  	v27 =	vld [tilespmem:s21+$0xC80]  }
0x61: {  	v12 =	vld [tilespmem:s21+$0x4C90]  }
0x62: {  	v29 =	vld [tilespmem:s21+$0xC90]  }
0x63: {  	v30 =	vld [tilespmem:s21+$0x4CA0]  }
0x64: {  	v1 =	vld [tilespmem:s21+$0xCA0]  }
0x65: {  	v32 =	vld [tilespmem:s21+$0x4CB0]  }
0x66: {  	v33 =	vld [tilespmem:s21+$0xCB0]  }
0x67: {  	v34 =	vld [tilespmem:s21+$0x4CC0]  }
0x68: {  	v35 =	vld [tilespmem:s21+$0xCC0]  }
0x69: {  	v36 =	vld [tilespmem:s21+$0x4CD0]  }
0x6a: {  	v37 =	vld [tilespmem:s21+$0xCD0]  }
0x6b: {  	v38 =	vld [tilespmem:s21+$0x4CE0]  }
0x6c: {  	v39 =	vld [tilespmem:s21+$0xCE0]  }
0x6d: {  	v40 =	vld [tilespmem:s21+$0x4CF0]  }
0x6e: {  	v41 =	vld [tilespmem:s21+$0xCF0]  }
0x6f: {  	v42 =	vld [tilespmem:s21+$0x4880]  }
0x70: {  	v43 =	vld [tilespmem:s21+$0x880]  }
0x71: {  	v44 =	vld [tilespmem:s21+$0x4890]  }
0x72: {  	v45 =	vld [tilespmem:s21+$0x890]  }
0x73: {  	v46 =	vld [tilespmem:s21+$0x48A0]  }
0x74: {  	v47 =	vld [tilespmem:s21+$0x8A0]  }
0x75: {  	v48 =	vld [tilespmem:s21+$0x48B0]  }
0x76: {  	v49 =	vld [tilespmem:s21+$0x8B0]  }
0x77: {  	v50 =	vld [tilespmem:s21+$0x48C0]  }
0x78: {  	v51 =	vld [tilespmem:s21+$0x8C0]  }
0x79: {  	v52 =	vld [tilespmem:s21+$0x48D0]  }
0x7a: {  	v53 =	vld [tilespmem:s21+$0x8D0]  }
0x7b: {  	v54 =	vld [tilespmem:s21+$0x48E0]  }
0x7c: {  	v55 =	vld [tilespmem:s21+$0x8E0]  }
0x7d: {  	v56 =	vld [tilespmem:s21+$0x48F0]  }
0x7e: {  	v57 =	vld [tilespmem:s21+$0x8F0]  }
0x7f: {  	v58 =	vld [tilespmem:s21+$0x4480]  }
0x80: {  	v60 =	vld [tilespmem:s21+$0x480];
	v59 =	vsub.f32 v10, v11;
	v61 =	vsub.f32 v0, v13  }
0x81: {  	v31 =	vld [tilespmem:s21+$0x44A0];
	v14 =	vsub.f32 v14, v15;
	v62 =	vsub.f32 v16, v17  }
0x82: {  	v15 =	vld [tilespmem:s21+$0x4490];
	v28 =	vsub.f32 v18, v19;
	v63 =	vsub.f32 v20, v21  }
0x83: {  	v19 =	vld [tilespmem:s21+$0x490];
	v10 =	vsub.f32 v22, v23;
	v18 =	vsub.f32 v26, v27  }
0x84: {  	v0 =	vsub.f32 v24, v25;
	v30 =	vsub.f32 v30, v1;
	v1 =	vld [tilespmem:s21+$0x44B0]  }
0x85: {  	v32 =	vsub.f32 v32, v33;
	v33 =	vsub.f32 v34, v35;
	v34 =	vld [tilespmem:s21+$0x4B0]  }
0x86: {  	v29 =	vsub.f32 v12, v29;
	v35 =	vsub.f32 v36, v37;
	v36 =	vld [tilespmem:s21+$0x44C0]  }
0x87: {  	v13 =	vsub.f32 v38, v39;
	v37 =	vsub.f32 v42, v43;
	v38 =	vld [tilespmem:s21+$0x4C0]  }
0x88: {  	v12 =	vsub.f32 v40, v41;
	v39 =	vsub.f32 v44, v45;
	v40 =	vld [tilespmem:s21+$0x44D0]  }
0x89: {  	v27 =	vsub.f32 v46, v47;
	v21 =	vsub.f32 v50, v51;
	v51 =	vld [tilespmem:s21+$0x4D0]  }
0x8a: {  	v26 =	vsub.f32 v48, v49;
	v17 =	vsub.f32 v54, v55;
	v55 =	vld [tilespmem:s21+$0x44E0];
	v25 =	vmul.f32 v59, v59  }
0x8b: {  	v20 =	vsub.f32 v52, v53;
	[tilespmem:$0x1FFD0] =	vst v0;
	v0 =	vld [tilespmem:s21+$0x4A0];
	v22 =	vmul.f32 v61, v61;
	v24 =	vmul.f32 v14, v14  }
0x8c: {  	v59 =	vsub.f32 v58, v60;
	v60 =	vld [tilespmem:s21+$0x4E0];
	v23 =	vmul.f32 v62, v62;
	v14 =	vmul.f32 v63, v63  }
0x8d: {  	v16 =	vsub.f32 v56, v57;
	v62 =	vld [tilespmem:s21+$0x44F0];
	v29 =	vmul.f32 v29, v29;
	v30 =	vmul.f32 v30, v30  }
0x8e: {  	v63 =	vld [tilespmem:s21+$0x4F0];
	v37 =	vmul.f32 v37, v37;
	v41 =	vmul.f32 v59, v59;
	v61 =	vsub.f32 v15, v19  }
0x8f: {  	v15 =	vmul.f32 v28, v28;
	v1 =	vsub.f32 v1, v34;
	v28 =	vmul.f32 v32, v32  }
0x90: {  	v34 =	vsub.f32 v36, v38;
	v19 =	vmul.f32 v33, v33;
	v32 =	vsub.f32 v40, v51  }
0x91: {  	v36 =	vmul.f32 v39, v39;
	v0 =	vsub.f32 v31, v0;
	v31 =	vmul.f32 v18, v18  }
0x92: {  	v18 =	vmul.f32 v35, v35;
	v39 =	vmul.f32 v61, v61;
	v35 =	vsub.f32 v55, v60  }
0x93: {  	s19 =	simm.s32 $0xFFFFF200;
	v11 =	vmovc v3;
	v38 =	vmul.f32 v1, v1;
	v33 =	vsub.f32 v62, v63;
	v40 =	vmul.f32 v0, v0  }
.LBB2_3:
0x94: {  	v2 =	vld [tilespmem:$0x1FFB0]  }
0x95: {  	v46 =	vld [tilespmem:$0x1FFC0]  }
0x96: {  	s20 =	sshra.s32 s19, $0x2;
	v49 =	vld [tilespmem:$0x1FFD0]  }
0x97: {  	v1 =	vadd.f32 v39, v8;
	v8 =	vmul.f32 v27, v27;
	v27 =	vld [tilespmem:s20+$0x5080]  }
0x98: {  	v0 =	vadd.f32 v41, v9;
	v9 =	vmul.f32 v26, v26;
	v26 =	vld [tilespmem:s20+$0x1080]  }
0x99: {  	v61 =	vmul.f32 v21, v21;
	v21 =	vld [tilespmem:s20+$0x5090]  }
0x9a: {  	v62 =	vld [tilespmem:s20+$0x1090]  }
0x9b: {  	v63 =	vld [tilespmem:s20+$0x50B0]  }
0x9c: {  	v47 =	vmul.f32 v16, v16;
	v16 =	vld [tilespmem:s20+$0x10C0]  }
0x9d: {  	v48 =	vmul.f32 v12, v12;
	v12 =	vld [tilespmem:s20+$0x10D0]  }
0x9e: {  	v45 =	vmul.f32 v33, v33;
	v33 =	vld [tilespmem:s20+$0xCC0]  }
0x9f: {  	v6 =	vadd.f32 v38, v6;
	v38 =	vld [tilespmem:s20+$0xCE0]  }
0xa0: {  	v39 =	vld [tilespmem:s20+$0x4CF0]  }
0xa1: {  	v7 =	vadd.f32 v40, v7;
	v40 =	vld [tilespmem:s20+$0xCF0]  }
0xa2: {  	v41 =	vld [tilespmem:s20+$0x4880]  }
0xa3: {  	v42 =	vld [tilespmem:s20+$0x880]  }
0xa4: {  	v43 =	vld [tilespmem:s20+$0x4890]  }
0xa5: {  	v44 =	vld [tilespmem:s20+$0x890]  }
0xa6: {  	v50 =	vld [tilespmem:s20+$0x8C0]  }
0xa7: {  	v51 =	vld [tilespmem:s20+$0x48D0]  }
0xa8: {  	v52 =	vld [tilespmem:s20+$0x8D0]  }
0xa9: {  	v53 =	vld [tilespmem:s20+$0x48E0]  }
0xaa: {  	v54 =	vld [tilespmem:s20+$0x8E0]  }
0xab: {  	v55 =	vld [tilespmem:s20+$0x48F0]  }
0xac: {  	v56 =	vld [tilespmem:s20+$0x8F0]  }
0xad: {  	v34 =	vmul.f32 v34, v34;
	v57 =	vld [tilespmem:s20+$0x4480]  }
0xae: {  	v59 =	vld [tilespmem:s20+$0x480]  }
0xaf: {  	v1 =	vadd.f32 v36, v1;
	v5 =	vadd.f32 v34, v5;
	v34 =	vld [tilespmem:s20+$0x4CD0]  }
0xb0: {  	v6 =	vadd.f32 v9, v6;
	v36 =	vld [tilespmem:s20+$0x4CE0]  }
0xb1: {  	v0 =	vadd.f32 v37, v0;
	v1 =	vadd.f32 v29, v1;
	v29 =	vld [tilespmem:s20+$0x50A0]  }
0xb2: {  	v7 =	vadd.f32 v8, v7;
	v6 =	vadd.f32 v28, v6;
	v28 =	vld [tilespmem:s20+$0x10A0]  }
0xb3: {  	v0 =	vadd.f32 v31, v0;
	v31 =	vmul.f32 v32, v32;
	v32 =	vld [tilespmem:s20+$0x4CC0]  }
0xb4: {  	v7 =	vadd.f32 v30, v7;
	v30 =	vmul.f32 v35, v35;
	v35 =	vld [tilespmem:s20+$0xCD0]  }
0xb5: {  	v5 =	vadd.f32 v61, v5;
	v61 =	vld [tilespmem:s20+$0x490]  }
0xb6: {  	v8 =	vadd.f32 v22, v1;
	v22 =	vld [tilespmem:s20+$0x10B0]  }
0xb7: {  	v6 =	vadd.f32 v23, v6;
	v23 =	vld [tilespmem:s20+$0x50C0]  }
0xb8: {  	v1 =	vadd.f32 v45, v11;
	v11 =	vmul.f32 v10, v10;
	v10 =	vld [tilespmem:s20+$0x10E0]  }
0xb9: {  	v5 =	vadd.f32 v19, v5;
	v19 =	vld [tilespmem:s20+$0xC90]  }
0xba: {  	v7 =	vadd.f32 v24, v7;
	v24 =	vld [tilespmem:s20+$0x4CA0]  }
0xbb: {  	v9 =	vadd.f32 v25, v0;
	v25 =	vld [tilespmem:s20+$0xCA0]  }
0xbc: {  	v3 =	vadd.f32 v30, v46;
	v30 =	vld [tilespmem:s20+$0x4CB0]  }
0xbd: {  	v4 =	vadd.f32 v31, v2;
	v31 =	vld [tilespmem:s20+$0xCB0]  }
0xbe: {  	v45 =	vld [tilespmem:s20+$0x48A0]  }
0xbf: {  	v20 =	vmul.f32 v20, v20;
	v46 =	vld [tilespmem:s20+$0x8A0]  }
0xc0: {  	v17 =	vmul.f32 v17, v17;
	v2 =	vmul.f32 v49, v49;
	v49 =	vld [tilespmem:s20+$0x48C0]  }
0xc1: {  	v4 =	vadd.f32 v20, v4;
	v20 =	vld [tilespmem:s20+$0x50D0]  }
0xc2: {  	v3 =	vadd.f32 v17, v3;
	v17 =	vld [tilespmem:s20+$0x50E0]  }
0xc3: {  	v5 =	vadd.f32 v15, v5;
	v15 =	vld [tilespmem:s20+$0xC80]  }
0xc4: {  	v1 =	vadd.f32 v47, v1;
	v47 =	vld [tilespmem:s20+$0x48B0]  }
0xc5: {  	v13 =	vmul.f32 v13, v13;
	v28 =	vsub.f32 v29, v28;
	v29 =	vld [tilespmem:s20+$0x4490]  }
0xc6: {  	v32 =	vsub.f32 v32, v33;
	v33 =	vsub.f32 v34, v35;
	v34 =	vld [tilespmem:s20+$0x44C0]  }
0xc7: {  	v3 =	vadd.f32 v13, v3;
	v13 =	vld [tilespmem:s20+$0x50F0]  }
0xc8: {  	v58 =	vsub.f32 v27, v26;
	v4 =	vadd.f32 v18, v4;
	v18 =	vld [tilespmem:s20+$0x4C90]  }
0xc9: {  	v37 =	vsub.f32 v21, v62;
	v1 =	vadd.f32 v48, v1;
	v48 =	vld [tilespmem:s20+$0x8B0]  }
0xca: {  	v57 =	vsub.f32 v57, v59;
	v0 =	vsub.f32 v63, v22;
	v63 =	vld [tilespmem:s20+$0x44A0]  }
0xcb: {  	v35 =	vsub.f32 v41, v42;
	v21 =	vsub.f32 v49, v50;
	v50 =	vld [tilespmem:s20+$0x4D0]  }
0xcc: {  	v3 =	vadd.f32 v11, v3;
	v11 =	vadd.f32 v2, v1;
	v1 =	vld [tilespmem:s20+$0x10F0]  }
0xcd: {  	v60 =	vsub.f32 v23, v16;
	v4 =	vadd.f32 v14, v4;
	v14 =	vld [tilespmem:s20+$0x4C80]  }
0xce: {  	v62 =	vsub.f32 v20, v12;
	v12 =	vsub.f32 v39, v40;
	v39 =	vld [tilespmem:s20+$0x44D0]  }
0xcf: {  	v10 =	vsub.f32 v17, v10;
	v17 =	vsub.f32 v53, v54;
	v54 =	vld [tilespmem:s20+$0x44E0]  }
0xd0: {  	v41 =	vmul.f32 v57, v57;
	v27 =	vsub.f32 v45, v46;
	v16 =	vsub.f32 v55, v56;
	[tilespmem:$0x1FFC0] =	vst v3;
	v3 =	vld [tilespmem:s20+$0x44B0]  }
0xd1: {  	v22 =	vmul.f32 v37, v37;
	[tilespmem:$0x1FFB0] =	vst v4;
	v4 =	vsub.f32 v30, v31;
	v30 =	vld [tilespmem:s20+$0x4B0];
	v18 =	vsub.f32 v18, v19  }
0xd2: {  	v19 =	vsub.f32 v24, v25;
	v25 =	vmul.f32 v58, v58;
	v58 =	vld [tilespmem:s20+$0x4E0];
	v1 =	vsub.f32 v13, v1  }
0xd3: {  	v37 =	vmul.f32 v35, v35;
	v20 =	vsub.f32 v51, v52;
	v13 =	vsub.f32 v36, v38;
	v36 =	vld [tilespmem:s20+$0x4C0]  }
0xd4: {  	v23 =	vmul.f32 v0, v0;
	v59 =	vsub.f32 v29, v61;
	v24 =	vmul.f32 v28, v28;
	[tilespmem:$0x1FFD0] =	vst v1;
	v1 =	vld [tilespmem:s20+$0x4A0]  }
0xd5: {  	v61 =	vld [tilespmem:s20+$0x44F0];
	v28 =	vmul.f32 v4, v4;
	v2 =	vsub.f32 v14, v15;
	v15 =	vmul.f32 v60, v60  }
0xd6: {  	p0 =	sne.s32 s19, $0xFFFFFE00;
	v38 =	vsub.f32 v43, v44;
	v14 =	vmul.f32 v62, v62;
	v62 =	vld [tilespmem:s20+$0x4F0];
	v29 =	vmul.f32 v18, v18  }
.Ltmp0:
0xd7: {  	v26 =	vsub.f32 v47, v48;
	v18 =	vmul.f32 v33, v33;
	v31 =	vmul.f32 v2, v2;
	(pc) =	sbr.rel @p0 .LBB2_3-.Ltmp0, $4  }
0xd8: {  	v35 =	vsub.f32 v54, v58;
	v34 =	vsub.f32 v34, v36;
	v36 =	vmul.f32 v38, v38  }
0xd9: {  	v1 =	vsub.f32 v63, v1;
	v63 =	vsub.f32 v3, v30;
	v30 =	vmul.f32 v19, v19  }
0xda: {  	v19 =	vmul.f32 v32, v32;
	v32 =	vsub.f32 v39, v50;
	v39 =	vmul.f32 v59, v59  }
0xdb: {  	s19 =	sadd.s32 $0x200, s19;
	v33 =	vsub.f32 v61, v62;
	v40 =	vmul.f32 v1, v1;
	v38 =	vmul.f32 v63, v63  }
0xdc: {  	p0 =	seq.s32 s17, $0x3  }
0xdd: {  	v0 =	vld.msk @!p0 [tilespmem:s18+$0x20], $0xff;
	_ =	sdelay $0x4  }
0xde: {  	v1 =	vshll.u32 @!p0 v0, $0x2  }
0xdf: {  	v2 =	vlaneseq.u32 @!p0;
	v0 =	vand.u32 @!p0 $0x7, v0;
	v1 =	vand.u32 @!p0 $0xFFFFFFE0, v1  }
0xe0: {  	v0 =	vor.u32 @!p0 v0, v1;
	v1 =	vand.u32 @!p0 $0x7, v2;
	v2 =	vshrl.u32 @!p0 v2, $0x3  }
0xe1: {  	v0 =	vperm.xlane @!p0 v0, v1;
	v1 =	vmul.u32 @!p0 $0x8, v2;
	_ =	sdelay $0x1  }
0xe2: {  	v0 =	vadd.s32 @!p0 v1, v0;
	_ =	sdelay $0x3  }
0xe3: {  	vm1 =	vmmov @!p0 $0xffff;
	s19 =	simm.s32 @!p0 $0x0;
	s20 =	simm.s32 @!p0 $0x80  }
0xe4: {  	[tilespmem:s20], [sflag:$0x1] =	stream.indirect_vreg.gather @!p0 [hbm4b:s3+s19], $0x80, v0, vm1, $0xb8;
	[tilespmem:$0x8100] =	vst v63  }
0xe5: {  	s20 =	sadd.s32 @!p0 $0x20, s18  }
0xe6: {  	s21 =	simm.s32 @!p0 $0x880;
	s20 =	sadd.s32 @!p0 s5, s20  }
0xe7: {  	[tilespmem:s21], [sflag:$0x1] =	stream.indirect_vreg.gather @!p0 [hbm4b:s7+s19], $0x80, v0, vm1, $0xb8;
	[tilespmem:$0x8100] =	vst v63  }
0xe8: {  	s20 =	sshll.u32 @!p0 s20, $0x6  }
0xe9: {  	s21 =	simm.s32 @!p0 $0x4080;
	s20 =	sadd.s32 @!p0 s1, s20  }
0xea: {  	[tilespmem:s21], [sflag:$0x5] =	stream.linear.gather @!p0 [hbm4b:s20+s19], $0x1000, $0x38;
	[tilespmem:$0x8100] =	vst v63  }
0xeb: {  	_ =	swait.ge [sflag:s29], $0x1000  }
0xec: {  	v3 =	vadd.f32 v41, v9;
	v9 =	vmul.f32 v26, v26;
	v6 =	vadd.f32 v38, v6;
	[sflag:s29] =	ssyncset.done $0x0  }
0xed: {  	[sflag:s29] =	ssyncadd.s32 $0xFFFFF000  }
0xee: {  	v6 =	vadd.f32 v9, v6;
	_ =	swait.ge [sflag:s30], $0x1000  }
0xef: {  	[sflag:s30] =	ssyncset.done $0x0  }
0xf0: {  	v28 =	vadd.f32 v28, v6;
	s21 =	simm.s32 $0xFFFFFC00;
	v6 =	vld [tilespmem:$0x1FFB0];
	[sflag:s30] =	ssyncadd.s32 $0xFFFFF000  }
0xf1: {  	v0 =	vld [tilespmem:s21+$0x6080]  }
0xf2: {  	v45 =	vld [tilespmem:s21+$0x20A0]  }
0xf3: {  	v46 =	vld [tilespmem:s21+$0x20B0]  }
0xf4: {  	v47 =	vld [tilespmem:s21+$0x60C0]  }
0xf5: {  	v48 =	vld [tilespmem:s21+$0x20C0]  }
0xf6: {  	v49 =	vld [tilespmem:s21+$0x60D0]  }
0xf7: {  	v50 =	vld [tilespmem:s21+$0x20D0]  }
0xf8: {  	v51 =	vld [tilespmem:s21+$0x60E0]  }
0xf9: {  	v52 =	vld [tilespmem:s21+$0x20E0]  }
0xfa: {  	v53 =	vld [tilespmem:s21+$0x60F0]  }
0xfb: {  	v54 =	vld [tilespmem:s21+$0x20F0]  }
0xfc: {  	v55 =	vld [tilespmem:s21+$0x5C80]  }
0xfd: {  	v56 =	vld [tilespmem:s21+$0x1C80]  }
0xfe: {  	v57 =	vld [tilespmem:s21+$0x5C90]  }
0xff: {  	v58 =	vld [tilespmem:s21+$0x1C90]  }
0x100: {  	v59 =	vld [tilespmem:s21+$0x5CA0]  }
0x101: {  	v60 =	vld [tilespmem:s21+$0x1CA0]  }
0x102: {  	v61 =	vld [tilespmem:s21+$0x5CB0]  }
0x103: {  	v62 =	vld [tilespmem:s21+$0x1CB0]  }
0x104: {  	v63 =	vld [tilespmem:s21+$0x5CC0]  }
0x105: {  	v42 =	vld [tilespmem:s21+$0x1CC0]  }
0x106: {  	v43 =	vld [tilespmem:s21+$0x5CD0]  }
0x107: {  	v1 =	vld [tilespmem:s21+$0x1CD0]  }
0x108: {  	v2 =	vld [tilespmem:s21+$0x5CE0]  }
0x109: {  	v44 =	vld [tilespmem:s21+$0x5CF0]  }
0x10a: {  	v3 =	vadd.f32 v37, v3;
	v41 =	vld [tilespmem:s21+$0x1CF0]  }
0x10b: {  	v4 =	vadd.f32 v39, v8;
	v8 =	vmul.f32 v27, v27;
	v27 =	vld [tilespmem:s21+$0x5880]  }
0x10c: {  	v3 =	vadd.f32 v31, v3;
	v26 =	vld [tilespmem:s21+$0x1880]  }
0x10d: {  	v7 =	vadd.f32 v40, v7;
	v4 =	vadd.f32 v36, v4;
	v36 =	vld [tilespmem:s21+$0x5890]  }
0x10e: {  	v3 =	vadd.f32 v25, v3;
	v31 =	vld [tilespmem:s21+$0x1890]  }
0x10f: {  	v7 =	vadd.f32 v8, v7;
	v4 =	vadd.f32 v29, v4;
	v29 =	vld [tilespmem:s21+$0x58A0]  }
0x110: {  	[tilespmem:$0x1FF30] =	vst v3;
	v3 =	vmul.f32 v34, v34;
	v25 =	vld [tilespmem:s21+$0x18A0]  }
0x111: {  	v8 =	vadd.f32 v30, v7;
	v7 =	vadd.f32 v22, v4;
	v22 =	vld [tilespmem:s21+$0x58B0]  }
0x112: {  	v4 =	vmul.f32 v32, v32;
	v3 =	vadd.f32 v3, v5;
	v5 =	vld [tilespmem:s21+$0x18B0]  }
0x113: {  	v9 =	vadd.f32 v24, v8;
	v8 =	vadd.f32 v23, v28;
	v24 =	vmul.f32 v33, v33;
	v28 =	vld [tilespmem:s21+$0x58C0]  }
0x114: {  	v4 =	vadd.f32 v4, v6;
	v6 =	vld [tilespmem:$0x1FFC0]  }
0x115: {  	v16 =	vmul.f32 v16, v16;
	v24 =	vadd.f32 v24, v11;
	v30 =	vld [tilespmem:s21+$0x18C0]  }
0x116: {  	[tilespmem:$0x1FF50] =	vst v0;
	v0 =	vld [tilespmem:s21+$0x2080]  }
0x117: {  	v23 =	vmul.f32 v35, v35;
	v16 =	vadd.f32 v16, v24;
	v24 =	vld [tilespmem:s21+$0x58F0]  }
0x118: {  	v21 =	vmul.f32 v21, v21;
	v33 =	vld [tilespmem:s21+$0x1480]  }
0x119: {  	v20 =	vmul.f32 v20, v20;
	v17 =	vmul.f32 v17, v17;
	v37 =	vld [tilespmem:s21+$0x5490];
	v23 =	vadd.f32 v23, v6  }
0x11a: {  	v3 =	vadd.f32 v21, v3;
	v6 =	vld [tilespmem:$0x1FFD0]  }
0x11b: {  	v13 =	vmul.f32 v13, v13;
	v4 =	vadd.f32 v20, v4;
	[tilespmem:$0x1FF60] =	vst v0;
	v0 =	vld [tilespmem:s21+$0x6090];
	v17 =	vadd.f32 v17, v23  }
0x11c: {  	v12 =	vmul.f32 v12, v12;
	v40 =	vld [tilespmem:s21+$0x1490];
	v3 =	vadd.f32 v19, v3  }
0x11d: {  	v21 =	vld [tilespmem:s21+$0x58D0];
	v4 =	vadd.f32 v18, v4;
	v18 =	vmul.f32 v10, v10;
	v13 =	vadd.f32 v13, v17  }
0x11e: {  	v12 =	vadd.f32 v12, v16;
	v19 =	vld [tilespmem:s21+$0x58E0]  }
0x11f: {  	v11 =	vadd.f32 v15, v3;
	v16 =	vmul.f32 v6, v6;
	v6 =	vld [tilespmem:$0x1FF60];
	v3 =	vadd.f32 v18, v13  }
0x120: {  	[tilespmem:$0x1FF70] =	vst v0;
	v0 =	vld [tilespmem:s21+$0x2090]  }
0x121: {  	[tilespmem:$0x1FF40] =	vst v3;
	v3 =	vld [tilespmem:$0x1FF50]  }
0x122: {  	v20 =	vld [tilespmem:s21+$0x18D0]  }
0x123: {  	v39 =	vsub.f32 v47, v48;
	v48 =	vld [tilespmem:s21+$0x14A0]  }
0x124: {  	v42 =	vsub.f32 v63, v42;
	v63 =	vld [tilespmem:s21+$0x14B0]  }
0x125: {  	[tilespmem:$0x1FF80] =	vst v0;
	v0 =	vld [tilespmem:s21+$0x60A0]  }
0x126: {  	v32 =	vsub.f32 v3, v6;
	v3 =	vld [tilespmem:$0x1FF70]  }
0x127: {  	v6 =	vld [tilespmem:$0x1FF80]  }
0x128: {  	v47 =	vsub.f32 v55, v56;
	v55 =	vld [tilespmem:s21+$0x54E0]  }
0x129: {  	v56 =	vld [tilespmem:s21+$0x14E0]  }
0x12a: {  	v10 =	vadd.f32 v14, v4;
	v14 =	vsub.f32 v44, v41;
	v41 =	vld [tilespmem:s21+$0x14C0]  }
0x12b: {  	[tilespmem:$0x1FF90] =	vst v0;
	v0 =	vld [tilespmem:s21+$0x60B0]  }
0x12c: {  	v34 =	vsub.f32 v3, v6;
	v3 =	vld [tilespmem:$0x1FF90]  }
0x12d: {  	v44 =	vld [tilespmem:s21+$0x54D0]  }
0x12e: {  	v1 =	vsub.f32 v43, v1;
	v43 =	vsub.f32 v27, v26;
	v17 =	vld [tilespmem:s21+$0x18E0]  }
0x12f: {  	v36 =	vsub.f32 v36, v31;
	v27 =	vsub.f32 v29, v25;
	v18 =	vld [tilespmem:s21+$0x18F0]  }
0x130: {  	v26 =	vsub.f32 v22, v5;
	v13 =	vsub.f32 v51, v52;
	v51 =	vld [tilespmem:s21+$0x54B0];
	[tilespmem:$0x1FFA0] =	vst v0  }
0x131: {  	v31 =	vmul.f32 v47, v47;
	v23 =	vsub.f32 v28, v30;
	v35 =	vsub.f32 v3, v45;
	v3 =	vld [tilespmem:$0x1FFA0]  }
0x132: {  	v36 =	vmul.f32 v36, v36;
	v22 =	vsub.f32 v21, v20;
	v52 =	vsub.f32 v61, v62;
	v0 =	vld [tilespmem:s21+$0x1CE0]  }
0x133: {  	v21 =	vmul.f32 v42, v42;
	v4 =	vadd.f32 v16, v12;
	v16 =	vld [tilespmem:s21+$0x5480];
	v12 =	vsub.f32 v53, v54  }
0x134: {  	v20 =	vmul.f32 v1, v1;
	v62 =	vld [tilespmem:s21+$0x14F0];
	v19 =	vsub.f32 v19, v17;
	v18 =	vsub.f32 v24, v18  }
0x135: {  	v54 =	vld [tilespmem:s21+$0x14D0];
	v28 =	vmul.f32 v52, v52;
	v63 =	vsub.f32 v51, v63;
	v45 =	vsub.f32 v49, v50  }
0x136: {  	v17 =	vmul.f32 v39, v39;
	v49 =	vsub.f32 v57, v58;
	v38 =	vsub.f32 v3, v46;
	v46 =	vld [tilespmem:s21+$0x54A0]  }
0x137: {  	v5 =	vmul.f32 v34, v34;
	v50 =	vsub.f32 v59, v60;
	v15 =	vsub.f32 v2, v0;
	v0 =	vld [tilespmem:s21+$0x54C0]  }
0x138: {  	v33 =	vsub.f32 v16, v33;
	v60 =	vld [tilespmem:s21+$0x54F0];
	v25 =	vmul.f32 v35, v35;
	v16 =	vmul.f32 v45, v45  }
0x139: {  	v35 =	vsub.f32 v37, v40;
	v29 =	vmul.f32 v49, v49;
	v30 =	vmul.f32 v50, v50  }
0x13a: {  	v37 =	vmul.f32 v43, v43;
	v2 =	vmul.f32 v32, v32;
	v32 =	vsub.f32 v44, v54  }
0x13b: {  	v39 =	vmul.f32 v35, v35;
	v35 =	vsub.f32 v55, v56;
	v61 =	vsub.f32 v46, v48  }
0x13c: {  	v24 =	vmul.f32 v38, v38;
	v38 =	vmul.f32 v63, v63;
	v34 =	vsub.f32 v0, v41  }
0x13d: {  	s19 =	simm.s32 $0xFFFFF200;
	v41 =	vmul.f32 v33, v33;
	v33 =	vsub.f32 v60, v62;
	v40 =	vmul.f32 v61, v61  }
.LBB2_5:
0x13e: {  	v0 =	vld [tilespmem:$0x1FF30]  }
0x13f: {  	s20 =	sshra.s32 s19, $0x2;
	v3 =	vld [tilespmem:$0x1FF40]  }
0x140: {  	v6 =	vmul.f32 v27, v27;
	v27 =	vld [tilespmem:s20+$0x6080]  }
0x141: {  	v1 =	vadd.f32 v39, v7;
	v7 =	vadd.f32 v40, v9;
	v9 =	vmul.f32 v26, v26;
	v26 =	vld [tilespmem:s20+$0x2080]  }
0x142: {  	v62 =	vmul.f32 v23, v23;
	v23 =	vld [tilespmem:s20+$0x6090]  }
0x143: {  	v63 =	vld [tilespmem:s20+$0x2090]  }
0x144: {  	v49 =	vmul.f32 v35, v35;
	v35 =	vld [tilespmem:s20+$0x1CD0]  }
0x145: {  	v8 =	vadd.f32 v38, v8;
	v38 =	vld [tilespmem:s20+$0x1CE0]  }
0x146: {  	v39 =	vld [tilespmem:s20+$0x5CF0]  }
0x147: {  	v40 =	vld [tilespmem:s20+$0x1CF0]  }
0x148: {  	v42 =	vld [tilespmem:s20+$0x1880]  }
0x149: {  	v43 =	vld [tilespmem:s20+$0x5890]  }
0x14a: {  	v44 =	vld [tilespmem:s20+$0x1890]  }
0x14b: {  	v45 =	vld [tilespmem:s20+$0x58A0]  }
0x14c: {  	v46 =	vld [tilespmem:s20+$0x18A0]  }
0x14d: {  	v47 =	vld [tilespmem:s20+$0x58B0]  }
0x14e: {  	v48 =	vld [tilespmem:s20+$0x18B0]  }
0x14f: {  	v50 =	vld [tilespmem:s20+$0x18C0]  }
0x150: {  	v51 =	vld [tilespmem:s20+$0x58D0]  }
0x151: {  	v52 =	vld [tilespmem:s20+$0x18D0]  }
0x152: {  	v53 =	vld [tilespmem:s20+$0x58E0]  }
0x153: {  	v54 =	vld [tilespmem:s20+$0x18E0]  }
0x154: {  	v55 =	vld [tilespmem:s20+$0x58F0]  }
0x155: {  	v56 =	vld [tilespmem:s20+$0x18F0]  }
0x156: {  	v57 =	vld [tilespmem:s20+$0x5480]  }
0x157: {  	v59 =	vld [tilespmem:s20+$0x1480]  }
0x158: {  	v61 =	vld [tilespmem:s20+$0x1490];
	v1 =	vadd.f32 v36, v1  }
0x159: {  	v6 =	vadd.f32 v6, v7;
	v36 =	vld [tilespmem:s20+$0x5CE0]  }
0x15a: {  	v1 =	vadd.f32 v29, v1;
	v29 =	vld [tilespmem:s20+$0x60A0]  }
0x15b: {  	v7 =	vadd.f32 v9, v8;
	v8 =	vadd.f32 v30, v6;
	v30 =	vld [tilespmem:s20+$0x20A0]  }
0x15c: {  	v34 =	vmul.f32 v34, v34;
	v0 =	vadd.f32 v41, v0;
	v41 =	vld [tilespmem:s20+$0x5880]  }
0x15d: {  	v28 =	vadd.f32 v28, v7;
	v3 =	vadd.f32 v49, v3;
	v49 =	vld [tilespmem:s20+$0x58C0]  }
0x15e: {  	v7 =	vadd.f32 v5, v1;
	v5 =	vadd.f32 v34, v11;
	v11 =	vmul.f32 v19, v19;
	v19 =	vld [tilespmem:s20+$0x60C0]  }
0x15f: {  	v9 =	vadd.f32 v25, v8;
	v8 =	vadd.f32 v24, v28;
	v24 =	vld [tilespmem:s20+$0x5CA0]  }
0x160: {  	v25 =	vld [tilespmem:s20+$0x1CA0]  }
0x161: {  	v28 =	vld [tilespmem:s20+$0x5CB0]  }
0x162: {  	v1 =	vmul.f32 v33, v33;
	v33 =	vld [tilespmem:s20+$0x1CC0]  }
0x163: {  	v0 =	vadd.f32 v37, v0;
	v34 =	vld [tilespmem:s20+$0x5CD0]  }
0x164: {  	v1 =	vadd.f32 v1, v4;
	v4 =	vmul.f32 v18, v18;
	v18 =	vld [tilespmem:s20+$0x20C0]  }
0x165: {  	v0 =	vadd.f32 v31, v0;
	v31 =	vmul.f32 v32, v32;
	v32 =	vld [tilespmem:s20+$0x5CC0]  }
0x166: {  	v29 =	vsub.f32 v29, v30;
	v30 =	vld [tilespmem:s20+$0x5490]  }
0x167: {  	v37 =	vsub.f32 v23, v63;
	v23 =	vsub.f32 v49, v50;
	v50 =	vld [tilespmem:s20+$0x14D0]  }
0x168: {  	v15 =	vmul.f32 v15, v15;
	v3 =	vadd.f32 v11, v3;
	v0 =	vadd.f32 v2, v0;
	v2 =	vld [tilespmem:s20+$0x20B0]  }
0x169: {  	v5 =	vadd.f32 v62, v5;
	v1 =	vadd.f32 v4, v1;
	v4 =	vmul.f32 v14, v14;
	v14 =	vld [tilespmem:s20+$0x20D0]  }
0x16a: {  	v3 =	vadd.f32 v15, v3;
	v15 =	vld [tilespmem:s20+$0x5C80]  }
0x16b: {  	v5 =	vadd.f32 v21, v5;
	v21 =	vld [tilespmem:s20+$0x1C90]  }
0x16c: {  	v10 =	vadd.f32 v31, v10;
	v31 =	vld [tilespmem:s20+$0x1CB0]  }
0x16d: {  	v22 =	vmul.f32 v22, v22;
	v35 =	vsub.f32 v34, v35;
	v34 =	vld [tilespmem:s20+$0x54C0]  }
0x16e: {  	[tilespmem:$0x1FF30] =	vst v0;
	v0 =	vld [tilespmem:s20+$0x60B0]  }
0x16f: {  	v10 =	vadd.f32 v22, v10;
	v22 =	vld [tilespmem:s20+$0x60D0]  }
0x170: {  	v1 =	vadd.f32 v4, v1;
	v4 =	vmul.f32 v12, v12;
	v12 =	vld [tilespmem:s20+$0x20E0]  }
0x171: {  	v58 =	vsub.f32 v27, v26;
	v11 =	vadd.f32 v17, v5;
	v5 =	vld [tilespmem:s20+$0x60F0]  }
0x172: {  	v27 =	vsub.f32 v45, v46;
	v26 =	vsub.f32 v47, v48;
	v17 =	vld [tilespmem:s20+$0x5C90]  }
0x173: {  	v13 =	vmul.f32 v13, v13;
	v6 =	vsub.f32 v24, v25;
	v32 =	vsub.f32 v32, v33;
	v33 =	vld [tilespmem:s20+$0x14B0]  }
0x174: {  	v60 =	vsub.f32 v19, v18;
	v19 =	vsub.f32 v53, v54;
	v54 =	vld [tilespmem:s20+$0x54E0]  }
0x175: {  	v3 =	vadd.f32 v13, v3;
	v10 =	vadd.f32 v20, v10;
	v20 =	vld [tilespmem:s20+$0x60E0]  }
0x176: {  	v18 =	vsub.f32 v55, v56;
	v4 =	vadd.f32 v4, v1;
	v1 =	vld [tilespmem:s20+$0x20F0]  }
0x177: {  	[tilespmem:$0x1FF40] =	vst v3;
	v3 =	vld [tilespmem:s20+$0x54B0];
	v28 =	vsub.f32 v28, v31;
	v10 =	vadd.f32 v16, v10  }
0x178: {  	v16 =	vld [tilespmem:s20+$0x1C80];
	v0 =	vsub.f32 v0, v2;
	v62 =	vsub.f32 v22, v14  }
0x179: {  	v21 =	vsub.f32 v17, v21;
	v14 =	vsub.f32 v39, v40;
	v40 =	vld [tilespmem:s20+$0x54D0]  }
0x17a: {  	v39 =	vsub.f32 v43, v44;
	v2 =	vmul.f32 v58, v58;
	v58 =	vsub.f32 v57, v59;
	v59 =	vld [tilespmem:s20+$0x14E0]  }
0x17b: {  	v25 =	vmul.f32 v29, v29;
	v22 =	vsub.f32 v51, v52;
	v13 =	vsub.f32 v20, v12;
	v20 =	vld [tilespmem:s20+$0x54A0]  }
0x17c: {  	v17 =	vmul.f32 v60, v60;
	v28 =	vmul.f32 v28, v28;
	v12 =	vsub.f32 v5, v1;
	v1 =	vld [tilespmem:s20+$0x14A0]  }
0x17d: {  	v5 =	vmul.f32 v37, v37;
	v24 =	vmul.f32 v0, v0;
	v0 =	vsub.f32 v30, v61;
	v61 =	vld [tilespmem:s20+$0x54F0]  }
0x17e: {  	v29 =	vmul.f32 v21, v21;
	v63 =	vsub.f32 v15, v16;
	v15 =	vsub.f32 v36, v38;
	v38 =	vld [tilespmem:s20+$0x14C0]  }
0x17f: {  	p1 =	sne.s32 s19, $0xFFFFFE00;
	v30 =	vmul.f32 v6, v6;
	v36 =	vsub.f32 v41, v42;
	v16 =	vmul.f32 v62, v62;
	v62 =	vld [tilespmem:s20+$0x14F0]  }
.Ltmp1:
0x180: {  	v3 =	vsub.f32 v3, v33;
	v21 =	vmul.f32 v32, v32;
	v41 =	vmul.f32 v58, v58;
	(pc) =	sbr.rel @p1 .LBB2_5-.Ltmp1, $4  }
0x181: {  	v32 =	vsub.f32 v40, v50;
	v31 =	vmul.f32 v63, v63;
	v37 =	vmul.f32 v36, v36  }
0x182: {  	v36 =	vmul.f32 v39, v39;
	v39 =	vmul.f32 v0, v0;
	v1 =	vsub.f32 v20, v1  }
0x183: {  	v20 =	vmul.f32 v35, v35;
	v35 =	vsub.f32 v54, v59;
	v34 =	vsub.f32 v34, v38  }
0x184: {  	s19 =	sadd.s32 $0x200, s19;
	v40 =	vmul.f32 v1, v1;
	v38 =	vmul.f32 v3, v3;
	v33 =	vsub.f32 v61, v62  }
0x185: {  	v0 =	vld.msk @!p0 [tilespmem:s18+$0x28], $0xff;
	_ =	sdelay $0x4  }
0x186: {  	v1 =	vshll.u32 @!p0 v0, $0x2  }
0x187: {  	v3 =	vlaneseq.u32 @!p0;
	v0 =	vand.u32 @!p0 $0x7, v0;
	v1 =	vand.u32 @!p0 $0xFFFFFFE0, v1  }
0x188: {  	v0 =	vor.u32 @!p0 v0, v1;
	v1 =	vand.u32 @!p0 $0x7, v3;
	v3 =	vshrl.u32 @!p0 v3, $0x3  }
0x189: {  	v0 =	vperm.xlane @!p0 v0, v1;
	v1 =	vmul.u32 @!p0 $0x8, v3;
	_ =	sdelay $0x1  }
0x18a: {  	v0 =	vadd.s32 @!p0 v1, v0;
	_ =	sdelay $0x3  }
0x18b: {  	s19 =	simm.s32 @!p0 $0x0;
	s20 =	simm.s32 @!p0 $0x1080  }
0x18c: {  	[tilespmem:s20], [sflag:$0x2] =	stream.indirect_vreg.gather @!p0 [hbm4b:s3+s19], $0x80, v0, vm1, $0xb8;
	[tilespmem:$0x8100] =	vst v63  }
0x18d: {  	s20 =	sadd.s32 @!p0 $0x28, s18  }
0x18e: {  	s21 =	simm.s32 @!p0 $0x1880;
	s20 =	sadd.s32 @!p0 s5, s20  }
0x18f: {  	[tilespmem:s21], [sflag:$0x2] =	stream.indirect_vreg.gather @!p0 [hbm4b:s7+s19], $0x80, v0, vm1, $0xb8;
	[tilespmem:$0x8100] =	vst v63  }
0x190: {  	s20 =	sshll.u32 @!p0 s20, $0x6  }
0x191: {  	s21 =	simm.s32 @!p0 $0x5080;
	s20 =	sadd.s32 @!p0 s1, s20  }
0x192: {  	[tilespmem:s21], [sflag:$0x6] =	stream.linear.gather @!p0 [hbm4b:s20+s19], $0x1000, $0x38;
	[tilespmem:$0x8100] =	vst v63  }
0x193: {  	_ =	swait.ge [sflag:s31], $0x1000  }
0x194: {  	[sflag:s31] =	ssyncset.done $0x0  }
0x195: {  	[sflag:s31] =	ssyncadd.s32 $0xFFFFF000  }
0x196: {  	_ =	swait.ge [sflag:s2], $0x1000  }
0x197: {  	[sflag:s2] =	ssyncset.done $0x0  }
0x198: {  	s21 =	simm.s32 $0xFFFFFC00;
	v3 =	vld [tilespmem:$0x1FF30];
	[sflag:s2] =	ssyncadd.s32 $0xFFFFF000  }
0x199: {  	v57 =	vld [tilespmem:s21+$0x7080]  }
0x19a: {  	v58 =	vld [tilespmem:s21+$0x3080]  }
0x19b: {  	v59 =	vld [tilespmem:s21+$0x7090]  }
0x19c: {  	v60 =	vld [tilespmem:s21+$0x3090]  }
0x19d: {  	v61 =	vld [tilespmem:s21+$0x70A0]  }
0x19e: {  	v62 =	vld [tilespmem:s21+$0x30A0]  }
0x19f: {  	v63 =	vld [tilespmem:s21+$0x70B0]  }
0x1a0: {  	v47 =	vld [tilespmem:s21+$0x30B0]  }
0x1a1: {  	v48 =	vld [tilespmem:s21+$0x70C0]  }
0x1a2: {  	v49 =	vld [tilespmem:s21+$0x30C0]  }
0x1a3: {  	v50 =	vld [tilespmem:s21+$0x70D0]  }
0x1a4: {  	v51 =	vld [tilespmem:s21+$0x30D0]  }
0x1a5: {  	v52 =	vld [tilespmem:s21+$0x70E0]  }
0x1a6: {  	v53 =	vld [tilespmem:s21+$0x30E0]  }
0x1a7: {  	v54 =	vld [tilespmem:s21+$0x70F0]  }
0x1a8: {  	v55 =	vld [tilespmem:s21+$0x30F0]  }
0x1a9: {  	v56 =	vld [tilespmem:s21+$0x6C80]  }
0x1aa: {  	v45 =	vld [tilespmem:s21+$0x6CC0]  }
0x1ab: {  	v43 =	vld [tilespmem:s21+$0x2CC0]  }
0x1ac: {  	v44 =	vld [tilespmem:s21+$0x6CD0]  }
0x1ad: {  	v1 =	vld [tilespmem:s21+$0x2CD0]  }
0x1ae: {  	v42 =	vld [tilespmem:s21+$0x6CE0]  }
0x1af: {  	v0 =	vld [tilespmem:s21+$0x2CE0]  }
0x1b0: {  	v6 =	vadd.f32 v39, v7;
	v7 =	vadd.f32 v40, v9;
	v9 =	vmul.f32 v27, v27;
	v46 =	vld [tilespmem:s21+$0x6CF0]  }
0x1b1: {  	v26 =	vmul.f32 v26, v26;
	v8 =	vadd.f32 v38, v8;
	v27 =	vld [tilespmem:s21+$0x6880]  }
0x1b2: {  	v6 =	vadd.f32 v36, v6;
	v7 =	vadd.f32 v9, v7;
	v36 =	vld [tilespmem:s21+$0x6890]  }
0x1b3: {  	v8 =	vadd.f32 v26, v8;
	v26 =	vld [tilespmem:s21+$0x2890]  }
0x1b4: {  	v6 =	vadd.f32 v29, v6;
	v7 =	vadd.f32 v30, v7;
	v29 =	vld [tilespmem:s21+$0x68A0]  }
0x1b5: {  	v8 =	vadd.f32 v28, v8;
	v28 =	vld [tilespmem:s21+$0x28A0]  }
0x1b6: {  	v9 =	vmul.f32 v32, v32;
	v7 =	vadd.f32 v25, v7;
	v25 =	vld [tilespmem:s21+$0x68B0]  }
0x1b7: {  	v5 =	vadd.f32 v5, v6;
	v6 =	vadd.f32 v24, v8;
	v24 =	vld [tilespmem:s21+$0x28B0]  }
0x1b8: {  	v9 =	vadd.f32 v9, v10;
	v10 =	vmul.f32 v22, v22;
	v30 =	vld [tilespmem:s21+$0x68C0]  }
0x1b9: {  	v22 =	vld [tilespmem:s21+$0x28C0]  }
0x1ba: {  	v9 =	vadd.f32 v10, v9;
	v10 =	vmul.f32 v15, v15;
	v15 =	vld [tilespmem:s21+$0x28D0]  }
0x1bb: {  	v3 =	vadd.f32 v41, v3;
	v41 =	vld [tilespmem:s21+$0x2CF0]  }
0x1bc: {  	[tilespmem:$0x1FEC0] =	vst v57;
	v57 =	vld [tilespmem:s21+$0x2C80]  }
0x1bd: {  	[tilespmem:$0x1FED0] =	vst v58;
	v58 =	vld [tilespmem:s21+$0x6C90]  }
0x1be: {  	[tilespmem:$0x1FEE0] =	vst v59;
	v59 =	vld [tilespmem:s21+$0x2C90]  }
0x1bf: {  	[tilespmem:$0x1FEF0] =	vst v60;
	v60 =	vld [tilespmem:s21+$0x6CA0]  }
0x1c0: {  	[tilespmem:$0x1FF00] =	vst v61;
	v61 =	vld [tilespmem:s21+$0x2CA0]  }
0x1c1: {  	[tilespmem:$0x1FF10] =	vst v62;
	v62 =	vld [tilespmem:s21+$0x6CB0];
	v3 =	vadd.f32 v37, v3  }
0x1c2: {  	[tilespmem:$0x1FF20] =	vst v63;
	v63 =	vld [tilespmem:s21+$0x2CB0]  }
0x1c3: {  	v37 =	vld [tilespmem:s21+$0x2880];
	v3 =	vadd.f32 v31, v3  }
0x1c4: {  	v43 =	vsub.f32 v45, v43;
	v45 =	vld [tilespmem:s21+$0x24B0]  }
0x1c5: {  	v1 =	vsub.f32 v44, v1;
	v44 =	vld [tilespmem:s21+$0x24D0];
	v2 =	vadd.f32 v2, v3;
	v3 =	vmul.f32 v34, v34  }
0x1c6: {  	v8 =	vmul.f32 v35, v35;
	v35 =	vld [tilespmem:$0x1FEC0]  }
0x1c7: {  	v38 =	vld [tilespmem:$0x1FEE0];
	v3 =	vadd.f32 v3, v11;
	v11 =	vmul.f32 v23, v23  }
0x1c8: {  	v39 =	vld [tilespmem:$0x1FF00];
	v23 =	vmul.f32 v33, v33  }
0x1c9: {  	v40 =	vld [tilespmem:$0x1FF20];
	v3 =	vadd.f32 v11, v3  }
0x1ca: {  	v18 =	vmul.f32 v18, v18;
	v33 =	vld [tilespmem:$0x1FF40];
	v4 =	vadd.f32 v23, v4  }
0x1cb: {  	v31 =	vld [tilespmem:s21+$0x68F0];
	v3 =	vadd.f32 v21, v3  }
0x1cc: {  	[tilespmem:$0x1FEA0] =	vst v2;
	v2 =	vld [tilespmem:s21+$0x24E0];
	v4 =	vadd.f32 v18, v4  }
0x1cd: {  	v18 =	vadd.f32 v20, v9;
	v9 =	vadd.f32 v17, v3;
	v3 =	vld [tilespmem:$0x1FED0]  }
0x1ce: {  	v23 =	vld [tilespmem:s21+$0x68D0];
	v11 =	vmul.f32 v14, v14  }
0x1cf: {  	v19 =	vmul.f32 v19, v19;
	v14 =	vld [tilespmem:s21+$0x68E0];
	v8 =	vadd.f32 v8, v33  }
0x1d0: {  	v33 =	vld [tilespmem:s21+$0x2480];
	v4 =	vadd.f32 v11, v4  }
0x1d1: {  	v11 =	vmul.f32 v12, v12;
	v12 =	vsub.f32 v46, v41;
	v41 =	vld [tilespmem:s21+$0x24C0];
	v8 =	vadd.f32 v19, v8  }
0x1d2: {  	v32 =	vsub.f32 v35, v3;
	v3 =	vld [tilespmem:$0x1FEF0]  }
0x1d3: {  	v13 =	vmul.f32 v13, v13;
	v19 =	vld [tilespmem:s21+$0x28E0];
	v4 =	vadd.f32 v11, v4;
	v10 =	vadd.f32 v10, v8  }
0x1d4: {  	v11 =	vsub.f32 v52, v53;
	v53 =	vsub.f32 v60, v61;
	v61 =	vld [tilespmem:s21+$0x64F0]  }
0x1d5: {  	v8 =	vadd.f32 v16, v18;
	v16 =	vld [tilespmem:s21+$0x28F0];
	v34 =	vadd.f32 v13, v10  }
0x1d6: {  	v36 =	vsub.f32 v36, v26;
	v18 =	vld [tilespmem:s21+$0x6480]  }
0x1d7: {  	v26 =	vsub.f32 v25, v24;
	[tilespmem:$0x1FEB0] =	vst v34;
	v34 =	vsub.f32 v38, v3;
	v3 =	vld [tilespmem:$0x1FF10]  }
0x1d8: {  	v37 =	vsub.f32 v27, v37;
	v10 =	vsub.f32 v54, v55;
	v54 =	vld [tilespmem:s21+$0x64B0]  }
0x1d9: {  	v36 =	vmul.f32 v36, v36;
	v52 =	vsub.f32 v58, v59;
	v13 =	vsub.f32 v42, v0;
	v0 =	vld [tilespmem:s21+$0x64C0]  }
0x1da: {  	v27 =	vsub.f32 v29, v28;
	v37 =	vmul.f32 v37, v37;
	v21 =	vsub.f32 v30, v22;
	v42 =	vld [tilespmem:s21+$0x64D0]  }
0x1db: {  	v20 =	vsub.f32 v23, v15;
	v29 =	vmul.f32 v52, v52;
	v55 =	vsub.f32 v62, v63;
	v38 =	vld [tilespmem:s21+$0x6490]  }
0x1dc: {  	v30 =	vmul.f32 v53, v53;
	v35 =	vsub.f32 v39, v3;
	v39 =	vsub.f32 v40, v47;
	v47 =	vld [tilespmem:s21+$0x2490]  }
0x1dd: {  	v17 =	vsub.f32 v14, v19;
	v19 =	vmul.f32 v43, v43;
	v40 =	vsub.f32 v48, v49;
	v49 =	vld [tilespmem:s21+$0x64A0]  }
0x1de: {  	v25 =	vmul.f32 v32, v32;
	v28 =	vmul.f32 v55, v55;
	v48 =	vsub.f32 v50, v51;
	v51 =	vld [tilespmem:s21+$0x24A0]  }
0x1df: {  	v63 =	vld [tilespmem:s21+$0x24F0];
	v16 =	vsub.f32 v31, v16;
	v33 =	vsub.f32 v18, v33;
	v18 =	vmul.f32 v1, v1  }
0x1e0: {  	v46 =	vld [tilespmem:s21+$0x64E0];
	v45 =	vsub.f32 v54, v45;
	v32 =	vsub.f32 v42, v44;
	v22 =	vmul.f32 v34, v34  }
0x1e1: {  	v34 =	vsub.f32 v0, v41;
	v41 =	vmul.f32 v33, v33;
	v24 =	vmul.f32 v35, v35  }
0x1e2: {  	v50 =	vsub.f32 v56, v57;
	v23 =	vmul.f32 v39, v39;
	v15 =	vmul.f32 v40, v40  }
0x1e3: {  	v14 =	vmul.f32 v48, v48;
	v60 =	vsub.f32 v38, v47;
	v62 =	vsub.f32 v49, v51  }
0x1e4: {  	v33 =	vsub.f32 v61, v63;
	v31 =	vmul.f32 v50, v50;
	v38 =	vmul.f32 v45, v45  }
0x1e5: {  	s19 =	simm.s32 $0xFFFFF200;
	v35 =	vsub.f32 v46, v2;
	v39 =	vmul.f32 v60, v60;
	v40 =	vmul.f32 v62, v62  }
.LBB2_7:
0x1e6: {  	v0 =	vld [tilespmem:$0x1FEA0]  }
0x1e7: {  	s20 =	sshra.s32 s19, $0x2;
	v48 =	vld [tilespmem:$0x1FEB0]  }
0x1e8: {  	v2 =	vmul.f32 v27, v27;
	v27 =	vld [tilespmem:s20+$0x7080]  }
0x1e9: {  	v1 =	vadd.f32 v39, v5;
	v5 =	vadd.f32 v40, v7;
	v7 =	vmul.f32 v26, v26;
	v26 =	vld [tilespmem:s20+$0x3080]  }
0x1ea: {  	v60 =	vmul.f32 v21, v21;
	v21 =	vld [tilespmem:s20+$0x7090]  }
0x1eb: {  	v61 =	vld [tilespmem:s20+$0x3090]  }
0x1ec: {  	v63 =	vld [tilespmem:s20+$0x70B0]  }
0x1ed: {  	v47 =	vmul.f32 v33, v33;
	v33 =	vld [tilespmem:s20+$0x2CC0]  }
0x1ee: {  	v62 =	vmul.f32 v35, v35;
	v35 =	vld [tilespmem:s20+$0x2CD0]  }
0x1ef: {  	v6 =	vadd.f32 v38, v6;
	v38 =	vld [tilespmem:s20+$0x2CE0]  }
0x1f0: {  	v39 =	vld [tilespmem:s20+$0x6CF0]  }
0x1f1: {  	v40 =	vld [tilespmem:s20+$0x2CF0]  }
0x1f2: {  	v42 =	vld [tilespmem:s20+$0x2880]  }
0x1f3: {  	v43 =	vld [tilespmem:s20+$0x6890]  }
0x1f4: {  	v44 =	vld [tilespmem:s20+$0x2890]  }
0x1f5: {  	v45 =	vld [tilespmem:s20+$0x68A0]  }
0x1f6: {  	v46 =	vld [tilespmem:s20+$0x28A0]  }
0x1f7: {  	v50 =	vld [tilespmem:s20+$0x28C0]  }
0x1f8: {  	v51 =	vld [tilespmem:s20+$0x68D0]  }
0x1f9: {  	v52 =	vld [tilespmem:s20+$0x28D0]  }
0x1fa: {  	v53 =	vld [tilespmem:s20+$0x68E0]  }
0x1fb: {  	v54 =	vld [tilespmem:s20+$0x28E0]  }
0x1fc: {  	v55 =	vld [tilespmem:s20+$0x68F0]  }
0x1fd: {  	v56 =	vld [tilespmem:s20+$0x28F0]  }
0x1fe: {  	v34 =	vmul.f32 v34, v34;
	v57 =	vld [tilespmem:s20+$0x6480]  }
0x1ff: {  	v59 =	vld [tilespmem:s20+$0x2480]  }
0x200: {  	v1 =	vadd.f32 v36, v1;
	v9 =	vadd.f32 v34, v9;
	v34 =	vld [tilespmem:s20+$0x6CD0]  }
0x201: {  	v2 =	vadd.f32 v2, v5;
	v36 =	vld [tilespmem:s20+$0x6CE0]  }
0x202: {  	v1 =	vadd.f32 v29, v1;
	v29 =	vld [tilespmem:s20+$0x70A0]  }
0x203: {  	v5 =	vadd.f32 v7, v6;
	v6 =	vadd.f32 v30, v2;
	v30 =	vld [tilespmem:s20+$0x30A0]  }
0x204: {  	v0 =	vadd.f32 v41, v0;
	v41 =	vld [tilespmem:s20+$0x6880]  }
0x205: {  	v28 =	vadd.f32 v28, v5;
	v3 =	vadd.f32 v62, v48;
	v48 =	vld [tilespmem:s20+$0x28B0]  }
0x206: {  	v5 =	vadd.f32 v22, v1;
	v22 =	vld [tilespmem:s20+$0x30B0]  }
0x207: {  	v17 =	vmul.f32 v17, v17;
	v7 =	vadd.f32 v24, v6;
	v6 =	vadd.f32 v23, v28;
	v23 =	vld [tilespmem:s20+$0x70C0]  }
0x208: {  	v9 =	vadd.f32 v60, v9;
	v1 =	vadd.f32 v47, v4;
	v4 =	vmul.f32 v16, v16;
	v16 =	vld [tilespmem:s20+$0x30C0]  }
0x209: {  	v3 =	vadd.f32 v17, v3;
	v17 =	vld [tilespmem:s20+$0x70E0]  }
0x20a: {  	v9 =	vadd.f32 v19, v9;
	v19 =	vld [tilespmem:s20+$0x2C90]  }
0x20b: {  	v24 =	vld [tilespmem:s20+$0x6CA0]  }
0x20c: {  	v28 =	vld [tilespmem:s20+$0x6CB0]  }
0x20d: {  	v47 =	vld [tilespmem:s20+$0x68B0]  }
0x20e: {  	v0 =	vadd.f32 v37, v0;
	v37 =	vsub.f32 v21, v61;
	v61 =	vld [tilespmem:s20+$0x2490]  }
0x20f: {  	v13 =	vmul.f32 v13, v13;
	v35 =	vsub.f32 v34, v35;
	v34 =	vld [tilespmem:s20+$0x64C0]  }
0x210: {  	v1 =	vadd.f32 v4, v1;
	v4 =	vmul.f32 v12, v12;
	v12 =	vld [tilespmem:s20+$0x30D0]  }
0x211: {  	v3 =	vadd.f32 v13, v3;
	v13 =	vld [tilespmem:s20+$0x70F0]  }
0x212: {  	v9 =	vadd.f32 v15, v9;
	v15 =	vld [tilespmem:s20+$0x2C80]  }
0x213: {  	v0 =	vadd.f32 v31, v0;
	v31 =	vmul.f32 v32, v32;
	v32 =	vld [tilespmem:s20+$0x6CC0]  }
0x214: {  	v29 =	vsub.f32 v29, v30;
	v30 =	vld [tilespmem:s20+$0x6490]  }
0x215: {  	v1 =	vadd.f32 v4, v1;
	v4 =	vmul.f32 v10, v10;
	v10 =	vld [tilespmem:s20+$0x30E0]  }
0x216: {  	v11 =	vmul.f32 v11, v11;
	v0 =	vadd.f32 v25, v0;
	v25 =	vld [tilespmem:s20+$0x2CA0]  }
0x217: {  	v20 =	vmul.f32 v20, v20;
	v8 =	vadd.f32 v31, v8;
	v31 =	vld [tilespmem:s20+$0x2CB0]  }
0x218: {  	v49 =	vadd.f32 v11, v3;
	v3 =	vld [tilespmem:s20+$0x64B0]  }
0x219: {  	v58 =	vsub.f32 v27, v26;
	v8 =	vadd.f32 v20, v8;
	v20 =	vld [tilespmem:s20+$0x70D0]  }
0x21a: {  	v27 =	vsub.f32 v45, v46;
	v4 =	vadd.f32 v4, v1;
	v1 =	vld [tilespmem:s20+$0x30F0]  }
0x21b: {  	v57 =	vsub.f32 v57, v59;
	v60 =	vsub.f32 v23, v16;
	[tilespmem:$0x1FEB0] =	vst v49;
	v49 =	vld [tilespmem:s20+$0x68C0]  }
0x21c: {  	v26 =	vsub.f32 v47, v48;
	[tilespmem:$0x1FEA0] =	vst v0;
	v0 =	vsub.f32 v63, v22;
	v63 =	vld [tilespmem:s20+$0x64A0]  }
0x21d: {  	v32 =	vsub.f32 v32, v33;
	v33 =	vld [tilespmem:s20+$0x24B0];
	v8 =	vadd.f32 v18, v8  }
0x21e: {  	v18 =	vld [tilespmem:s20+$0x6C90];
	v59 =	vsub.f32 v30, v61;
	v11 =	vsub.f32 v17, v10  }
0x21f: {  	v61 =	vld [tilespmem:s20+$0x64F0];
	v28 =	vsub.f32 v28, v31;
	v17 =	vsub.f32 v53, v54  }
0x220: {  	v54 =	vld [tilespmem:s20+$0x64E0];
	v8 =	vadd.f32 v14, v8;
	v62 =	vsub.f32 v20, v12  }
0x221: {  	v14 =	vld [tilespmem:s20+$0x6C80];
	v10 =	vsub.f32 v13, v1;
	v13 =	vsub.f32 v36, v38  }
0x222: {  	v22 =	vmul.f32 v37, v37;
	v1 =	vld [tilespmem:s20+$0x24A0];
	v36 =	vsub.f32 v41, v42;
	v12 =	vsub.f32 v39, v40  }
0x223: {  	v23 =	vmul.f32 v0, v0;
	v38 =	vld [tilespmem:s20+$0x24C0];
	v39 =	vsub.f32 v43, v44;
	v21 =	vsub.f32 v49, v50  }
0x224: {  	v40 =	vld [tilespmem:s20+$0x64D0];
	v28 =	vmul.f32 v28, v28;
	v41 =	vmul.f32 v57, v57;
	v18 =	vsub.f32 v18, v19  }
0x225: {  	v50 =	vld [tilespmem:s20+$0x24D0];
	v19 =	vsub.f32 v24, v25;
	v25 =	vmul.f32 v58, v58;
	v24 =	vmul.f32 v29, v29  }
0x226: {  	v16 =	vsub.f32 v55, v56;
	v58 =	vld [tilespmem:s20+$0x24E0];
	v37 =	vmul.f32 v36, v36;
	v36 =	vmul.f32 v39, v39  }
0x227: {  	p1 =	sne.s32 s19, $0xFFFFFE00;
	v39 =	vmul.f32 v59, v59;
	v2 =	vsub.f32 v14, v15;
	v14 =	vmul.f32 v62, v62;
	v62 =	vld [tilespmem:s20+$0x24F0]  }
.Ltmp2:
0x228: {  	v20 =	vsub.f32 v51, v52;
	v15 =	vmul.f32 v60, v60;
	v29 =	vmul.f32 v18, v18;
	(pc) =	sbr.rel @p1 .LBB2_7-.Ltmp2, $4  }
0x229: {  	v30 =	vmul.f32 v19, v19;
	v19 =	vmul.f32 v32, v32;
	v1 =	vsub.f32 v63, v1  }
0x22a: {  	v18 =	vmul.f32 v35, v35;
	v63 =	vsub.f32 v3, v33;
	v34 =	vsub.f32 v34, v38  }
0x22b: {  	v32 =	vsub.f32 v40, v50;
	v31 =	vmul.f32 v2, v2;
	v35 =	vsub.f32 v54, v58  }
0x22c: {  	s19 =	sadd.s32 $0x200, s19;
	v40 =	vmul.f32 v1, v1;
	v38 =	vmul.f32 v63, v63;
	v33 =	vsub.f32 v61, v62  }
0x22d: {  	v0 =	vld.msk @!p0 [tilespmem:s18+$0x30], $0xff;
	_ =	sdelay $0x4  }
0x22e: {  	v1 =	vshll.u32 @!p0 v0, $0x2  }
0x22f: {  	v2 =	vlaneseq.u32 @!p0;
	v0 =	vand.u32 @!p0 $0x7, v0;
	v1 =	vand.u32 @!p0 $0xFFFFFFE0, v1  }
0x230: {  	v0 =	vor.u32 @!p0 v0, v1;
	v1 =	vand.u32 @!p0 $0x7, v2;
	v2 =	vshrl.u32 @!p0 v2, $0x3  }
0x231: {  	v0 =	vperm.xlane @!p0 v0, v1;
	v1 =	vmul.u32 @!p0 $0x8, v2;
	_ =	sdelay $0x1  }
0x232: {  	v0 =	vadd.s32 @!p0 v1, v0;
	_ =	sdelay $0x2  }
0x233: {  	s18 =	sadd.s32 @!p0 $0x30, s18  }
0x234: {  	s19 =	simm.s32 @!p0 $0x0;
	s20 =	simm.s32 @!p0 $0x2080;
	s18 =	sadd.s32 @!p0 s5, s18  }
0x235: {  	[tilespmem:s20], [sflag:$0x3] =	stream.indirect_vreg.gather @!p0 [hbm4b:s3+s19], $0x80, v0, vm1, $0xb8;
	[tilespmem:$0x8100] =	vst v63  }
0x236: {  	s18 =	sshll.u32 @!p0 s18, $0x6;
	s20 =	simm.s32 @!p0 $0x2880  }
0x237: {  	[tilespmem:s20], [sflag:$0x3] =	stream.indirect_vreg.gather @!p0 [hbm4b:s7+s19], $0x80, v0, vm1, $0xb8;
	[tilespmem:$0x8100] =	vst v63  }
0x238: {  	s18 =	sadd.s32 @!p0 s1, s18;
	s20 =	simm.s32 @!p0 $0x6080  }
0x239: {  	[tilespmem:s20], [sflag:$0x7] =	stream.linear.gather @!p0 [hbm4b:s18+s19], $0x1000, $0x38;
	[tilespmem:$0x8100] =	vst v63  }
0x23a: {  	_ =	swait.ge [sflag:s0], $0x1000  }
0x23b: {  	[sflag:s0] =	ssyncset.done $0x0  }
0x23c: {  	[sflag:s0] =	ssyncadd.s32 $0xFFFFF000  }
0x23d: {  	_ =	swait.ge [sflag:s14], $0x1000  }
0x23e: {  	[sflag:s14] =	ssyncset.done $0x0  }
0x23f: {  	s21 =	simm.s32 $0xFFFFFC00;
	v2 =	vld [tilespmem:$0x1FEA0];
	[sflag:s14] =	ssyncadd.s32 $0xFFFFF000  }
0x240: {  	v0 =	vld [tilespmem:s21+$0x8080]  }
0x241: {  	v47 =	vld [tilespmem:s21+$0x40B0]  }
0x242: {  	v48 =	vld [tilespmem:s21+$0x80C0]  }
0x243: {  	v49 =	vld [tilespmem:s21+$0x40C0]  }
0x244: {  	v50 =	vld [tilespmem:s21+$0x80D0]  }
0x245: {  	v51 =	vld [tilespmem:s21+$0x40D0]  }
0x246: {  	v52 =	vld [tilespmem:s21+$0x80E0]  }
0x247: {  	v53 =	vld [tilespmem:s21+$0x40E0]  }
0x248: {  	v54 =	vld [tilespmem:s21+$0x80F0]  }
0x249: {  	v55 =	vld [tilespmem:s21+$0x40F0]  }
0x24a: {  	v56 =	vld [tilespmem:s21+$0x7C80]  }
0x24b: {  	v57 =	vld [tilespmem:s21+$0x3C80]  }
0x24c: {  	v58 =	vld [tilespmem:s21+$0x7C90]  }
0x24d: {  	v59 =	vld [tilespmem:s21+$0x3C90]  }
0x24e: {  	v60 =	vld [tilespmem:s21+$0x7CA0]  }
0x24f: {  	v61 =	vld [tilespmem:s21+$0x3CA0]  }
0x250: {  	v62 =	vld [tilespmem:s21+$0x7CB0]  }
0x251: {  	v63 =	vld [tilespmem:s21+$0x3CB0]  }
0x252: {  	v45 =	vld [tilespmem:s21+$0x7CC0]  }
0x253: {  	v43 =	vld [tilespmem:s21+$0x3CC0]  }
0x254: {  	v44 =	vld [tilespmem:s21+$0x7CD0]  }
0x255: {  	v1 =	vld [tilespmem:s21+$0x3CD0]  }
0x256: {  	v42 =	vld [tilespmem:s21+$0x7CE0]  }
0x257: {  	v3 =	vadd.f32 v39, v5;
	v5 =	vadd.f32 v40, v7;
	v7 =	vmul.f32 v27, v27;
	v46 =	vld [tilespmem:s21+$0x7CF0]  }
0x258: {  	v26 =	vmul.f32 v26, v26;
	v6 =	vadd.f32 v38, v6;
	v27 =	vld [tilespmem:s21+$0x7880]  }
0x259: {  	v3 =	vadd.f32 v36, v3;
	v5 =	vadd.f32 v7, v5;
	v36 =	vld [tilespmem:s21+$0x7890]  }
0x25a: {  	v6 =	vadd.f32 v26, v6;
	v26 =	vld [tilespmem:s21+$0x3890]  }
0x25b: {  	v3 =	vadd.f32 v29, v3;
	v7 =	vadd.f32 v30, v5;
	v29 =	vld [tilespmem:s21+$0x78A0]  }
0x25c: {  	v30 =	vld [tilespmem:s21+$0x38A0];
	v2 =	vadd.f32 v41, v2  }
0x25d: {  	v28 =	vadd.f32 v28, v6;
	v6 =	vadd.f32 v24, v7;
	v24 =	vld [tilespmem:s21+$0x38B0]  }
0x25e: {  	[tilespmem:$0x1FE30] =	vst v0;
	v0 =	vld [tilespmem:s21+$0x4080];
	v2 =	vadd.f32 v37, v2  }
0x25f: {  	v7 =	vadd.f32 v23, v28;
	v28 =	vld [tilespmem:s21+$0x78C0]  }
0x260: {  	v38 =	vld [tilespmem:s21+$0x7490];
	v2 =	vadd.f32 v31, v2  }
0x261: {  	v41 =	vld [tilespmem:s21+$0x3CF0]  }
0x262: {  	v37 =	vld [tilespmem:s21+$0x3880];
	v5 =	vadd.f32 v25, v2;
	v2 =	vadd.f32 v22, v3  }
0x263: {  	[tilespmem:$0x1FE40] =	vst v0;
	v0 =	vld [tilespmem:s21+$0x8090]  }
0x264: {  	[tilespmem:$0x1FE20] =	vst v2;
	v2 =	vld [tilespmem:$0x1FEB0]  }
0x265: {  	v40 =	vsub.f32 v48, v49;
	v49 =	vld [tilespmem:s21+$0x74A0]  }
0x266: {  	v48 =	vsub.f32 v50, v51;
	v51 =	vld [tilespmem:s21+$0x34A0]  }
0x267: {  	v23 =	vmul.f32 v35, v35;
	v1 =	vsub.f32 v44, v1;
	v44 =	vld [tilespmem:s21+$0x34D0];
	v3 =	vmul.f32 v32, v32  }
0x268: {  	v17 =	vmul.f32 v17, v17;
	v50 =	vsub.f32 v56, v57;
	v56 =	vld [tilespmem:s21+$0x34E0]  }
0x269: {  	v3 =	vadd.f32 v3, v8;
	v8 =	vmul.f32 v20, v20;
	[tilespmem:$0x1FE50] =	vst v0;
	v0 =	vld [tilespmem:s21+$0x4090];
	v20 =	vadd.f32 v23, v2  }
0x26a: {  	v31 =	vld [tilespmem:s21+$0x7480];
	v25 =	vmul.f32 v34, v34  }
0x26b: {  	v22 =	vld [tilespmem:s21+$0x78B0];
	v3 =	vadd.f32 v8, v3;
	v8 =	vmul.f32 v13, v13;
	v13 =	vadd.f32 v17, v20  }
0x26c: {  	v9 =	vadd.f32 v25, v9;
	v25 =	vmul.f32 v33, v33;
	v33 =	vld [tilespmem:s21+$0x3480]  }
0x26d: {  	v3 =	vadd.f32 v18, v3;
	v18 =	vmul.f32 v11, v11;
	v2 =	vld [tilespmem:$0x1FE30];
	v8 =	vadd.f32 v8, v13  }
0x26e: {  	v21 =	vmul.f32 v21, v21;
	[tilespmem:$0x1FE60] =	vst v0;
	v0 =	vld [tilespmem:s21+$0x80A0]  }
0x26f: {  	v11 =	vadd.f32 v14, v3;
	v3 =	vadd.f32 v18, v8;
	v8 =	vld [tilespmem:$0x1FE40]  }
0x270: {  	v16 =	vmul.f32 v16, v16;
	v4 =	vadd.f32 v25, v4;
	v9 =	vadd.f32 v21, v9;
	v21 =	vld [tilespmem:s21+$0x78D0]  }
0x271: {  	v25 =	vld [tilespmem:s21+$0x78F0]  }
0x272: {  	v4 =	vadd.f32 v16, v4;
	v16 =	vld [tilespmem:s21+$0x78E0]  }
0x273: {  	[tilespmem:$0x1FE70] =	vst v0;
	v0 =	vld [tilespmem:s21+$0x40A0]  }
0x274: {  	v32 =	vsub.f32 v2, v8;
	v2 =	vld [tilespmem:$0x1FE50]  }
0x275: {  	v8 =	vld [tilespmem:$0x1FE60]  }
0x276: {  	v9 =	vadd.f32 v19, v9;
	v19 =	vld [tilespmem:s21+$0x38E0]  }
0x277: {  	v23 =	vld [tilespmem:s21+$0x38C0]  }
0x278: {  	v14 =	vsub.f32 v46, v41;
	v41 =	vld [tilespmem:s21+$0x34C0]  }
0x279: {  	v12 =	vmul.f32 v12, v12;
	[tilespmem:$0x1FE80] =	vst v0;
	v0 =	vld [tilespmem:s21+$0x80B0]  }
0x27a: {  	v34 =	vsub.f32 v2, v8;
	v2 =	vld [tilespmem:$0x1FE70]  }
0x27b: {  	v10 =	vmul.f32 v10, v10;
	v12 =	vadd.f32 v12, v4;
	v8 =	vld [tilespmem:$0x1FE80]  }
0x27c: {  	v43 =	vsub.f32 v45, v43;
	v17 =	vld [tilespmem:s21+$0x38D0]  }
0x27d: {  	v10 =	vadd.f32 v10, v12;
	v12 =	vsub.f32 v54, v55;
	v54 =	vld [tilespmem:s21+$0x74B0]  }
0x27e: {  	v37 =	vsub.f32 v27, v37;
	v55 =	vsub.f32 v62, v63;
	v63 =	vld [tilespmem:s21+$0x34B0]  }
0x27f: {  	v4 =	vadd.f32 v15, v9;
	v9 =	vsub.f32 v22, v24;
	v62 =	vld [tilespmem:s21+$0x34F0];
	[tilespmem:$0x1FE90] =	vst v0  }
0x280: {  	v13 =	vsub.f32 v52, v53;
	v35 =	vsub.f32 v2, v8;
	v2 =	vld [tilespmem:$0x1FE90]  }
0x281: {  	v22 =	vmul.f32 v1, v1;
	v52 =	vsub.f32 v58, v59;
	v53 =	vsub.f32 v60, v61;
	v0 =	vld [tilespmem:s21+$0x3CE0]  }
0x282: {  	v19 =	vsub.f32 v16, v19;
	v16 =	vmul.f32 v40, v40;
	v61 =	vsub.f32 v49, v51;
	v18 =	vld [tilespmem:s21+$0x38F0]  }
0x283: {  	v60 =	vld [tilespmem:s21+$0x74F0];
	v20 =	vsub.f32 v28, v23;
	v28 =	vmul.f32 v53, v53;
	v27 =	vsub.f32 v21, v17  }
0x284: {  	v46 =	vld [tilespmem:s21+$0x74E0];
	v17 =	vmul.f32 v48, v48;
	v21 =	vmul.f32 v43, v43;
	v63 =	vsub.f32 v54, v63  }
0x285: {  	v24 =	vmul.f32 v34, v34;
	v34 =	vsub.f32 v31, v33;
	v39 =	vsub.f32 v2, v47;
	v47 =	vld [tilespmem:s21+$0x3490]  }
0x286: {  	v23 =	vmul.f32 v32, v32;
	v15 =	vsub.f32 v42, v0;
	v42 =	vsub.f32 v36, v26;
	v36 =	vld [tilespmem:s21+$0x74D0]  }
0x287: {  	v18 =	vsub.f32 v25, v18;
	v31 =	vmul.f32 v52, v52;
	v40 =	vmul.f32 v34, v34;
	v0 =	vld [tilespmem:s21+$0x74C0]  }
0x288: {  	v34 =	vsub.f32 v60, v62;
	v8 =	vsub.f32 v29, v30;
	v30 =	vmul.f32 v50, v50  }
0x289: {  	v29 =	vmul.f32 v55, v55;
	v25 =	vmul.f32 v35, v35;
	v35 =	vsub.f32 v46, v56  }
0x28a: {  	v26 =	vmul.f32 v39, v39;
	v39 =	vmul.f32 v63, v63;
	v59 =	vsub.f32 v38, v47  }
0x28b: {  	v32 =	vsub.f32 v36, v44;
	v36 =	vmul.f32 v37, v37;
	v37 =	vmul.f32 v42, v42  }
0x28c: {  	s18 =	simm.s32 $0xFFFFF200;
	v33 =	vsub.f32 v0, v41;
	v38 =	vmul.f32 v61, v61;
	v41 =	vmul.f32 v59, v59  }
.LBB2_9:
0x28d: {  	s19 =	sshra.s32 s18, $0x2;
	v1 =	vld [tilespmem:$0x1FE20]  }
0x28e: {  	v2 =	vmul.f32 v8, v8;
	v8 =	vld [tilespmem:s19+$0x8080]  }
0x28f: {  	v62 =	vmul.f32 v20, v20;
	v20 =	vld [tilespmem:s19+$0x8090]  }
0x290: {  	v63 =	vld [tilespmem:s19+$0x4090]  }
0x291: {  	v42 =	vld [tilespmem:s19+$0x3880]  }
0x292: {  	v43 =	vld [tilespmem:s19+$0x7890]  }
0x293: {  	v44 =	vld [tilespmem:s19+$0x3890]  }
0x294: {  	v45 =	vld [tilespmem:s19+$0x78A0]  }
0x295: {  	v46 =	vld [tilespmem:s19+$0x38A0]  }
0x296: {  	v47 =	vld [tilespmem:s19+$0x78B0]  }
0x297: {  	v48 =	vld [tilespmem:s19+$0x38B0]  }
0x298: {  	v49 =	vld [tilespmem:s19+$0x78C0]  }
0x299: {  	v50 =	vld [tilespmem:s19+$0x38C0]  }
0x29a: {  	v51 =	vld [tilespmem:s19+$0x78D0]  }
0x29b: {  	v52 =	vld [tilespmem:s19+$0x38D0]  }
0x29c: {  	v53 =	vld [tilespmem:s19+$0x78E0]  }
0x29d: {  	v54 =	vld [tilespmem:s19+$0x38E0]  }
0x29e: {  	v55 =	vld [tilespmem:s19+$0x78F0]  }
0x29f: {  	v56 =	vld [tilespmem:s19+$0x38F0]  }
0x2a0: {  	v57 =	vld [tilespmem:s19+$0x7480]  }
0x2a1: {  	v33 =	vmul.f32 v33, v33;
	v59 =	vld [tilespmem:s19+$0x3480]  }
0x2a2: {  	v61 =	vld [tilespmem:s19+$0x3490]  }
0x2a3: {  	v4 =	vadd.f32 v33, v4;
	v33 =	vld [tilespmem:s19+$0x3CC0];
	v0 =	vadd.f32 v40, v5  }
0x2a4: {  	v5 =	vadd.f32 v38, v6;
	v6 =	vadd.f32 v39, v7;
	v7 =	vmul.f32 v9, v9;
	v9 =	vld [tilespmem:s19+$0x4080]  }
0x2a5: {  	v38 =	vld [tilespmem:s19+$0x3CE0]  }
0x2a6: {  	v39 =	vld [tilespmem:s19+$0x7CF0]  }
0x2a7: {  	v40 =	vld [tilespmem:s19+$0x3CF0]  }
0x2a8: {  	v1 =	vadd.f32 v41, v1;
	v4 =	vadd.f32 v62, v4;
	v41 =	vld [tilespmem:s19+$0x7880]  }
0x2a9: {  	v0 =	vadd.f32 v36, v0;
	v36 =	vld [tilespmem:s19+$0x7CE0]  }
0x2aa: {  	v4 =	vadd.f32 v21, v4;
	v21 =	vld [tilespmem:s19+$0x7C90]  }
0x2ab: {  	v1 =	vadd.f32 v37, v1;
	v37 =	vsub.f32 v20, v63;
	v63 =	vld [tilespmem:s19+$0x74A0]  }
0x2ac: {  	v2 =	vadd.f32 v2, v5;
	v20 =	vsub.f32 v49, v50;
	v50 =	vld [tilespmem:s19+$0x34D0]  }
0x2ad: {  	v5 =	vadd.f32 v7, v6;
	v0 =	vadd.f32 v30, v0;
	v30 =	vld [tilespmem:s19+$0x80A0]  }
0x2ae: {  	v6 =	vadd.f32 v28, v2;
	v28 =	vld [tilespmem:s19+$0x40A0]  }
0x2af: {  	v7 =	vadd.f32 v29, v5;
	v29 =	vmul.f32 v35, v35;
	v35 =	vld [tilespmem:s19+$0x3CD0]  }
0x2b0: {  	v5 =	vld [tilespmem:s19+$0x74B0]  }
0x2b1: {  	v4 =	vadd.f32 v16, v4;
	v16 =	vld [tilespmem:s19+$0x7C80]  }
0x2b2: {  	v1 =	vadd.f32 v31, v1;
	v31 =	vmul.f32 v32, v32;
	v32 =	vld [tilespmem:s19+$0x7CC0]  }
0x2b3: {  	v0 =	vadd.f32 v23, v0;
	v23 =	vld [tilespmem:s19+$0x40B0]  }
0x2b4: {  	v6 =	vadd.f32 v25, v6;
	v25 =	vld [tilespmem:s19+$0x80D0]  }
0x2b5: {  	v7 =	vadd.f32 v26, v7;
	v26 =	vld [tilespmem:s19+$0x7CA0]  }
0x2b6: {  	v3 =	vadd.f32 v29, v3;
	v29 =	vld [tilespmem:s19+$0x7CB0]  }
0x2b7: {  	v19 =	vmul.f32 v19, v19;
	v11 =	vadd.f32 v31, v11;
	v31 =	vld [tilespmem:s19+$0x3CB0]  }
0x2b8: {  	[tilespmem:$0x1FE10] =	vst v0;
	v0 =	vadd.f32 v24, v1;
	v24 =	vld [tilespmem:s19+$0x80C0]  }
0x2b9: {  	v27 =	vmul.f32 v27, v27;
	v3 =	vadd.f32 v19, v3;
	v19 =	vld [tilespmem:s19+$0x80E0]  }
0x2ba: {  	v1 =	vmul.f32 v34, v34;
	v34 =	vld [tilespmem:s19+$0x7CD0]  }
0x2bb: {  	v11 =	vadd.f32 v27, v11;
	v27 =	vld [tilespmem:s19+$0x3CA0]  }
0x2bc: {  	v28 =	vsub.f32 v30, v28;
	v30 =	vld [tilespmem:s19+$0x7490]  }
0x2bd: {  	v15 =	vmul.f32 v15, v15;
	[tilespmem:$0x1FE20] =	vst v0;
	v0 =	vld [tilespmem:s19+$0x80B0];
	v1 =	vadd.f32 v1, v10;
	v10 =	vmul.f32 v18, v18  }
0x2be: {  	v58 =	vsub.f32 v8, v9;
	v8 =	vsub.f32 v45, v46;
	v18 =	vld [tilespmem:s19+$0x40C0]  }
0x2bf: {  	v3 =	vadd.f32 v15, v3;
	v15 =	vld [tilespmem:s19+$0x80F0];
	v1 =	vadd.f32 v10, v1;
	v10 =	vmul.f32 v14, v14  }
0x2c0: {  	v13 =	vmul.f32 v13, v13;
	v9 =	vsub.f32 v47, v48;
	v11 =	vadd.f32 v22, v11;
	v22 =	vld [tilespmem:s19+$0x3C90]  }
0x2c1: {  	v32 =	vsub.f32 v32, v33;
	v14 =	vld [tilespmem:s19+$0x40D0];
	v1 =	vadd.f32 v10, v1;
	v10 =	vmul.f32 v12, v12  }
0x2c2: {  	v3 =	vadd.f32 v13, v3;
	v29 =	vsub.f32 v29, v31;
	v12 =	vld [tilespmem:s19+$0x40E0]  }
0x2c3: {  	v11 =	vadd.f32 v17, v11;
	v10 =	vadd.f32 v10, v1;
	v1 =	vld [tilespmem:s19+$0x40F0]  }
0x2c4: {  	v33 =	vld [tilespmem:s19+$0x34B0];
	v34 =	vsub.f32 v34, v35;
	v0 =	vsub.f32 v0, v23  }
0x2c5: {  	v17 =	vld [tilespmem:s19+$0x3C80];
	v60 =	vsub.f32 v24, v18;
	v18 =	vsub.f32 v55, v56  }
0x2c6: {  	v35 =	vld [tilespmem:s19+$0x74C0];
	v23 =	vmul.f32 v58, v58;
	v58 =	vsub.f32 v57, v59;
	v21 =	vsub.f32 v21, v22  }
0x2c7: {  	v59 =	vld [tilespmem:s19+$0x34E0];
	v22 =	vsub.f32 v26, v27;
	v62 =	vsub.f32 v25, v14  }
0x2c8: {  	v29 =	vmul.f32 v29, v29;
	v13 =	vsub.f32 v19, v12;
	v12 =	vsub.f32 v15, v1;
	v1 =	vld [tilespmem:s19+$0x34A0]  }
0x2c9: {  	v24 =	vmul.f32 v37, v37;
	v14 =	vsub.f32 v39, v40;
	v39 =	vsub.f32 v43, v44;
	v40 =	vld [tilespmem:s19+$0x74D0]  }
0x2ca: {  	v25 =	vmul.f32 v28, v28;
	v26 =	vmul.f32 v0, v0;
	v0 =	vsub.f32 v30, v61;
	v61 =	vld [tilespmem:s19+$0x74F0]  }
0x2cb: {  	v2 =	vsub.f32 v16, v17;
	v16 =	vmul.f32 v60, v60;
	v19 =	vsub.f32 v53, v54;
	v54 =	vld [tilespmem:s19+$0x74E0]  }
0x2cc: {  	v31 =	vmul.f32 v21, v21;
	v28 =	vmul.f32 v22, v22;
	v15 =	vsub.f32 v36, v38;
	v38 =	vld [tilespmem:s19+$0x34C0]  }
0x2cd: {  	p0 =	sne.s32 s18, $0xFFFFFE00;
	v21 =	vmul.f32 v32, v32;
	v22 =	vmul.f32 v34, v34;
	v1 =	vsub.f32 v63, v1;
	v63 =	vld [tilespmem:s19+$0x34F0]  }
.Ltmp3:
0x2ce: {  	v27 =	vsub.f32 v51, v52;
	v17 =	vmul.f32 v62, v62;
	v37 =	vmul.f32 v39, v39;
	(pc) =	sbr.rel @p0 .LBB2_9-.Ltmp3, $4  }
0x2cf: {  	v30 =	vmul.f32 v2, v2;
	v2 =	vsub.f32 v5, v33;
	v36 =	vsub.f32 v41, v42  }
0x2d0: {  	v41 =	vmul.f32 v0, v0;
	v32 =	vsub.f32 v40, v50;
	v40 =	vmul.f32 v58, v58  }
0x2d1: {  	v39 =	vmul.f32 v2, v2;
	v36 =	vmul.f32 v36, v36;
	v33 =	vsub.f32 v35, v38  }
0x2d2: {  	s18 =	sadd.s32 $0x200, s18;
	v5 =	vld [tilespmem:$0x1FE10];
	v35 =	vsub.f32 v54, v59;
	v38 =	vmul.f32 v1, v1;
	v34 =	vsub.f32 v61, v63  }
0x2d3: {  	v1 =	vld [tilespmem:$0x1FE20]  }
0x2d4: {  	v63 =	vmul.f32 v35, v35;
	_ =	sdelay $0x1  }
0x2d5: {  	v3 =	vadd.f32 v63, v3  }
0x2d6: {  	v2 =	vmul.f32 v8, v8;
	v0 =	vadd.f32 v40, v5;
	v5 =	vadd.f32 v38, v6  }
0x2d7: {  	v6 =	vadd.f32 v39, v7;
	v7 =	vmul.f32 v9, v9;
	v1 =	vadd.f32 v41, v1  }
0x2d8: {  	v0 =	vadd.f32 v36, v0;
	v2 =	vadd.f32 v2, v5  }
0x2d9: {  	v5 =	vadd.f32 v7, v6;
	v1 =	vadd.f32 v37, v1  }
0x2da: {  	v20 =	vmul.f32 v20, v20;
	v0 =	vadd.f32 v30, v0;
	v2 =	vadd.f32 v28, v2  }
0x2db: {  	v62 =	vmul.f32 v32, v32;
	v5 =	vadd.f32 v29, v5;
	v1 =	vadd.f32 v31, v1  }
0x2dc: {  	v33 =	vmul.f32 v33, v33;
	v9 =	vadd.f32 v23, v0;
	v7 =	vadd.f32 v25, v2  }
0x2dd: {  	v0 =	vmul.f32 v34, v34;
	v6 =	vadd.f32 v26, v5;
	v2 =	vadd.f32 v62, v11  }
0x2de: {  	v27 =	vmul.f32 v27, v27;
	v8 =	vadd.f32 v24, v1;
	v1 =	vadd.f32 v33, v4  }
0x2df: {  	s17 =	sadd.s32 $0x1, s17;
	v5 =	vmul.f32 v18, v18;
	v4 =	vmul.f32 v19, v19;
	v0 =	vadd.f32 v0, v10  }
0x2e0: {  	p0 =	sne.s32 s17, $0x4;
	v2 =	vadd.f32 v27, v2;
	v10 =	vmul.f32 v15, v15;
	v1 =	vadd.f32 v20, v1  }
.Ltmp4:
0x2e1: {  	v3 =	vadd.f32 v4, v3;
	v4 =	vmul.f32 v14, v14;
	v0 =	vadd.f32 v5, v0;
	(pc) =	sbr.rel @p0 .LBB2_2-.Ltmp4, $4  }
0x2e2: {  	v11 =	vmul.f32 v13, v13;
	v2 =	vadd.f32 v22, v2;
	v1 =	vadd.f32 v21, v1  }
0x2e3: {  	v3 =	vadd.f32 v10, v3;
	v0 =	vadd.f32 v4, v0;
	v4 =	vmul.f32 v12, v12  }
0x2e4: {  	v2 =	vadd.f32 v17, v2;
	v5 =	vadd.f32 v16, v1  }
0x2e5: {  	v10 =	vadd.f32 v11, v3;
	v3 =	vadd.f32 v4, v0  }
0x2e6: {  	v0 =	vadd.f32 v8, v9;
	v1 =	vadd.f32 v6, v7  }
0x2e7: {  	v2 =	vadd.f32 v2, v5;
	v3 =	vadd.f32 v3, v10;
	_ =	sdelay $0x1  }
0x2e8: {  	v0 =	vadd.f32 v1, v0;
	v63 =	vadd.f32 v3, v2;
	_ =	sdelay $0x1  }
0x2e9: {  	s16 =	sadd.s32 $0x1, s16;
	v0 =	vadd.f32 v63, v0  }
0x2ea: {  	p0 =	sne.s32 s16, s12  }
.Ltmp5:
0x2eb: {  	[tilespmem:$0x8080] =	vst v0;
	(pc) =	sbr.rel @p0 .LBB2_1-.Ltmp5, $4  }
0x2ec: {  	[hbm4b:s11+s4] =	stream.linear.scatter [tilespmem:s15], [sflag:$0x9], $0x80, $0x38;
	[tilespmem:$0x8100] =	vst v63  }
0x2ed: {  	_ =	swait.ge [sflag:s13], $0x80  }
0x2ee: {  	[sflag:s13] =	ssyncset.done $0x0  }
0x2ef: {  	[sflag:s13] =	ssyncadd.s32 $0xFFFFFF80  }
0x2f0: {  	_ =	sfence.sel $0x180000  }
0x2f1: {  	[bflag:$0x0] =	sbarrier.arrive $0xFFFF  }
0x2f2: {  	_ =	strace $0x90000047  }
0x2f3: {  	s0 =	stileid.u32;
	[bflag:$0x2] =	sbarrier.arrive $0xFFFF  }
0x2f4: {  	p0 =	sne.s32 s0, $0x0;
	s0 =	rddreg [dreg:$0x4]  }
0x2f5: {  	s0 =	sadd.s32 @!p0 $0x100000, s0  }
0x2f6: {  	[sflag:s0] =	ssyncadd.tile.s32 @!p0 $0x1;
	_ =	shalt  }
.Lfunc_end2:
_tile_overlayer_lowered:
.L_overlay_start_2:
0x2f7: {  	(tag) =	ssettag $0x2  }
0x2f8: {  	s0 =	rddreg [dreg:$0x0];
	s2 =	stileid.u32  }
0x2f9: {  	s1 =	rddreg [dreg:$0x1];
	p0 =	sne.s32 s2, $0x0  }
0x2fa: {  	s3 =	rddreg [dreg:$0x2];
	[bflag:$0x3] =	sbarrier.arrive $0xFFFF;
	s2 =	simm.s32 @!p0 $0x1C09  }
0x2fb: {  	[timem:s3], [sflag:s2] =	dma.local @!p0 [hbm:s0], s1  }
0x2fc: {  	s0 =	simm.s32 @!p0 $0x9  }
0x2fd: {  	_ =	swait.ge @!p0 [sflag:s0], s1  }
0x2fe: {  	s1 =	ssub.s32 @!p0 $0x0, s1;
	[sflag:s0] =	ssyncset.done @!p0 $0x0  }
0x2ff: {  	[sflag:s0] =	ssyncadd.s32 @!p0 s1  }
0x300: {  	[bflag:$0x3] =	sbarrier.arrive $0xFFFF  }
0x301: {  	_ =	shalt  }

</sc_bundles>
